<compile_context>
chip_gen: v7x
topology: tpu7x:2x2x1
jax: 0.10.2.dev20260603
libtpu: 0.0.44.dev20260713+nightly
codegen_flags: <defaults>
</compile_context>

<pallas_src>
import math

import jax
import jax.numpy as jnp
from jax import lax
from jax.experimental import pallas as pl
from jax.experimental.pallas import tpu as pltpu
from jax.experimental.pallas import tpu_sc as plsc

_N = 10000
_E = 160000
_H = 128
_TDIM = 64
_B = 256

_NPAD = 10240
_DUMMY = _N
_NSC = 2
_NSUB = 16
_NTILES = _NSC * _NSUB
_CHUNK = 128
_NCH = 40
_EPAD = _NTILES * _NCH * _CHUNK
_RPT = _NPAD // _NSUB

_mesh = plsc.VectorSubcoreMesh(core_axis_name="c", subcore_axis_name="s")


def _deg_body(dst_hbm, ones_hbm, zeros_hbm, out_hbm, didx_v, ones_v, acc_sh,
              sem_s):
    cid = lax.axis_index("c")
    sid = lax.axis_index("s")
    wid = cid * _NSUB + sid
    pltpu.sync_copy(zeros_hbm, acc_sh.at[pl.ds(sid * _RPT, _RPT)])
    pltpu.sync_copy(ones_hbm, ones_v)
    pltpu.sync_copy(dst_hbm.at[wid], didx_v)
    plsc.subcore_barrier()

    def body(b, carry):
        cps = [pltpu.async_copy(ones_v, acc_sh.at[didx_v.at[b * 8 + t]],
                                sem_s, add=True) for t in range(8)]
        for cp in cps:
            cp.wait()
        return carry

    lax.fori_loop(0, _NCH // 8, body, 0)
    plsc.subcore_barrier()
    pltpu.sync_copy(acc_sh.at[pl.ds(sid * _RPT, _RPT)],
                    out_hbm.at[cid, pl.ds(sid * _RPT, _RPT)])


_deg_call = pl.kernel(
    _deg_body,
    out_type=jax.ShapeDtypeStruct((_NSC, _NPAD, _H), jnp.float32),
    mesh=_mesh,
    scratch_types=[
        pltpu.VMEM((_NCH, _CHUNK), jnp.int32),
        pltpu.VMEM((_CHUNK, _H), jnp.float32),
        pltpu.VMEM_SHARED((_NPAD, _H), jnp.float32),
        pltpu.SemaphoreType.DMA,
    ],
)


def _spmm_body(y_hbm, src_hbm, dst_hbm, zeros_hbm, out_hbm,
               sidx_v, didx_v, rows0, rows1, acc_sh, g0, g1, sem_s):
    cid = lax.axis_index("c")
    sid = lax.axis_index("s")
    wid = cid * _NSUB + sid
    rows = (rows0, rows1)
    gsems = (g0, g1)
    pltpu.sync_copy(zeros_hbm, acc_sh.at[pl.ds(sid * _RPT, _RPT)])
    pltpu.sync_copy(src_hbm.at[wid], sidx_v)
    pltpu.sync_copy(dst_hbm.at[wid], didx_v)
    plsc.subcore_barrier()
    for p in range(2):
        pltpu.async_copy(y_hbm.at[sidx_v.at[p]], rows[p], gsems[p])

    def body(k, carry):
        for p in range(2):
            j = k * 2 + p
            pltpu.make_async_copy(y_hbm.at[sidx_v.at[j]], rows[p],
                                  gsems[p]).wait()
            pltpu.async_copy(rows[p], acc_sh.at[didx_v.at[j]], sem_s,
                             add=True).wait()

            @pl.when(k < _NCH // 2 - 1)
            def _():
                pltpu.async_copy(y_hbm.at[sidx_v.at[j + 2]], rows[p], gsems[p])

        return carry

    lax.fori_loop(0, _NCH // 2, body, 0)
    plsc.subcore_barrier()
    pltpu.sync_copy(acc_sh.at[pl.ds(sid * _RPT, _RPT)],
                    out_hbm.at[cid, pl.ds(sid * _RPT, _RPT)])


_spmm_call = pl.kernel(
    _spmm_body,
    out_type=jax.ShapeDtypeStruct((_NSC, _NPAD, _H), jnp.float32),
    mesh=_mesh,
    scratch_types=(
        [pltpu.VMEM((_NCH, _CHUNK), jnp.int32)] * 2
        + [pltpu.VMEM((_CHUNK, _H), jnp.float32)] * 2
        + [pltpu.VMEM_SHARED((_NPAD, _H), jnp.float32)]
        + [pltpu.SemaphoreType.DMA] * 3
    ),
)


def _edge_body(p_hbm, q_hbm, src_hbm, dst_hbm, out_hbm,
               sidx_v, didx_v, pb0, pb1, qb0, qb1, rb0, rb1,
               gp0, gp1, gq0, gq1, w0, w1):
    cid = lax.axis_index("c")
    sid = lax.axis_index("s")
    wid = cid * _NSUB + sid
    pbufs, qbufs, rbufs = (pb0, pb1), (qb0, qb1), (rb0, rb1)
    gpsems, gqsems, wsems = (gp0, gp1), (gq0, gq1), (w0, w1)
    pltpu.sync_copy(src_hbm.at[wid], sidx_v)
    pltpu.sync_copy(dst_hbm.at[wid], didx_v)
    for p in range(2):
        pltpu.async_copy(p_hbm.at[sidx_v.at[p]], pbufs[p], gpsems[p])
        pltpu.async_copy(q_hbm.at[didx_v.at[p]], qbufs[p], gqsems[p])

    def body(k, carry):
        for p in range(2):
            j = k * 2 + p
            pb, qb, rb = pbufs[p], qbufs[p], rbufs[p]
            pltpu.make_async_copy(p_hbm.at[sidx_v.at[j]], pb, gpsems[p]).wait()
            pltpu.make_async_copy(q_hbm.at[didx_v.at[j]], qb, gqsems[p]).wait()

            @pl.when(k > 0)
            def _():
                pltpu.make_async_copy(
                    rb, out_hbm.at[pl.ds(0, _CHUNK)], wsems[p]).wait()

            def rbody(r, c2):
                for c in range(_H // 16):
                    sl = pl.ds(c * 16, 16)
                    rb[r, sl] = pb[r, sl] + qb[r, sl]
                return c2

            lax.fori_loop(0, _CHUNK, rbody, 0)
            pltpu.async_copy(
                rb, out_hbm.at[pl.ds((wid * _NCH + j) * _CHUNK, _CHUNK)],
                wsems[p])

            @pl.when(k < _NCH // 2 - 1)
            def _():
                pltpu.async_copy(p_hbm.at[sidx_v.at[j + 2]], pb, gpsems[p])
                pltpu.async_copy(q_hbm.at[didx_v.at[j + 2]], qb, gqsems[p])

        return carry

    lax.fori_loop(0, _NCH // 2, body, 0)
    for p in range(2):
        pltpu.make_async_copy(rbufs[p], out_hbm.at[pl.ds(0, _CHUNK)],
                              wsems[p]).wait()


_edge_call = pl.kernel(
    _edge_body,
    out_type=jax.ShapeDtypeStruct((_EPAD, _H), jnp.float32),
    mesh=_mesh,
    scratch_types=(
        [pltpu.VMEM((_NCH, _CHUNK), jnp.int32)] * 2
        + [pltpu.VMEM((_CHUNK, _H), jnp.float32)] * 6
        + [pltpu.SemaphoreType.DMA] * 6
    ),
)


_RB = 512
_GRID = _NPAD // _RB


def _dis_from(degp_ref):
    deg = degp_ref[0, :, 0:1] + degp_ref[1, :, 0:1] + 1.0
    return lax.rsqrt(deg)


def _tc1_body(x_ref, w1_ref, degp_ref, y1_ref):
    dis = _dis_from(degp_ref)
    y1_ref[...] = jnp.dot(x_ref[...], w1_ref[...],
                          preferred_element_type=jnp.float32) * dis


def _tc2_body(zp_ref, y1_ref, degp_ref, w2_ref, b1_ref, y2_ref):
    dis = _dis_from(degp_ref)
    h1 = jnp.maximum(
        (zp_ref[0] + zp_ref[1] + y1_ref[...]) * dis + b1_ref[...], 0.0)
    y2_ref[...] = jnp.dot(h1, w2_ref[...],
                          preferred_element_type=jnp.float32) * dis


def _tc3_body(zp_ref, y2_ref, degp_ref, b2_ref, tg_ref, bv_ref,
              wt_ref, bt_ref, wn_ref, bn_ref, we1t_ref, we1b_ref, be1_ref,
              nl_ref, p_ref, q_ref):
    dis = _dis_from(degp_ref)
    h2 = jnp.maximum(
        (zp_ref[0] + zp_ref[1] + y2_ref[...]) * dis + b2_ref[...], 0.0)
    half = _TDIM // 2
    k = lax.broadcasted_iota(jnp.int32, (1, half), 1).astype(jnp.float32)
    freqs = jnp.exp(k * (-math.log(10000.0) / half))
    args = tg_ref[...] * freqs
    emb = jnp.concatenate([jnp.sin(args), jnp.cos(args)], axis=-1)
    pre = jnp.dot(emb, wt_ref[...], preferred_element_type=jnp.float32) + bt_ref[...]
    temb = pre * (1.0 / (1.0 + jnp.exp(-pre)))
    bv = bv_ref[0, 0, :]
    onehot = (bv[:, None] == lax.broadcasted_iota(jnp.int32, (_RB, _B), 1)
              ).astype(jnp.float32)
    h = h2 + jnp.dot(onehot, temb, preferred_element_type=jnp.float32)
    nl_ref[...] = jnp.dot(h, wn_ref[...], preferred_element_type=jnp.float32) + bn_ref[...]
    p_ref[...] = jnp.dot(h, we1t_ref[...], preferred_element_type=jnp.float32) + be1_ref[...]
    q_ref[...] = jnp.dot(h, we1b_ref[...], preferred_element_type=jnp.float32)


_EB = 2048


def _tc4_body(r_ref, we2_ref, be2_ref, out_ref):
    r = r_ref[...]
    s = r * (1.0 / (1.0 + jnp.exp(-r)))
    out_ref[...] = jnp.dot(s, we2_ref[...],
                           preferred_element_type=jnp.float32) + be2_ref[...]


def _row_spec():
    return pl.BlockSpec((_RB, _H), lambda i: (i, 0))


def _full(shape):
    return pl.BlockSpec(shape, lambda i: tuple(0 for _ in shape))


_degp_spec = pl.BlockSpec((_NSC, _RB, _H), lambda i: (0, i, 0))
_zp_spec = pl.BlockSpec((_NSC, _RB, _H), lambda i: (0, i, 0))


def kernel(node_x_oh, edge_index, t_graph, batch_vec,
           W1, b1, W2, b2, Wt, bt, Wn, bn, We1, be1, We2, be2):
    f32 = jnp.float32
    x = jnp.pad(node_x_oh, ((0, _NPAD - _N), (0, 0)))
    pad = jnp.full((_EPAD - _E,), _DUMMY, jnp.int32)
    src_r = jnp.concatenate([edge_index[0], pad]).reshape(_NTILES, _NCH, _CHUNK)
    dst_r = jnp.concatenate([edge_index[1], pad]).reshape(_NTILES, _NCH, _CHUNK)
    batch_r = jnp.pad(batch_vec, (0, _NPAD - _N)).reshape(_GRID, 1, _RB)
    tg = t_graph.reshape(_B, 1)
    onesH = jnp.ones((_CHUNK, _H), f32)
    zerosH = jnp.zeros((_RPT, _H), f32)
    b1r = b1.reshape(1, _H)
    b2r = b2.reshape(1, _H)
    btr = bt.reshape(1, _H)
    bnr = bn.reshape(1, _H)
    be1r = be1.reshape(1, _H)
    be2r = be2.reshape(1, 16)
    We1t = We1[:_H]
    We1b = We1[_H:]

    degp = _deg_call(dst_r, onesH, zerosH)

    y1 = pl.pallas_call(
        _tc1_body,
        grid=(_GRID,),
        in_specs=[_row_spec(), _full((_H, _H)), _degp_spec],
        out_specs=_row_spec(),
        out_shape=jax.ShapeDtypeStruct((_NPAD, _H), f32),
    )(x, W1, degp)

    z1 = _spmm_call(y1, src_r, dst_r, zerosH)

    y2 = pl.pallas_call(
        _tc2_body,
        grid=(_GRID,),
        in_specs=[_zp_spec, _row_spec(), _degp_spec, _full((_H, _H)),
                  _full((1, _H))],
        out_specs=_row_spec(),
        out_shape=jax.ShapeDtypeStruct((_NPAD, _H), f32),
    )(z1, y1, degp, W2, b1r)

    z2 = _spmm_call(y2, src_r, dst_r, zerosH)

    nl, p, q = pl.pallas_call(
        _tc3_body,
        grid=(_GRID,),
        in_specs=[_zp_spec, _row_spec(), _degp_spec, _full((1, _H)),
                  _full((_B, 1)), pl.BlockSpec((1, 1, _RB), lambda i: (i, 0, 0)),
                  _full((_TDIM, _H)), _full((1, _H)),
                  _full((_H, _H)), _full((1, _H)),
                  _full((_H, _H)), _full((_H, _H)), _full((1, _H))],
        out_specs=[_row_spec(), _row_spec(), _row_spec()],
        out_shape=[jax.ShapeDtypeStruct((_NPAD, _H), f32)] * 3,
    )(z2, y2, degp, b2r, tg, batch_r, Wt, btr, Wn, bnr, We1t, We1b, be1r)

    r = _edge_call(p, q, src_r, dst_r)

    el = pl.pallas_call(
        _tc4_body,
        grid=(_EPAD // _EB,),
        in_specs=[pl.BlockSpec((_EB, _H), lambda i: (i, 0)),
                  _full((_H, 16)), _full((1, 16))],
        out_specs=pl.BlockSpec((_EB, 16), lambda i: (i, 0)),
        out_shape=jax.ShapeDtypeStruct((_EPAD, 16), f32),
    )(r, We2, be2r)

    return (nl[:_N], el[:_E])

# --- scband reference (transcript-rebuilt; emitter-appended) ---
"""Pipeline reference for scband-di-gress-gnn-34213709480162 (READ-ONLY COPY).

The authoritative reference and input builder live on the scoring server;
editing this copy changes nothing except your own understanding.
"""

import jax, jax.numpy as jnp
import numpy as np
import math

N = 10000
E = 160000
N_ATOM = 128
N_BOND = 16
HIDDEN = 128
TDIM = 64
B = 256


def setup_inputs(seed: int = 0) -> dict:
    key = jax.random.key(seed)
    ks = jax.random.split(key, 20)
    node_x_oh = jax.random.uniform(ks[0], (N, N_ATOM), dtype=jnp.float32)
    edge_index = jax.random.randint(ks[1], (2, E), 0, N, dtype=jnp.int32)
    t_graph = jax.random.uniform(ks[2], (B,), dtype=jnp.float32) * 1000.0
    batch_vec = jnp.sort(jax.random.randint(ks[3], (N,), 0, B, dtype=jnp.int32))
    def lin(k, fan_in, fan_out):
        return jax.random.normal(k, (fan_in, fan_out), dtype=jnp.float32) / math.sqrt(fan_in)
    W1 = lin(ks[4], N_ATOM, HIDDEN); b1 = jnp.zeros((HIDDEN,), jnp.float32)
    W2 = lin(ks[5], HIDDEN, HIDDEN); b2 = jnp.zeros((HIDDEN,), jnp.float32)
    Wt = lin(ks[6], TDIM, HIDDEN); bt = jnp.zeros((HIDDEN,), jnp.float32)
    Wn = lin(ks[7], HIDDEN, N_ATOM); bn = jnp.zeros((N_ATOM,), jnp.float32)
    We1 = lin(ks[8], 2 * HIDDEN, HIDDEN); be1 = jnp.zeros((HIDDEN,), jnp.float32)
    We2 = lin(ks[9], HIDDEN, N_BOND); be2 = jnp.zeros((N_BOND,), jnp.float32)
    return {"node_x_oh": node_x_oh, "edge_index": edge_index, "t_graph": t_graph,
            "batch_vec": batch_vec, "W1": W1, "b1": b1, "W2": W2, "b2": b2,
            "Wt": Wt, "bt": bt, "Wn": Wn, "bn": bn,
            "We1": We1, "be1": be1, "We2": We2, "be2": be2}


def _gcn_conv(x, edge_index, W, b, num_nodes):
    # PyG GCNConv: lin (no bias) -> add self loops -> sym norm -> scatter-add -> + bias
    x = x @ W
    loop = jnp.arange(num_nodes, dtype=edge_index.dtype)
    src = jnp.concatenate([edge_index[0], loop])
    dst = jnp.concatenate([edge_index[1], loop])
    ones = jnp.ones(src.shape[0], dtype=x.dtype)
    deg = jnp.zeros((num_nodes,), dtype=x.dtype).at[dst].add(ones)
    deg_inv_sqrt = jnp.where(deg > 0, 1.0 / jnp.sqrt(deg), 0.0)
    norm = deg_inv_sqrt[src] * deg_inv_sqrt[dst]
    msg = x[src] * norm[:, None]
    out = jnp.zeros_like(x).at[dst].add(msg)
    return out + b


def _sin_time_embed(t_graph, dim):
    half = dim // 2
    freqs = jnp.exp(jnp.arange(half, dtype=jnp.float32) * (-math.log(10000.0) / half))
    args = t_graph[:, None].astype(jnp.float32) * freqs[None, :]
    return jnp.concatenate([jnp.sin(args), jnp.cos(args)], axis=-1)


def reference(node_x_oh, edge_index, t_graph, batch_vec,
              W1, b1, W2, b2, Wt, bt, Wn, bn, We1, be1, We2, be2):
    num_nodes = node_x_oh.shape[0]
    h = jax.nn.relu(_gcn_conv(node_x_oh, edge_index, W1, b1, num_nodes))
    h = jax.nn.relu(_gcn_conv(h, edge_index, W2, b2, num_nodes))
    temb = jax.nn.silu(_sin_time_embed(t_graph, TDIM) @ Wt + bt)
    h = h + temb[batch_vec]
    node_logits = h @ Wn + bn
    src, dst = edge_index[0], edge_index[1]
    edge_h = jnp.concatenate([h[src], h[dst]], axis=-1)
    edge_logits = jax.nn.silu(edge_h @ We1 + be1) @ We2 + be2
    return (node_logits, edge_logits)

if __name__ == "__main__":
    import jax
    _d = setup_inputs()
    print(jax.jit(kernel)(*tuple(_d.values())))

</pallas_src>

<mosaic_0001>
#map = affine_map<(d0, d1) -> (0, 0, 0)>
#map1 = affine_map<(d0, d1) -> (0, 0)>
module attributes {stable_mosaic.version = 14 : i64} {
  func.func @_deg_body(%arg0: i32, %arg1: i32, %arg2: memref<32x40x128xi32, #tpu.memory_space<hbm>>, %arg3: memref<128x128xf32, #tpu.memory_space<hbm>>, %arg4: memref<640x128xf32, #tpu.memory_space<hbm>>, %arg5: memref<2x10240x128xf32, #tpu.memory_space<hbm>>, %arg6: memref<40x128xi32, #tpu.memory_space<vmem>>, %arg7: memref<128x128xf32, #tpu.memory_space<vmem>>, %arg8: memref<10240x128xf32, #tpu.memory_space<vmem_shared>>, %arg9: memref<!tpu.dma_semaphore, #tpu.memory_space<semaphore_mem>>) attributes {dimension_semantics = [#tpu.dimension_semantics<core_parallel>, #tpu.dimension_semantics<subcore_parallel>], iteration_bounds = array<i64: 2, 16>, scalar_prefetch = 0 : i64, scratch_operands = 4 : i64, tpu.core_type = #tpu.core_type<sc_vector_subcore>, window_params = [{transform_indices = #map}, {transform_indices = #map1}, {transform_indices = #map1}, {transform_indices = #map}]} {
    %mul3A = arith.constant 16 : i32
    %mul3A_0 = arith.muli %arg0, %mul3A : i32
    %add3A = arith.addi %mul3A_0, %arg1 : i32
    %mul3A_1 = arith.constant 640 : i32
    %mul3A_2 = arith.muli %arg1, %mul3A_1 : i32
    "tpu.region"() ({
      %run_scoped3A = tpu.sem_alloc : memref<!tpu.dma_semaphore, #tpu.memory_space<semaphore_mem>>
      %dma_start3A = arith.constant 0 : i32
      %dma_start3A_13 = tpu.memref_slice %arg8[%mul3A_2, %dma_start3A] : memref<10240x128xf32, #tpu.memory_space<vmem_shared>> -> memref<640x128xf32, #tpu.memory_space<vmem_shared>>
      tpu.enqueue_dma source(%arg4 : memref<640x128xf32, #tpu.memory_space<hbm>>) target(%dma_start3A_13 : memref<640x128xf32, #tpu.memory_space<vmem_shared>>) target_semaphore(%run_scoped3A : memref<!tpu.dma_semaphore, #tpu.memory_space<semaphore_mem>>)
      %dma_wait3A = arith.constant 0 : i32
      %dma_wait3A_14 = tpu.memref_slice %arg8[%mul3A_2, %dma_wait3A] : memref<10240x128xf32, #tpu.memory_space<vmem_shared>> -> memref<640x128xf32, #tpu.memory_space<vmem_shared>>
      tpu.wait_dma2 semaphore(%run_scoped3A : memref<!tpu.dma_semaphore, #tpu.memory_space<semaphore_mem>>) src(%arg4 : memref<640x128xf32, #tpu.memory_space<hbm>>) dst(%dma_wait3A_14 : memref<640x128xf32, #tpu.memory_space<vmem_shared>>)
      tpu.yield
    }) : () -> ()
    "tpu.region"() ({
      %run_scoped3A = tpu.sem_alloc : memref<!tpu.dma_semaphore, #tpu.memory_space<semaphore_mem>>
      tpu.enqueue_dma source(%arg3 : memref<128x128xf32, #tpu.memory_space<hbm>>) target(%arg7 : memref<128x128xf32, #tpu.memory_space<vmem>>) target_semaphore(%run_scoped3A : memref<!tpu.dma_semaphore, #tpu.memory_space<semaphore_mem>>)
      tpu.wait_dma2 semaphore(%run_scoped3A : memref<!tpu.dma_semaphore, #tpu.memory_space<semaphore_mem>>) src(%arg3 : memref<128x128xf32, #tpu.memory_space<hbm>>) dst(%arg7 : memref<128x128xf32, #tpu.memory_space<vmem>>)
      tpu.yield
    }) : () -> ()
    "tpu.region"() ({
      %run_scoped3A = tpu.sem_alloc : memref<!tpu.dma_semaphore, #tpu.memory_space<semaphore_mem>>
      %dma_start3A = arith.constant 0 : i32
      %dma_start3A_13 = arith.constant 0 : i32
      %dma_start3A_14 = tpu.memref_slice %arg2[%add3A, %dma_start3A, %dma_start3A_13] : memref<32x40x128xi32, #tpu.memory_space<hbm>> -> memref<1x40x128xi32, #tpu.memory_space<hbm>>
      %dma_start3A_15 = tpu.memref_squeeze %dma_start3A_14 : memref<1x40x128xi32, #tpu.memory_space<hbm>> -> memref<40x128xi32, #tpu.memory_space<hbm>>
      %dma_start3A_16 = arith.constant 0 : i32
      %dma_start3A_17 = arith.constant 0 : i32
      %dma_start3A_18 = tpu.memref_slice %arg2[%add3A, %dma_start3A_16, %dma_start3A_17] : memref<32x40x128xi32, #tpu.memory_space<hbm>> -> memref<1x40x128xi32, #tpu.memory_space<hbm>>
      %dma_start3A_19 = tpu.memref_squeeze %dma_start3A_18 : memref<1x40x128xi32, #tpu.memory_space<hbm>> -> memref<40x128xi32, #tpu.memory_space<hbm>>
      tpu.enqueue_dma source(%dma_start3A_19 : memref<40x128xi32, #tpu.memory_space<hbm>>) target(%arg6 : memref<40x128xi32, #tpu.memory_space<vmem>>) target_semaphore(%run_scoped3A : memref<!tpu.dma_semaphore, #tpu.memory_space<semaphore_mem>>)
      %dma_wait3A = arith.constant 0 : i32
      %dma_wait3A_20 = arith.constant 0 : i32
      %dma_wait3A_21 = tpu.memref_slice %arg2[%add3A, %dma_wait3A, %dma_wait3A_20] : memref<32x40x128xi32, #tpu.memory_space<hbm>> -> memref<1x40x128xi32, #tpu.memory_space<hbm>>
      %dma_wait3A_22 = tpu.memref_squeeze %dma_wait3A_21 : memref<1x40x128xi32, #tpu.memory_space<hbm>> -> memref<40x128xi32, #tpu.memory_space<hbm>>
      %dma_wait3A_23 = arith.constant 0 : i32
      %dma_wait3A_24 = arith.constant 0 : i32
      %dma_wait3A_25 = tpu.memref_slice %arg2[%add3A, %dma_wait3A_23, %dma_wait3A_24] : memref<32x40x128xi32, #tpu.memory_space<hbm>> -> memref<1x40x128xi32, #tpu.memory_space<hbm>>
      %dma_wait3A_26 = tpu.memref_squeeze %dma_wait3A_25 : memref<1x40x128xi32, #tpu.memory_space<hbm>> -> memref<40x128xi32, #tpu.memory_space<hbm>>
      tpu.wait_dma2 semaphore(%run_scoped3A : memref<!tpu.dma_semaphore, #tpu.memory_space<semaphore_mem>>) src(%dma_wait3A_26 : memref<40x128xi32, #tpu.memory_space<hbm>>) dst(%arg6 : memref<40x128xi32, #tpu.memory_space<vmem>>)
      tpu.yield
    }) : () -> ()
    %barrier3A = arith.constant 0 : index
    tpu.barrier barrier_id(%barrier3A)
    %scan3A = arith.constant 0 : i32
    %scan3A_3 = arith.constant 0 : i32
    %scan3A_4 = arith.constant 5 : i32
    %scan3A_5 = arith.addi %scan3A_3, %scan3A_4 : i32
    %scan3A_6 = arith.constant 1 : i32
    scf.for %scan3A_13 = %scan3A_3 to %scan3A_5 step %scan3A_6  : i32 {
      %mul3A_14 = arith.constant 8 : i32
      %mul3A_15 = arith.muli %scan3A_13, %mul3A_14 : i32
      %add3A_16 = arith.constant 0 : i32
      %add3A_17 = arith.addi %mul3A_15, %add3A_16 : i32
      %dma_start3A = arith.constant 0 : i32
      %dma_start3A_18 = tpu.memref_slice %arg6[%add3A_17, %dma_start3A] : memref<40x128xi32, #tpu.memory_space<vmem>> -> memref<1x128xi32, #tpu.memory_space<vmem>>
      %dma_start3A_19 = tpu.memref_squeeze %dma_start3A_18 : memref<1x128xi32, #tpu.memory_space<vmem>> -> memref<128xi32, #tpu.memory_space<vmem>>
      %dma_start3A_20 = arith.constant 0 : i32
      %dma_start3A_21 = arith.constant 0 : i32
      %dma_start3A_22 = tpu.memref_slice %arg8[%dma_start3A_20, %dma_start3A_21] : memref<10240x128xf32, #tpu.memory_space<vmem_shared>> -> memref<10240x128xf32, #tpu.memory_space<vmem_shared>>
      tpu.enqueue_indirect_dma source(%arg7 : memref<128x128xf32, #tpu.memory_space<vmem>>) target(%dma_start3A_22 : memref<10240x128xf32, #tpu.memory_space<vmem_shared>>) offsets(%dma_start3A_19 : memref<128xi32, #tpu.memory_space<vmem>>) semaphore(%arg9 : memref<!tpu.dma_semaphore, #tpu.memory_space<semaphore_mem>>) {add = true}
      %mul3A_23 = arith.constant 8 : i32
      %mul3A_24 = arith.muli %scan3A_13, %mul3A_23 : i32
      %add3A_25 = arith.constant 1 : i32
      %add3A_26 = arith.addi %mul3A_24, %add3A_25 : i32
      %dma_start3A_27 = arith.constant 0 : i32
      %dma_start3A_28 = tpu.memref_slice %arg6[%add3A_26, %dma_start3A_27] : memref<40x128xi32, #tpu.memory_space<vmem>> -> memref<1x128xi32, #tpu.memory_space<vmem>>
      %dma_start3A_29 = tpu.memref_squeeze %dma_start3A_28 : memref<1x128xi32, #tpu.memory_space<vmem>> -> memref<128xi32, #tpu.memory_space<vmem>>
      %dma_start3A_30 = arith.constant 0 : i32
      %dma_start3A_31 = arith.constant 0 : i32
      %dma_start3A_32 = tpu.memref_slice %arg8[%dma_start3A_30, %dma_start3A_31] : memref<10240x128xf32, #tpu.memory_space<vmem_shared>> -> memref<10240x128xf32, #tpu.memory_space<vmem_shared>>
      tpu.enqueue_indirect_dma source(%arg7 : memref<128x128xf32, #tpu.memory_space<vmem>>) target(%dma_start3A_32 : memref<10240x128xf32, #tpu.memory_space<vmem_shared>>) offsets(%dma_start3A_29 : memref<128xi32, #tpu.memory_space<vmem>>) semaphore(%arg9 : memref<!tpu.dma_semaphore, #tpu.memory_space<semaphore_mem>>) {add = true}
      %mul3A_33 = arith.constant 8 : i32
      %mul3A_34 = arith.muli %scan3A_13, %mul3A_33 : i32
      %add3A_35 = arith.constant 2 : i32
      %add3A_36 = arith.addi %mul3A_34, %add3A_35 : i32
      %dma_start3A_37 = arith.constant 0 : i32
      %dma_start3A_38 = tpu.memref_slice %arg6[%add3A_36, %dma_start3A_37] : memref<40x128xi32, #tpu.memory_space<vmem>> -> memref<1x128xi32, #tpu.memory_space<vmem>>
      %dma_start3A_39 = tpu.memref_squeeze %dma_start3A_38 : memref<1x128xi32, #tpu.memory_space<vmem>> -> memref<128xi32, #tpu.memory_space<vmem>>
      %dma_start3A_40 = arith.constant 0 : i32
      %dma_start3A_41 = arith.constant 0 : i32
      %dma_start3A_42 = tpu.memref_slice %arg8[%dma_start3A_40, %dma_start3A_41] : memref<10240x128xf32, #tpu.memory_space<vmem_shared>> -> memref<10240x128xf32, #tpu.memory_space<vmem_shared>>
      tpu.enqueue_indirect_dma source(%arg7 : memref<128x128xf32, #tpu.memory_space<vmem>>) target(%dma_start3A_42 : memref<10240x128xf32, #tpu.memory_space<vmem_shared>>) offsets(%dma_start3A_39 : memref<128xi32, #tpu.memory_space<vmem>>) semaphore(%arg9 : memref<!tpu.dma_semaphore, #tpu.memory_space<semaphore_mem>>) {add = true}
      %mul3A_43 = arith.constant 8 : i32
      %mul3A_44 = arith.muli %scan3A_13, %mul3A_43 : i32
      %add3A_45 = arith.constant 3 : i32
      %add3A_46 = arith.addi %mul3A_44, %add3A_45 : i32
      %dma_start3A_47 = arith.constant 0 : i32
      %dma_start3A_48 = tpu.memref_slice %arg6[%add3A_46, %dma_start3A_47] : memref<40x128xi32, #tpu.memory_space<vmem>> -> memref<1x128xi32, #tpu.memory_space<vmem>>
      %dma_start3A_49 = tpu.memref_squeeze %dma_start3A_48 : memref<1x128xi32, #tpu.memory_space<vmem>> -> memref<128xi32, #tpu.memory_space<vmem>>
      %dma_start3A_50 = arith.constant 0 : i32
      %dma_start3A_51 = arith.constant 0 : i32
      %dma_start3A_52 = tpu.memref_slice %arg8[%dma_start3A_50, %dma_start3A_51] : memref<10240x128xf32, #tpu.memory_space<vmem_shared>> -> memref<10240x128xf32, #tpu.memory_space<vmem_shared>>
      tpu.enqueue_indirect_dma source(%arg7 : memref<128x128xf32, #tpu.memory_space<vmem>>) target(%dma_start3A_52 : memref<10240x128xf32, #tpu.memory_space<vmem_shared>>) offsets(%dma_start3A_49 : memref<128xi32, #tpu.memory_space<vmem>>) semaphore(%arg9 : memref<!tpu.dma_semaphore, #tpu.memory_space<semaphore_mem>>) {add = true}
      %mul3A_53 = arith.constant 8 : i32
      %mul3A_54 = arith.muli %scan3A_13, %mul3A_53 : i32
      %add3A_55 = arith.constant 4 : i32
      %add3A_56 = arith.addi %mul3A_54, %add3A_55 : i32
      %dma_start3A_57 = arith.constant 0 : i32
      %dma_start3A_58 = tpu.memref_slice %arg6[%add3A_56, %dma_start3A_57] : memref<40x128xi32, #tpu.memory_space<vmem>> -> memref<1x128xi32, #tpu.memory_space<vmem>>
      %dma_start3A_59 = tpu.memref_squeeze %dma_start3A_58 : memref<1x128xi32, #tpu.memory_space<vmem>> -> memref<128xi32, #tpu.memory_space<vmem>>
      %dma_start3A_60 = arith.constant 0 : i32
      %dma_start3A_61 = arith.constant 0 : i32
      %dma_start3A_62 = tpu.memref_slice %arg8[%dma_start3A_60, %dma_start3A_61] : memref<10240x128xf32, #tpu.memory_space<vmem_shared>> -> memref<10240x128xf32, #tpu.memory_space<vmem_shared>>
      tpu.enqueue_indirect_dma source(%arg7 : memref<128x128xf32, #tpu.memory_space<vmem>>) target(%dma_start3A_62 : memref<10240x128xf32, #tpu.memory_space<vmem_shared>>) offsets(%dma_start3A_59 : memref<128xi32, #tpu.memory_space<vmem>>) semaphore(%arg9 : memref<!tpu.dma_semaphore, #tpu.memory_space<semaphore_mem>>) {add = true}
      %mul3A_63 = arith.constant 8 : i32
      %mul3A_64 = arith.muli %scan3A_13, %mul3A_63 : i32
      %add3A_65 = arith.constant 5 : i32
      %add3A_66 = arith.addi %mul3A_64, %add3A_65 : i32
      %dma_start3A_67 = arith.constant 0 : i32
      %dma_start3A_68 = tpu.memref_slice %arg6[%add3A_66, %dma_start3A_67] : memref<40x128xi32, #tpu.memory_space<vmem>> -> memref<1x128xi32, #tpu.memory_space<vmem>>
      %dma_start3A_69 = tpu.memref_squeeze %dma_start3A_68 : memref<1x128xi32, #tpu.memory_space<vmem>> -> memref<128xi32, #tpu.memory_space<vmem>>
      %dma_start3A_70 = arith.constant 0 : i32
      %dma_start3A_71 = arith.constant 0 : i32
      %dma_start3A_72 = tpu.memref_slice %arg8[%dma_start3A_70, %dma_start3A_71] : memref<10240x128xf32, #tpu.memory_space<vmem_shared>> -> memref<10240x128xf32, #tpu.memory_space<vmem_shared>>
      tpu.enqueue_indirect_dma source(%arg7 : memref<128x128xf32, #tpu.memory_space<vmem>>) target(%dma_start3A_72 : memref<10240x128xf32, #tpu.memory_space<vmem_shared>>) offsets(%dma_start3A_69 : memref<128xi32, #tpu.memory_space<vmem>>) semaphore(%arg9 : memref<!tpu.dma_semaphore, #tpu.memory_space<semaphore_mem>>) {add = true}
      %mul3A_73 = arith.constant 8 : i32
      %mul3A_74 = arith.muli %scan3A_13, %mul3A_73 : i32
      %add3A_75 = arith.constant 6 : i32
      %add3A_76 = arith.addi %mul3A_74, %add3A_75 : i32
      %dma_start3A_77 = arith.constant 0 : i32
      %dma_start3A_78 = tpu.memref_slice %arg6[%add3A_76, %dma_start3A_77] : memref<40x128xi32, #tpu.memory_space<vmem>> -> memref<1x128xi32, #tpu.memory_space<vmem>>
      %dma_start3A_79 = tpu.memref_squeeze %dma_start3A_78 : memref<1x128xi32, #tpu.memory_space<vmem>> -> memref<128xi32, #tpu.memory_space<vmem>>
      %dma_start3A_80 = arith.constant 0 : i32
      %dma_start3A_81 = arith.constant 0 : i32
      %dma_start3A_82 = tpu.memref_slice %arg8[%dma_start3A_80, %dma_start3A_81] : memref<10240x128xf32, #tpu.memory_space<vmem_shared>> -> memref<10240x128xf32, #tpu.memory_space<vmem_shared>>
      tpu.enqueue_indirect_dma source(%arg7 : memref<128x128xf32, #tpu.memory_space<vmem>>) target(%dma_start3A_82 : memref<10240x128xf32, #tpu.memory_space<vmem_shared>>) offsets(%dma_start3A_79 : memref<128xi32, #tpu.memory_space<vmem>>) semaphore(%arg9 : memref<!tpu.dma_semaphore, #tpu.memory_space<semaphore_mem>>) {add = true}
      %mul3A_83 = arith.constant 8 : i32
      %mul3A_84 = arith.muli %scan3A_13, %mul3A_83 : i32
      %add3A_85 = arith.constant 7 : i32
      %add3A_86 = arith.addi %mul3A_84, %add3A_85 : i32
      %dma_start3A_87 = arith.constant 0 : i32
      %dma_start3A_88 = tpu.memref_slice %arg6[%add3A_86, %dma_start3A_87] : memref<40x128xi32, #tpu.memory_space<vmem>> -> memref<1x128xi32, #tpu.memory_space<vmem>>
      %dma_start3A_89 = tpu.memref_squeeze %dma_start3A_88 : memref<1x128xi32, #tpu.memory_space<vmem>> -> memref<128xi32, #tpu.memory_space<vmem>>
      %dma_start3A_90 = arith.constant 0 : i32
      %dma_start3A_91 = arith.constant 0 : i32
      %dma_start3A_92 = tpu.memref_slice %arg8[%dma_start3A_90, %dma_start3A_91] : memref<10240x128xf32, #tpu.memory_space<vmem_shared>> -> memref<10240x128xf32, #tpu.memory_space<vmem_shared>>
      tpu.enqueue_indirect_dma source(%arg7 : memref<128x128xf32, #tpu.memory_space<vmem>>) target(%dma_start3A_92 : memref<10240x128xf32, #tpu.memory_space<vmem_shared>>) offsets(%dma_start3A_89 : memref<128xi32, #tpu.memory_space<vmem>>) semaphore(%arg9 : memref<!tpu.dma_semaphore, #tpu.memory_space<semaphore_mem>>) {add = true}
      %dma_wait3A = arith.constant 0 : i32
      %dma_wait3A_93 = tpu.memref_slice %arg6[%add3A_17, %dma_wait3A] : memref<40x128xi32, #tpu.memory_space<vmem>> -> memref<1x128xi32, #tpu.memory_space<vmem>>
      %dma_wait3A_94 = tpu.memref_squeeze %dma_wait3A_93 : memref<1x128xi32, #tpu.memory_space<vmem>> -> memref<128xi32, #tpu.memory_space<vmem>>
      %dma_wait3A_95 = arith.constant 0 : i32
      %dma_wait3A_96 = arith.constant 0 : i32
      %dma_wait3A_97 = tpu.memref_slice %arg8[%dma_wait3A_95, %dma_wait3A_96] : memref<10240x128xf32, #tpu.memory_space<vmem_shared>> -> memref<10240x128xf32, #tpu.memory_space<vmem_shared>>
      tpu.wait_indirect_dma semaphore(%arg9 : memref<!tpu.dma_semaphore, #tpu.memory_space<semaphore_mem>>) src(%arg7 : memref<128x128xf32, #tpu.memory_space<vmem>>) dst(%dma_wait3A_97 : memref<10240x128xf32, #tpu.memory_space<vmem_shared>>)
      %dma_wait3A_98 = arith.constant 0 : i32
      %dma_wait3A_99 = tpu.memref_slice %arg6[%add3A_26, %dma_wait3A_98] : memref<40x128xi32, #tpu.memory_space<vmem>> -> memref<1x128xi32, #tpu.memory_space<vmem>>
      %dma_wait3A_100 = tpu.memref_squeeze %dma_wait3A_99 : memref<1x128xi32, #tpu.memory_space<vmem>> -> memref<128xi32, #tpu.memory_space<vmem>>
      %dma_wait3A_101 = arith.constant 0 : i32
      %dma_wait3A_102 = arith.constant 0 : i32
      %dma_wait3A_103 = tpu.memref_slice %arg8[%dma_wait3A_101, %dma_wait3A_102] : memref<10240x128xf32, #tpu.memory_space<vmem_shared>> -> memref<10240x128xf32, #tpu.memory_space<vmem_shared>>
      tpu.wait_indirect_dma semaphore(%arg9 : memref<!tpu.dma_semaphore, #tpu.memory_space<semaphore_mem>>) src(%arg7 : memref<128x128xf32, #tpu.memory_space<vmem>>) dst(%dma_wait3A_103 : memref<10240x128xf32, #tpu.memory_space<vmem_shared>>)
      %dma_wait3A_104 = arith.constant 0 : i32
      %dma_wait3A_105 = tpu.memref_slice %arg6[%add3A_36, %dma_wait3A_104] : memref<40x128xi32, #tpu.memory_space<vmem>> -> memref<1x128xi32, #tpu.memory_space<vmem>>
      %dma_wait3A_106 = tpu.memref_squeeze %dma_wait3A_105 : memref<1x128xi32, #tpu.memory_space<vmem>> -> memref<128xi32, #tpu.memory_space<vmem>>
      %dma_wait3A_107 = arith.constant 0 : i32
      %dma_wait3A_108 = arith.constant 0 : i32
      %dma_wait3A_109 = tpu.memref_slice %arg8[%dma_wait3A_107, %dma_wait3A_108] : memref<10240x128xf32, #tpu.memory_space<vmem_shared>> -> memref<10240x128xf32, #tpu.memory_space<vmem_shared>>
      tpu.wait_indirect_dma semaphore(%arg9 : memref<!tpu.dma_semaphore, #tpu.memory_space<semaphore_mem>>) src(%arg7 : memref<128x128xf32, #tpu.memory_space<vmem>>) dst(%dma_wait3A_109 : memref<10240x128xf32, #tpu.memory_space<vmem_shared>>)
      %dma_wait3A_110 = arith.constant 0 : i32
      %dma_wait3A_111 = tpu.memref_slice %arg6[%add3A_46, %dma_wait3A_110] : memref<40x128xi32, #tpu.memory_space<vmem>> -> memref<1x128xi32, #tpu.memory_space<vmem>>
      %dma_wait3A_112 = tpu.memref_squeeze %dma_wait3A_111 : memref<1x128xi32, #tpu.memory_space<vmem>> -> memref<128xi32, #tpu.memory_space<vmem>>
      %dma_wait3A_113 = arith.constant 0 : i32
      %dma_wait3A_114 = arith.constant 0 : i32
      %dma_wait3A_115 = tpu.memref_slice %arg8[%dma_wait3A_113, %dma_wait3A_114] : memref<10240x128xf32, #tpu.memory_space<vmem_shared>> -> memref<10240x128xf32, #tpu.memory_space<vmem_shared>>
      tpu.wait_indirect_dma semaphore(%arg9 : memref<!tpu.dma_semaphore, #tpu.memory_space<semaphore_mem>>) src(%arg7 : memref<128x128xf32, #tpu.memory_space<vmem>>) dst(%dma_wait3A_115 : memref<10240x128xf32, #tpu.memory_space<vmem_shared>>)
      %dma_wait3A_116 = arith.constant 0 : i32
      %dma_wait3A_117 = tpu.memref_slice %arg6[%add3A_56, %dma_wait3A_116] : memref<40x128xi32, #tpu.memory_space<vmem>> -> memref<1x128xi32, #tpu.memory_space<vmem>>
      %dma_wait3A_118 = tpu.memref_squeeze %dma_wait3A_117 : memref<1x128xi32, #tpu.memory_space<vmem>> -> memref<128xi32, #tpu.memory_space<vmem>>
      %dma_wait3A_119 = arith.constant 0 : i32
      %dma_wait3A_120 = arith.constant 0 : i32
      %dma_wait3A_121 = tpu.memref_slice %arg8[%dma_wait3A_119, %dma_wait3A_120] : memref<10240x128xf32, #tpu.memory_space<vmem_shared>> -> memref<10240x128xf32, #tpu.memory_space<vmem_shared>>
      tpu.wait_indirect_dma semaphore(%arg9 : memref<!tpu.dma_semaphore, #tpu.memory_space<semaphore_mem>>) src(%arg7 : memref<128x128xf32, #tpu.memory_space<vmem>>) dst(%dma_wait3A_121 : memref<10240x128xf32, #tpu.memory_space<vmem_shared>>)
      %dma_wait3A_122 = arith.constant 0 : i32
      %dma_wait3A_123 = tpu.memref_slice %arg6[%add3A_66, %dma_wait3A_122] : memref<40x128xi32, #tpu.memory_space<vmem>> -> memref<1x128xi32, #tpu.memory_space<vmem>>
      %dma_wait3A_124 = tpu.memref_squeeze %dma_wait3A_123 : memref<1x128xi32, #tpu.memory_space<vmem>> -> memref<128xi32, #tpu.memory_space<vmem>>
      %dma_wait3A_125 = arith.constant 0 : i32
      %dma_wait3A_126 = arith.constant 0 : i32
      %dma_wait3A_127 = tpu.memref_slice %arg8[%dma_wait3A_125, %dma_wait3A_126] : memref<10240x128xf32, #tpu.memory_space<vmem_shared>> -> memref<10240x128xf32, #tpu.memory_space<vmem_shared>>
      tpu.wait_indirect_dma semaphore(%arg9 : memref<!tpu.dma_semaphore, #tpu.memory_space<semaphore_mem>>) src(%arg7 : memref<128x128xf32, #tpu.memory_space<vmem>>) dst(%dma_wait3A_127 : memref<10240x128xf32, #tpu.memory_space<vmem_shared>>)
      %dma_wait3A_128 = arith.constant 0 : i32
      %dma_wait3A_129 = tpu.memref_slice %arg6[%add3A_76, %dma_wait3A_128] : memref<40x128xi32, #tpu.memory_space<vmem>> -> memref<1x128xi32, #tpu.memory_space<vmem>>
      %dma_wait3A_130 = tpu.memref_squeeze %dma_wait3A_129 : memref<1x128xi32, #tpu.memory_space<vmem>> -> memref<128xi32, #tpu.memory_space<vmem>>
      %dma_wait3A_131 = arith.constant 0 : i32
      %dma_wait3A_132 = arith.constant 0 : i32
      %dma_wait3A_133 = tpu.memref_slice %arg8[%dma_wait3A_131, %dma_wait3A_132] : memref<10240x128xf32, #tpu.memory_space<vmem_shared>> -> memref<10240x128xf32, #tpu.memory_space<vmem_shared>>
      tpu.wait_indirect_dma semaphore(%arg9 : memref<!tpu.dma_semaphore, #tpu.memory_space<semaphore_mem>>) src(%arg7 : memref<128x128xf32, #tpu.memory_space<vmem>>) dst(%dma_wait3A_133 : memref<10240x128xf32, #tpu.memory_space<vmem_shared>>)
      %dma_wait3A_134 = arith.constant 0 : i32
      %dma_wait3A_135 = tpu.memref_slice %arg6[%add3A_86, %dma_wait3A_134] : memref<40x128xi32, #tpu.memory_space<vmem>> -> memref<1x128xi32, #tpu.memory_space<vmem>>
      %dma_wait3A_136 = tpu.memref_squeeze %dma_wait3A_135 : memref<1x128xi32, #tpu.memory_space<vmem>> -> memref<128xi32, #tpu.memory_space<vmem>>
      %dma_wait3A_137 = arith.constant 0 : i32
      %dma_wait3A_138 = arith.constant 0 : i32
      %dma_wait3A_139 = tpu.memref_slice %arg8[%dma_wait3A_137, %dma_wait3A_138] : memref<10240x128xf32, #tpu.memory_space<vmem_shared>> -> memref<10240x128xf32, #tpu.memory_space<vmem_shared>>
      tpu.wait_indirect_dma semaphore(%arg9 : memref<!tpu.dma_semaphore, #tpu.memory_space<semaphore_mem>>) src(%arg7 : memref<128x128xf32, #tpu.memory_space<vmem>>) dst(%dma_wait3A_139 : memref<10240x128xf32, #tpu.memory_space<vmem_shared>>)
    }
    %scan3A_7 = arith.constant 5 : i32
    %barrier3A_8 = arith.constant 0 : index
    tpu.barrier barrier_id(%barrier3A_8)
    %mul3A_9 = arith.constant 640 : i32
    %mul3A_10 = arith.muli %arg1, %mul3A_9 : i32
    %mul3A_11 = arith.constant 640 : i32
    %mul3A_12 = arith.muli %arg1, %mul3A_11 : i32
    "tpu.region"() ({
      %run_scoped3A = tpu.sem_alloc : memref<!tpu.dma_semaphore, #tpu.memory_space<semaphore_mem>>
      %dma_start3A = arith.constant 0 : i32
      %dma_start3A_13 = tpu.memref_slice %arg5[%arg0, %mul3A_12, %dma_start3A] : memref<2x10240x128xf32, #tpu.memory_space<hbm>> -> memref<1x640x128xf32, #tpu.memory_space<hbm>>
      %dma_start3A_14 = tpu.memref_squeeze %dma_start3A_13 : memref<1x640x128xf32, #tpu.memory_space<hbm>> -> memref<640x128xf32, #tpu.memory_space<hbm>>
      %dma_start3A_15 = arith.constant 0 : i32
      %dma_start3A_16 = tpu.memref_slice %arg8[%mul3A_10, %dma_start3A_15] : memref<10240x128xf32, #tpu.memory_space<vmem_shared>> -> memref<640x128xf32, #tpu.memory_space<vmem_shared>>
      tpu.enqueue_dma source(%dma_start3A_16 : memref<640x128xf32, #tpu.memory_space<vmem_shared>>) target(%dma_start3A_14 : memref<640x128xf32, #tpu.memory_space<hbm>>) target_semaphore(%run_scoped3A : memref<!tpu.dma_semaphore, #tpu.memory_space<semaphore_mem>>)
      %dma_wait3A = arith.constant 0 : i32
      %dma_wait3A_17 = tpu.memref_slice %arg5[%arg0, %mul3A_12, %dma_wait3A] : memref<2x10240x128xf32, #tpu.memory_space<hbm>> -> memref<1x640x128xf32, #tpu.memory_space<hbm>>
      %dma_wait3A_18 = tpu.memref_squeeze %dma_wait3A_17 : memref<1x640x128xf32, #tpu.memory_space<hbm>> -> memref<640x128xf32, #tpu.memory_space<hbm>>
      %dma_wait3A_19 = arith.constant 0 : i32
      %dma_wait3A_20 = tpu.memref_slice %arg8[%mul3A_10, %dma_wait3A_19] : memref<10240x128xf32, #tpu.memory_space<vmem_shared>> -> memref<640x128xf32, #tpu.memory_space<vmem_shared>>
      tpu.wait_dma2 semaphore(%run_scoped3A : memref<!tpu.dma_semaphore, #tpu.memory_space<semaphore_mem>>) src(%dma_wait3A_20 : memref<640x128xf32, #tpu.memory_space<vmem_shared>>) dst(%dma_wait3A_18 : memref<640x128xf32, #tpu.memory_space<hbm>>)
      tpu.yield
    }) : () -> ()
    return
  }
}

#map = affine_map<(d0, d1) -> (0, 0)>
#map1 = affine_map<(d0, d1) -> (0, 0, 0)>
module attributes {stable_mosaic.version = 14 : i64} {
  func.func @_edge_body(%arg0: i32, %arg1: i32, %arg2: memref<10240x128xf32, #tpu.memory_space<hbm>>, %arg3: memref<10240x128xf32, #tpu.memory_space<hbm>>, %arg4: memref<32x40x128xi32, #tpu.memory_space<hbm>>, %arg5: memref<32x40x128xi32, #tpu.memory_space<hbm>>, %arg6: memref<163840x128xf32, #tpu.memory_space<hbm>>, %arg7: memref<40x128xi32, #tpu.memory_space<vmem>>, %arg8: memref<40x128xi32, #tpu.memory_space<vmem>>, %arg9: memref<128x128xf32, #tpu.memory_space<vmem>>, %arg10: memref<128x128xf32, #tpu.memory_space<vmem>>, %arg11: memref<128x128xf32, #tpu.memory_space<vmem>>, %arg12: memref<128x128xf32, #tpu.memory_space<vmem>>, %arg13: memref<128x128xf32, #tpu.memory_space<vmem>>, %arg14: memref<128x128xf32, #tpu.memory_space<vmem>>, %arg15: memref<!tpu.dma_semaphore, #tpu.memory_space<semaphore_mem>>, %arg16: memref<!tpu.dma_semaphore, #tpu.memory_space<semaphore_mem>>, %arg17: memref<!tpu.dma_semaphore, #tpu.memory_space<semaphore_mem>>, %arg18: memref<!tpu.dma_semaphore, #tpu.memory_space<semaphore_mem>>, %arg19: memref<!tpu.dma_semaphore, #tpu.memory_space<semaphore_mem>>, %arg20: memref<!tpu.dma_semaphore, #tpu.memory_space<semaphore_mem>>) attributes {dimension_semantics = [#tpu.dimension_semantics<core_parallel>, #tpu.dimension_semantics<subcore_parallel>], iteration_bounds = array<i64: 2, 16>, scalar_prefetch = 0 : i64, scratch_operands = 14 : i64, tpu.core_type = #tpu.core_type<sc_vector_subcore>, window_params = [{transform_indices = #map}, {transform_indices = #map}, {transform_indices = #map1}, {transform_indices = #map1}, {transform_indices = #map}]} {
    %mul3A = arith.constant 16 : i32
    %mul3A_0 = arith.muli %arg0, %mul3A : i32
    %add3A = arith.addi %mul3A_0, %arg1 : i32
    "tpu.region"() ({
      %run_scoped3A = tpu.sem_alloc : memref<!tpu.dma_semaphore, #tpu.memory_space<semaphore_mem>>
      %dma_start3A_44 = arith.constant 0 : i32
      %dma_start3A_45 = arith.constant 0 : i32
      %dma_start3A_46 = tpu.memref_slice %arg4[%add3A, %dma_start3A_44, %dma_start3A_45] : memref<32x40x128xi32, #tpu.memory_space<hbm>> -> memref<1x40x128xi32, #tpu.memory_space<hbm>>
      %dma_start3A_47 = tpu.memref_squeeze %dma_start3A_46 : memref<1x40x128xi32, #tpu.memory_space<hbm>> -> memref<40x128xi32, #tpu.memory_space<hbm>>
      %dma_start3A_48 = arith.constant 0 : i32
      %dma_start3A_49 = arith.constant 0 : i32
      %dma_start3A_50 = tpu.memref_slice %arg4[%add3A, %dma_start3A_48, %dma_start3A_49] : memref<32x40x128xi32, #tpu.memory_space<hbm>> -> memref<1x40x128xi32, #tpu.memory_space<hbm>>
      %dma_start3A_51 = tpu.memref_squeeze %dma_start3A_50 : memref<1x40x128xi32, #tpu.memory_space<hbm>> -> memref<40x128xi32, #tpu.memory_space<hbm>>
      tpu.enqueue_dma source(%dma_start3A_51 : memref<40x128xi32, #tpu.memory_space<hbm>>) target(%arg7 : memref<40x128xi32, #tpu.memory_space<vmem>>) target_semaphore(%run_scoped3A : memref<!tpu.dma_semaphore, #tpu.memory_space<semaphore_mem>>)
      %dma_wait3A_52 = arith.constant 0 : i32
      %dma_wait3A_53 = arith.constant 0 : i32
      %dma_wait3A_54 = tpu.memref_slice %arg4[%add3A, %dma_wait3A_52, %dma_wait3A_53] : memref<32x40x128xi32, #tpu.memory_space<hbm>> -> memref<1x40x128xi32, #tpu.memory_space<hbm>>
      %dma_wait3A_55 = tpu.memref_squeeze %dma_wait3A_54 : memref<1x40x128xi32, #tpu.memory_space<hbm>> -> memref<40x128xi32, #tpu.memory_space<hbm>>
      %dma_wait3A_56 = arith.constant 0 : i32
      %dma_wait3A_57 = arith.constant 0 : i32
      %dma_wait3A_58 = tpu.memref_slice %arg4[%add3A, %dma_wait3A_56, %dma_wait3A_57] : memref<32x40x128xi32, #tpu.memory_space<hbm>> -> memref<1x40x128xi32, #tpu.memory_space<hbm>>
      %dma_wait3A_59 = tpu.memref_squeeze %dma_wait3A_58 : memref<1x40x128xi32, #tpu.memory_space<hbm>> -> memref<40x128xi32, #tpu.memory_space<hbm>>
      tpu.wait_dma2 semaphore(%run_scoped3A : memref<!tpu.dma_semaphore, #tpu.memory_space<semaphore_mem>>) src(%dma_wait3A_59 : memref<40x128xi32, #tpu.memory_space<hbm>>) dst(%arg7 : memref<40x128xi32, #tpu.memory_space<vmem>>)
      tpu.yield
    }) : () -> ()
    "tpu.region"() ({
      %run_scoped3A = tpu.sem_alloc : memref<!tpu.dma_semaphore, #tpu.memory_space<semaphore_mem>>
      %dma_start3A_44 = arith.constant 0 : i32
      %dma_start3A_45 = arith.constant 0 : i32
      %dma_start3A_46 = tpu.memref_slice %arg5[%add3A, %dma_start3A_44, %dma_start3A_45] : memref<32x40x128xi32, #tpu.memory_space<hbm>> -> memref<1x40x128xi32, #tpu.memory_space<hbm>>
      %dma_start3A_47 = tpu.memref_squeeze %dma_start3A_46 : memref<1x40x128xi32, #tpu.memory_space<hbm>> -> memref<40x128xi32, #tpu.memory_space<hbm>>
      %dma_start3A_48 = arith.constant 0 : i32
      %dma_start3A_49 = arith.constant 0 : i32
      %dma_start3A_50 = tpu.memref_slice %arg5[%add3A, %dma_start3A_48, %dma_start3A_49] : memref<32x40x128xi32, #tpu.memory_space<hbm>> -> memref<1x40x128xi32, #tpu.memory_space<hbm>>
      %dma_start3A_51 = tpu.memref_squeeze %dma_start3A_50 : memref<1x40x128xi32, #tpu.memory_space<hbm>> -> memref<40x128xi32, #tpu.memory_space<hbm>>
      tpu.enqueue_dma source(%dma_start3A_51 : memref<40x128xi32, #tpu.memory_space<hbm>>) target(%arg8 : memref<40x128xi32, #tpu.memory_space<vmem>>) target_semaphore(%run_scoped3A : memref<!tpu.dma_semaphore, #tpu.memory_space<semaphore_mem>>)
      %dma_wait3A_52 = arith.constant 0 : i32
      %dma_wait3A_53 = arith.constant 0 : i32
      %dma_wait3A_54 = tpu.memref_slice %arg5[%add3A, %dma_wait3A_52, %dma_wait3A_53] : memref<32x40x128xi32, #tpu.memory_space<hbm>> -> memref<1x40x128xi32, #tpu.memory_space<hbm>>
      %dma_wait3A_55 = tpu.memref_squeeze %dma_wait3A_54 : memref<1x40x128xi32, #tpu.memory_space<hbm>> -> memref<40x128xi32, #tpu.memory_space<hbm>>
      %dma_wait3A_56 = arith.constant 0 : i32
      %dma_wait3A_57 = arith.constant 0 : i32
      %dma_wait3A_58 = tpu.memref_slice %arg5[%add3A, %dma_wait3A_56, %dma_wait3A_57] : memref<32x40x128xi32, #tpu.memory_space<hbm>> -> memref<1x40x128xi32, #tpu.memory_space<hbm>>
      %dma_wait3A_59 = tpu.memref_squeeze %dma_wait3A_58 : memref<1x40x128xi32, #tpu.memory_space<hbm>> -> memref<40x128xi32, #tpu.memory_space<hbm>>
      tpu.wait_dma2 semaphore(%run_scoped3A : memref<!tpu.dma_semaphore, #tpu.memory_space<semaphore_mem>>) src(%dma_wait3A_59 : memref<40x128xi32, #tpu.memory_space<hbm>>) dst(%arg8 : memref<40x128xi32, #tpu.memory_space<vmem>>)
      tpu.yield
    }) : () -> ()
    %dma_start3A = arith.constant 0 : i32
    %dma_start3A_1 = arith.constant 0 : i32
    %dma_start3A_2 = tpu.memref_slice %arg7[%dma_start3A, %dma_start3A_1] : memref<40x128xi32, #tpu.memory_space<vmem>> -> memref<1x128xi32, #tpu.memory_space<vmem>>
    %dma_start3A_3 = tpu.memref_squeeze %dma_start3A_2 : memref<1x128xi32, #tpu.memory_space<vmem>> -> memref<128xi32, #tpu.memory_space<vmem>>
    %dma_start3A_4 = arith.constant 0 : i32
    %dma_start3A_5 = arith.constant 0 : i32
    %dma_start3A_6 = tpu.memref_slice %arg2[%dma_start3A_4, %dma_start3A_5] : memref<10240x128xf32, #tpu.memory_space<hbm>> -> memref<10240x128xf32, #tpu.memory_space<hbm>>
    tpu.enqueue_indirect_dma source(%dma_start3A_6 : memref<10240x128xf32, #tpu.memory_space<hbm>>) target(%arg9 : memref<128x128xf32, #tpu.memory_space<vmem>>) offsets(%dma_start3A_3 : memref<128xi32, #tpu.memory_space<vmem>>) semaphore(%arg15 : memref<!tpu.dma_semaphore, #tpu.memory_space<semaphore_mem>>)
    %dma_start3A_7 = arith.constant 0 : i32
    %dma_start3A_8 = arith.constant 0 : i32
    %dma_start3A_9 = tpu.memref_slice %arg8[%dma_start3A_7, %dma_start3A_8] : memref<40x128xi32, #tpu.memory_space<vmem>> -> memref<1x128xi32, #tpu.memory_space<vmem>>
    %dma_start3A_10 = tpu.memref_squeeze %dma_start3A_9 : memref<1x128xi32, #tpu.memory_space<vmem>> -> memref<128xi32, #tpu.memory_space<vmem>>
    %dma_start3A_11 = arith.constant 0 : i32
    %dma_start3A_12 = arith.constant 0 : i32
    %dma_start3A_13 = tpu.memref_slice %arg3[%dma_start3A_11, %dma_start3A_12] : memref<10240x128xf32, #tpu.memory_space<hbm>> -> memref<10240x128xf32, #tpu.memory_space<hbm>>
    tpu.enqueue_indirect_dma source(%dma_start3A_13 : memref<10240x128xf32, #tpu.memory_space<hbm>>) target(%arg11 : memref<128x128xf32, #tpu.memory_space<vmem>>) offsets(%dma_start3A_10 : memref<128xi32, #tpu.memory_space<vmem>>) semaphore(%arg17 : memref<!tpu.dma_semaphore, #tpu.memory_space<semaphore_mem>>)
    %dma_start3A_14 = arith.constant 1 : i32
    %dma_start3A_15 = arith.constant 0 : i32
    %dma_start3A_16 = tpu.memref_slice %arg7[%dma_start3A_14, %dma_start3A_15] : memref<40x128xi32, #tpu.memory_space<vmem>> -> memref<1x128xi32, #tpu.memory_space<vmem>>
    %dma_start3A_17 = tpu.memref_squeeze %dma_start3A_16 : memref<1x128xi32, #tpu.memory_space<vmem>> -> memref<128xi32, #tpu.memory_space<vmem>>
    %dma_start3A_18 = arith.constant 0 : i32
    %dma_start3A_19 = arith.constant 0 : i32
    %dma_start3A_20 = tpu.memref_slice %arg2[%dma_start3A_18, %dma_start3A_19] : memref<10240x128xf32, #tpu.memory_space<hbm>> -> memref<10240x128xf32, #tpu.memory_space<hbm>>
    tpu.enqueue_indirect_dma source(%dma_start3A_20 : memref<10240x128xf32, #tpu.memory_space<hbm>>) target(%arg10 : memref<128x128xf32, #tpu.memory_space<vmem>>) offsets(%dma_start3A_17 : memref<128xi32, #tpu.memory_space<vmem>>) semaphore(%arg16 : memref<!tpu.dma_semaphore, #tpu.memory_space<semaphore_mem>>)
    %dma_start3A_21 = arith.constant 1 : i32
    %dma_start3A_22 = arith.constant 0 : i32
    %dma_start3A_23 = tpu.memref_slice %arg8[%dma_start3A_21, %dma_start3A_22] : memref<40x128xi32, #tpu.memory_space<vmem>> -> memref<1x128xi32, #tpu.memory_space<vmem>>
    %dma_start3A_24 = tpu.memref_squeeze %dma_start3A_23 : memref<1x128xi32, #tpu.memory_space<vmem>> -> memref<128xi32, #tpu.memory_space<vmem>>
    %dma_start3A_25 = arith.constant 0 : i32
    %dma_start3A_26 = arith.constant 0 : i32
    %dma_start3A_27 = tpu.memref_slice %arg3[%dma_start3A_25, %dma_start3A_26] : memref<10240x128xf32, #tpu.memory_space<hbm>> -> memref<10240x128xf32, #tpu.memory_space<hbm>>
    tpu.enqueue_indirect_dma source(%dma_start3A_27 : memref<10240x128xf32, #tpu.memory_space<hbm>>) target(%arg12 : memref<128x128xf32, #tpu.memory_space<vmem>>) offsets(%dma_start3A_24 : memref<128xi32, #tpu.memory_space<vmem>>) semaphore(%arg18 : memref<!tpu.dma_semaphore, #tpu.memory_space<semaphore_mem>>)
    %scan3A = arith.constant 0 : i32
    %scan3A_28 = arith.constant 0 : i32
    %scan3A_29 = arith.constant 20 : i32
    %scan3A_30 = arith.addi %scan3A_28, %scan3A_29 : i32
    %scan3A_31 = arith.constant 1 : i32
    scf.for %scan3A_44 = %scan3A_28 to %scan3A_30 step %scan3A_31  : i32 {
      %mul3A_45 = arith.constant 2 : i32
      %mul3A_46 = arith.muli %scan3A_44, %mul3A_45 : i32
      %add3A_47 = arith.constant 0 : i32
      %add3A_48 = arith.addi %mul3A_46, %add3A_47 : i32
      %dma_wait3A_49 = arith.constant 0 : i32
      %dma_wait3A_50 = tpu.memref_slice %arg7[%add3A_48, %dma_wait3A_49] : memref<40x128xi32, #tpu.memory_space<vmem>> -> memref<1x128xi32, #tpu.memory_space<vmem>>
      %dma_wait3A_51 = tpu.memref_squeeze %dma_wait3A_50 : memref<1x128xi32, #tpu.memory_space<vmem>> -> memref<128xi32, #tpu.memory_space<vmem>>
      %dma_wait3A_52 = arith.constant 0 : i32
      %dma_wait3A_53 = arith.constant 0 : i32
      %dma_wait3A_54 = tpu.memref_slice %arg2[%dma_wait3A_52, %dma_wait3A_53] : memref<10240x128xf32, #tpu.memory_space<hbm>> -> memref<10240x128xf32, #tpu.memory_space<hbm>>
      tpu.wait_indirect_dma semaphore(%arg15 : memref<!tpu.dma_semaphore, #tpu.memory_space<semaphore_mem>>) src(%dma_wait3A_54 : memref<10240x128xf32, #tpu.memory_space<hbm>>) dst(%arg9 : memref<128x128xf32, #tpu.memory_space<vmem>>)
      %dma_wait3A_55 = arith.constant 0 : i32
      %dma_wait3A_56 = tpu.memref_slice %arg8[%add3A_48, %dma_wait3A_55] : memref<40x128xi32, #tpu.memory_space<vmem>> -> memref<1x128xi32, #tpu.memory_space<vmem>>
      %dma_wait3A_57 = tpu.memref_squeeze %dma_wait3A_56 : memref<1x128xi32, #tpu.memory_space<vmem>> -> memref<128xi32, #tpu.memory_space<vmem>>
      %dma_wait3A_58 = arith.constant 0 : i32
      %dma_wait3A_59 = arith.constant 0 : i32
      %dma_wait3A_60 = tpu.memref_slice %arg3[%dma_wait3A_58, %dma_wait3A_59] : memref<10240x128xf32, #tpu.memory_space<hbm>> -> memref<10240x128xf32, #tpu.memory_space<hbm>>
      tpu.wait_indirect_dma semaphore(%arg17 : memref<!tpu.dma_semaphore, #tpu.memory_space<semaphore_mem>>) src(%dma_wait3A_60 : memref<10240x128xf32, #tpu.memory_space<hbm>>) dst(%arg11 : memref<128x128xf32, #tpu.memory_space<vmem>>)
      %gt3A = arith.constant 0 : i32
      %gt3A_61 = arith.cmpi sgt, %scan3A_44, %gt3A : i32
      %convert_element_type3A = arith.extui %gt3A_61 : i1 to i32
      %cond3A = arith.constant 0 : i32
      %cond3A_62 = arith.cmpi ne, %convert_element_type3A, %cond3A : i32
      scf.if %cond3A_62 {
        %dma_wait3A_123 = arith.constant 0 : i32
        %dma_wait3A_124 = arith.constant 0 : i32
        %dma_wait3A_125 = tpu.memref_slice %arg6[%dma_wait3A_123, %dma_wait3A_124] : memref<163840x128xf32, #tpu.memory_space<hbm>> -> memref<128x128xf32, #tpu.memory_space<hbm>>
        %dma_wait3A_126 = arith.constant 0 : i32
        %dma_wait3A_127 = arith.constant 0 : i32
        %dma_wait3A_128 = tpu.memref_slice %arg6[%dma_wait3A_126, %dma_wait3A_127] : memref<163840x128xf32, #tpu.memory_space<hbm>> -> memref<128x128xf32, #tpu.memory_space<hbm>>
        tpu.wait_dma2 semaphore(%arg19 : memref<!tpu.dma_semaphore, #tpu.memory_space<semaphore_mem>>) src(%arg13 : memref<128x128xf32, #tpu.memory_space<vmem>>) dst(%dma_wait3A_128 : memref<128x128xf32, #tpu.memory_space<hbm>>)
      } else {
      }
      %scan3A_63 = arith.constant 0 : i32
      %scan3A_64 = arith.constant 0 : i32
      %scan3A_65 = arith.constant 128 : i32
      %scan3A_66 = arith.addi %scan3A_64, %scan3A_65 : i32
      %scan3A_67 = arith.constant 1 : i32
      scf.for %scan3A_123 = %scan3A_64 to %scan3A_66 step %scan3A_67  : i32 {
        %get3A = arith.index_cast %scan3A_123 : i32 to index
        %get3A_124 = arith.constant 0 : index
        %get3A_125 = tpu.vector_load %arg9[%get3A, %get3A_124] {strides = array<i32>} : memref<128x128xf32, #tpu.memory_space<vmem>>, vector<1x16xf32>,
        %get3A_126 = vector.shape_cast %get3A_125 : vector<1x16xf32> to vector<16xf32>
        %get3A_127 = arith.index_cast %scan3A_123 : i32 to index
        %get3A_128 = arith.constant 0 : index
        %get3A_129 = tpu.vector_load %arg11[%get3A_127, %get3A_128] {strides = array<i32>} : memref<128x128xf32, #tpu.memory_space<vmem>>, vector<1x16xf32>,
        %get3A_130 = vector.shape_cast %get3A_129 : vector<1x16xf32> to vector<16xf32>
        %add3A_131 = arith.addf %get3A_126, %get3A_130 : vector<16xf32>
        %swap3A = arith.index_cast %scan3A_123 : i32 to index
        %swap3A_132 = arith.constant 0 : index
        %swap3A_133 = tpu.vector_load %arg13[%swap3A, %swap3A_132] {strides = array<i32>} : memref<128x128xf32, #tpu.memory_space<vmem>>, vector<1x16xf32>,
        %swap3A_134 = vector.shape_cast %swap3A_133 : vector<1x16xf32> to vector<16xf32>
        %swap3A_135 = vector.shape_cast %add3A_131 : vector<16xf32> to vector<1x16xf32>
        tpu.vector_store %arg13[%swap3A, %swap3A_132], %swap3A_135 {strides = array<i32>} : memref<128x128xf32, #tpu.memory_space<vmem>>, vector<1x16xf32>,
        %get3A_136 = arith.index_cast %scan3A_123 : i32 to index
        %get3A_137 = arith.constant 16 : index
        %get3A_138 = tpu.vector_load %arg9[%get3A_136, %get3A_137] {strides = array<i32>} : memref<128x128xf32, #tpu.memory_space<vmem>>, vector<1x16xf32>,
        %get3A_139 = vector.shape_cast %get3A_138 : vector<1x16xf32> to vector<16xf32>
        %get3A_140 = arith.index_cast %scan3A_123 : i32 to index
        %get3A_141 = arith.constant 16 : index
        %get3A_142 = tpu.vector_load %arg11[%get3A_140, %get3A_141] {strides = array<i32>} : memref<128x128xf32, #tpu.memory_space<vmem>>, vector<1x16xf32>,
        %get3A_143 = vector.shape_cast %get3A_142 : vector<1x16xf32> to vector<16xf32>
        %add3A_144 = arith.addf %get3A_139, %get3A_143 : vector<16xf32>
        %swap3A_145 = arith.index_cast %scan3A_123 : i32 to index
        %swap3A_146 = arith.constant 16 : index
        %swap3A_147 = tpu.vector_load %arg13[%swap3A_145, %swap3A_146] {strides = array<i32>} : memref<128x128xf32, #tpu.memory_space<vmem>>, vector<1x16xf32>,
        %swap3A_148 = vector.shape_cast %swap3A_147 : vector<1x16xf32> to vector<16xf32>
        %swap3A_149 = vector.shape_cast %add3A_144 : vector<16xf32> to vector<1x16xf32>
        tpu.vector_store %arg13[%swap3A_145, %swap3A_146], %swap3A_149 {strides = array<i32>} : memref<128x128xf32, #tpu.memory_space<vmem>>, vector<1x16xf32>,
        %get3A_150 = arith.index_cast %scan3A_123 : i32 to index
        %get3A_151 = arith.constant 32 : index
        %get3A_152 = tpu.vector_load %arg9[%get3A_150, %get3A_151] {strides = array<i32>} : memref<128x128xf32, #tpu.memory_space<vmem>>, vector<1x16xf32>,
        %get3A_153 = vector.shape_cast %get3A_152 : vector<1x16xf32> to vector<16xf32>
        %get3A_154 = arith.index_cast %scan3A_123 : i32 to index
        %get3A_155 = arith.constant 32 : index
        %get3A_156 = tpu.vector_load %arg11[%get3A_154, %get3A_155] {strides = array<i32>} : memref<128x128xf32, #tpu.memory_space<vmem>>, vector<1x16xf32>,
        %get3A_157 = vector.shape_cast %get3A_156 : vector<1x16xf32> to vector<16xf32>
        %add3A_158 = arith.addf %get3A_153, %get3A_157 : vector<16xf32>
        %swap3A_159 = arith.index_cast %scan3A_123 : i32 to index
        %swap3A_160 = arith.constant 32 : index
        %swap3A_161 = tpu.vector_load %arg13[%swap3A_159, %swap3A_160] {strides = array<i32>} : memref<128x128xf32, #tpu.memory_space<vmem>>, vector<1x16xf32>,
        %swap3A_162 = vector.shape_cast %swap3A_161 : vector<1x16xf32> to vector<16xf32>
        %swap3A_163 = vector.shape_cast %add3A_158 : vector<16xf32> to vector<1x16xf32>
        tpu.vector_store %arg13[%swap3A_159, %swap3A_160], %swap3A_163 {strides = array<i32>} : memref<128x128xf32, #tpu.memory_space<vmem>>, vector<1x16xf32>,
        %get3A_164 = arith.index_cast %scan3A_123 : i32 to index
        %get3A_165 = arith.constant 48 : index
        %get3A_166 = tpu.vector_load %arg9[%get3A_164, %get3A_165] {strides = array<i32>} : memref<128x128xf32, #tpu.memory_space<vmem>>, vector<1x16xf32>,
        %get3A_167 = vector.shape_cast %get3A_166 : vector<1x16xf32> to vector<16xf32>
        %get3A_168 = arith.index_cast %scan3A_123 : i32 to index
        %get3A_169 = arith.constant 48 : index
        %get3A_170 = tpu.vector_load %arg11[%get3A_168, %get3A_169] {strides = array<i32>} : memref<128x128xf32, #tpu.memory_space<vmem>>, vector<1x16xf32>,
        %get3A_171 = vector.shape_cast %get3A_170 : vector<1x16xf32> to vector<16xf32>
        %add3A_172 = arith.addf %get3A_167, %get3A_171 : vector<16xf32>
        %swap3A_173 = arith.index_cast %scan3A_123 : i32 to index
        %swap3A_174 = arith.constant 48 : index
        %swap3A_175 = tpu.vector_load %arg13[%swap3A_173, %swap3A_174] {strides = array<i32>} : memref<128x128xf32, #tpu.memory_space<vmem>>, vector<1x16xf32>,
        %swap3A_176 = vector.shape_cast %swap3A_175 : vector<1x16xf32> to vector<16xf32>
        %swap3A_177 = vector.shape_cast %add3A_172 : vector<16xf32> to vector<1x16xf32>
        tpu.vector_store %arg13[%swap3A_173, %swap3A_174], %swap3A_177 {strides = array<i32>} : memref<128x128xf32, #tpu.memory_space<vmem>>, vector<1x16xf32>,
        %get3A_178 = arith.index_cast %scan3A_123 : i32 to index
        %get3A_179 = arith.constant 64 : index
        %get3A_180 = tpu.vector_load %arg9[%get3A_178, %get3A_179] {strides = array<i32>} : memref<128x128xf32, #tpu.memory_space<vmem>>, vector<1x16xf32>,
        %get3A_181 = vector.shape_cast %get3A_180 : vector<1x16xf32> to vector<16xf32>
        %get3A_182 = arith.index_cast %scan3A_123 : i32 to index
        %get3A_183 = arith.constant 64 : index
        %get3A_184 = tpu.vector_load %arg11[%get3A_182, %get3A_183] {strides = array<i32>} : memref<128x128xf32, #tpu.memory_space<vmem>>, vector<1x16xf32>,
        %get3A_185 = vector.shape_cast %get3A_184 : vector<1x16xf32> to vector<16xf32>
        %add3A_186 = arith.addf %get3A_181, %get3A_185 : vector<16xf32>
        %swap3A_187 = arith.index_cast %scan3A_123 : i32 to index
        %swap3A_188 = arith.constant 64 : index
        %swap3A_189 = tpu.vector_load %arg13[%swap3A_187, %swap3A_188] {strides = array<i32>} : memref<128x128xf32, #tpu.memory_space<vmem>>, vector<1x16xf32>,
        %swap3A_190 = vector.shape_cast %swap3A_189 : vector<1x16xf32> to vector<16xf32>
        %swap3A_191 = vector.shape_cast %add3A_186 : vector<16xf32> to vector<1x16xf32>
        tpu.vector_store %arg13[%swap3A_187, %swap3A_188], %swap3A_191 {strides = array<i32>} : memref<128x128xf32, #tpu.memory_space<vmem>>, vector<1x16xf32>,
        %get3A_192 = arith.index_cast %scan3A_123 : i32 to index
        %get3A_193 = arith.constant 80 : index
        %get3A_194 = tpu.vector_load %arg9[%get3A_192, %get3A_193] {strides = array<i32>} : memref<128x128xf32, #tpu.memory_space<vmem>>, vector<1x16xf32>,
        %get3A_195 = vector.shape_cast %get3A_194 : vector<1x16xf32> to vector<16xf32>
        %get3A_196 = arith.index_cast %scan3A_123 : i32 to index
        %get3A_197 = arith.constant 80 : index
        %get3A_198 = tpu.vector_load %arg11[%get3A_196, %get3A_197] {strides = array<i32>} : memref<128x128xf32, #tpu.memory_space<vmem>>, vector<1x16xf32>,
        %get3A_199 = vector.shape_cast %get3A_198 : vector<1x16xf32> to vector<16xf32>
        %add3A_200 = arith.addf %get3A_195, %get3A_199 : vector<16xf32>
        %swap3A_201 = arith.index_cast %scan3A_123 : i32 to index
        %swap3A_202 = arith.constant 80 : index
        %swap3A_203 = tpu.vector_load %arg13[%swap3A_201, %swap3A_202] {strides = array<i32>} : memref<128x128xf32, #tpu.memory_space<vmem>>, vector<1x16xf32>,
        %swap3A_204 = vector.shape_cast %swap3A_203 : vector<1x16xf32> to vector<16xf32>
        %swap3A_205 = vector.shape_cast %add3A_200 : vector<16xf32> to vector<1x16xf32>
        tpu.vector_store %arg13[%swap3A_201, %swap3A_202], %swap3A_205 {strides = array<i32>} : memref<128x128xf32, #tpu.memory_space<vmem>>, vector<1x16xf32>,
        %get3A_206 = arith.index_cast %scan3A_123 : i32 to index
        %get3A_207 = arith.constant 96 : index
        %get3A_208 = tpu.vector_load %arg9[%get3A_206, %get3A_207] {strides = array<i32>} : memref<128x128xf32, #tpu.memory_space<vmem>>, vector<1x16xf32>,
        %get3A_209 = vector.shape_cast %get3A_208 : vector<1x16xf32> to vector<16xf32>
        %get3A_210 = arith.index_cast %scan3A_123 : i32 to index
        %get3A_211 = arith.constant 96 : index
        %get3A_212 = tpu.vector_load %arg11[%get3A_210, %get3A_211] {strides = array<i32>} : memref<128x128xf32, #tpu.memory_space<vmem>>, vector<1x16xf32>,
        %get3A_213 = vector.shape_cast %get3A_212 : vector<1x16xf32> to vector<16xf32>
        %add3A_214 = arith.addf %get3A_209, %get3A_213 : vector<16xf32>
        %swap3A_215 = arith.index_cast %scan3A_123 : i32 to index
        %swap3A_216 = arith.constant 96 : index
        %swap3A_217 = tpu.vector_load %arg13[%swap3A_215, %swap3A_216] {strides = array<i32>} : memref<128x128xf32, #tpu.memory_space<vmem>>, vector<1x16xf32>,
        %swap3A_218 = vector.shape_cast %swap3A_217 : vector<1x16xf32> to vector<16xf32>
        %swap3A_219 = vector.shape_cast %add3A_214 : vector<16xf32> to vector<1x16xf32>
        tpu.vector_store %arg13[%swap3A_215, %swap3A_216], %swap3A_219 {strides = array<i32>} : memref<128x128xf32, #tpu.memory_space<vmem>>, vector<1x16xf32>,
        %get3A_220 = arith.index_cast %scan3A_123 : i32 to index
        %get3A_221 = arith.constant 112 : index
        %get3A_222 = tpu.vector_load %arg9[%get3A_220, %get3A_221] {strides = array<i32>} : memref<128x128xf32, #tpu.memory_space<vmem>>, vector<1x16xf32>,
        %get3A_223 = vector.shape_cast %get3A_222 : vector<1x16xf32> to vector<16xf32>
        %get3A_224 = arith.index_cast %scan3A_123 : i32 to index
        %get3A_225 = arith.constant 112 : index
        %get3A_226 = tpu.vector_load %arg11[%get3A_224, %get3A_225] {strides = array<i32>} : memref<128x128xf32, #tpu.memory_space<vmem>>, vector<1x16xf32>,
        %get3A_227 = vector.shape_cast %get3A_226 : vector<1x16xf32> to vector<16xf32>
        %add3A_228 = arith.addf %get3A_223, %get3A_227 : vector<16xf32>
        %swap3A_229 = arith.index_cast %scan3A_123 : i32 to index
        %swap3A_230 = arith.constant 112 : index
        %swap3A_231 = tpu.vector_load %arg13[%swap3A_229, %swap3A_230] {strides = array<i32>} : memref<128x128xf32, #tpu.memory_space<vmem>>, vector<1x16xf32>,
        %swap3A_232 = vector.shape_cast %swap3A_231 : vector<1x16xf32> to vector<16xf32>
        %swap3A_233 = vector.shape_cast %add3A_228 : vector<16xf32> to vector<1x16xf32>
        tpu.vector_store %arg13[%swap3A_229, %swap3A_230], %swap3A_233 {strides = array<i32>} : memref<128x128xf32, #tpu.memory_space<vmem>>, vector<1x16xf32>,
      }
      %scan3A_68 = arith.constant 128 : i32
      %mul3A_69 = arith.constant 40 : i32
      %mul3A_70 = arith.muli %add3A, %mul3A_69 : i32
      %add3A_71 = arith.addi %mul3A_70, %add3A_48 : i32
      %mul3A_72 = arith.constant 128 : i32
      %mul3A_73 = arith.muli %add3A_71, %mul3A_72 : i32
      %dma_start3A_74 = arith.constant 0 : i32
      %dma_start3A_75 = tpu.memref_slice %arg6[%mul3A_73, %dma_start3A_74] : memref<163840x128xf32, #tpu.memory_space<hbm>> -> memref<128x128xf32, #tpu.memory_space<hbm>>
      %dma_start3A_76 = arith.constant 0 : i32
      %dma_start3A_77 = tpu.memref_slice %arg6[%mul3A_73, %dma_start3A_76] : memref<163840x128xf32, #tpu.memory_space<hbm>> -> memref<128x128xf32, #tpu.memory_space<hbm>>
      tpu.enqueue_dma source(%arg13 : memref<128x128xf32, #tpu.memory_space<vmem>>) target(%dma_start3A_77 : memref<128x128xf32, #tpu.memory_space<hbm>>) target_semaphore(%arg19 : memref<!tpu.dma_semaphore, #tpu.memory_space<semaphore_mem>>)
      %lt3A = arith.constant 19 : i32
      %lt3A_78 = arith.cmpi slt, %scan3A_44, %lt3A : i32
      %convert_element_type3A_79 = arith.extui %lt3A_78 : i1 to i32
      %cond3A_80 = arith.constant 0 : i32
      %cond3A_81 = arith.cmpi ne, %convert_element_type3A_79, %cond3A_80 : i32
      scf.if %cond3A_81 {
        %add3A_123 = arith.constant 2 : i32
        %add3A_124 = arith.addi %add3A_48, %add3A_123 : i32
        %dma_start3A_125 = arith.constant 0 : i32
        %dma_start3A_126 = tpu.memref_slice %arg7[%add3A_124, %dma_start3A_125] : memref<40x128xi32, #tpu.memory_space<vmem>> -> memref<1x128xi32, #tpu.memory_space<vmem>>
        %dma_start3A_127 = tpu.memref_squeeze %dma_start3A_126 : memref<1x128xi32, #tpu.memory_space<vmem>> -> memref<128xi32, #tpu.memory_space<vmem>>
        %dma_start3A_128 = arith.constant 0 : i32
        %dma_start3A_129 = arith.constant 0 : i32
        %dma_start3A_130 = tpu.memref_slice %arg2[%dma_start3A_128, %dma_start3A_129] : memref<10240x128xf32, #tpu.memory_space<hbm>> -> memref<10240x128xf32, #tpu.memory_space<hbm>>
        tpu.enqueue_indirect_dma source(%dma_start3A_130 : memref<10240x128xf32, #tpu.memory_space<hbm>>) target(%arg9 : memref<128x128xf32, #tpu.memory_space<vmem>>) offsets(%dma_start3A_127 : memref<128xi32, #tpu.memory_space<vmem>>) semaphore(%arg15 : memref<!tpu.dma_semaphore, #tpu.memory_space<semaphore_mem>>)
        %add3A_131 = arith.constant 2 : i32
        %add3A_132 = arith.addi %add3A_48, %add3A_131 : i32
        %dma_start3A_133 = arith.constant 0 : i32
        %dma_start3A_134 = tpu.memref_slice %arg8[%add3A_132, %dma_start3A_133] : memref<40x128xi32, #tpu.memory_space<vmem>> -> memref<1x128xi32, #tpu.memory_space<vmem>>
        %dma_start3A_135 = tpu.memref_squeeze %dma_start3A_134 : memref<1x128xi32, #tpu.memory_space<vmem>> -> memref<128xi32, #tpu.memory_space<vmem>>
        %dma_start3A_136 = arith.constant 0 : i32
        %dma_start3A_137 = arith.constant 0 : i32
        %dma_start3A_138 = tpu.memref_slice %arg3[%dma_start3A_136, %dma_start3A_137] : memref<10240x128xf32, #tpu.memory_space<hbm>> -> memref<10240x128xf32, #tpu.memory_space<hbm>>
        tpu.enqueue_indirect_dma source(%dma_start3A_138 : memref<10240x128xf32, #tpu.memory_space<hbm>>) target(%arg11 : memref<128x128xf32, #tpu.memory_space<vmem>>) offsets(%dma_start3A_135 : memref<128xi32, #tpu.memory_space<vmem>>) semaphore(%arg17 : memref<!tpu.dma_semaphore, #tpu.memory_space<semaphore_mem>>)
      } else {
      }
      %mul3A_82 = arith.constant 2 : i32
      %mul3A_83 = arith.muli %scan3A_44, %mul3A_82 : i32
      %add3A_84 = arith.constant 1 : i32
      %add3A_85 = arith.addi %mul3A_83, %add3A_84 : i32
      %dma_wait3A_86 = arith.constant 0 : i32
      %dma_wait3A_87 = tpu.memref_slice %arg7[%add3A_85, %dma_wait3A_86] : memref<40x128xi32, #tpu.memory_space<vmem>> -> memref<1x128xi32, #tpu.memory_space<vmem>>
      %dma_wait3A_88 = tpu.memref_squeeze %dma_wait3A_87 : memref<1x128xi32, #tpu.memory_space<vmem>> -> memref<128xi32, #tpu.memory_space<vmem>>
      %dma_wait3A_89 = arith.constant 0 : i32
      %dma_wait3A_90 = arith.constant 0 : i32
      %dma_wait3A_91 = tpu.memref_slice %arg2[%dma_wait3A_89, %dma_wait3A_90] : memref<10240x128xf32, #tpu.memory_space<hbm>> -> memref<10240x128xf32, #tpu.memory_space<hbm>>
      tpu.wait_indirect_dma semaphore(%arg16 : memref<!tpu.dma_semaphore, #tpu.memory_space<semaphore_mem>>) src(%dma_wait3A_91 : memref<10240x128xf32, #tpu.memory_space<hbm>>) dst(%arg10 : memref<128x128xf32, #tpu.memory_space<vmem>>)
      %dma_wait3A_92 = arith.constant 0 : i32
      %dma_wait3A_93 = tpu.memref_slice %arg8[%add3A_85, %dma_wait3A_92] : memref<40x128xi32, #tpu.memory_space<vmem>> -> memref<1x128xi32, #tpu.memory_space<vmem>>
      %dma_wait3A_94 = tpu.memref_squeeze %dma_wait3A_93 : memref<1x128xi32, #tpu.memory_space<vmem>> -> memref<128xi32, #tpu.memory_space<vmem>>
      %dma_wait3A_95 = arith.constant 0 : i32
      %dma_wait3A_96 = arith.constant 0 : i32
      %dma_wait3A_97 = tpu.memref_slice %arg3[%dma_wait3A_95, %dma_wait3A_96] : memref<10240x128xf32, #tpu.memory_space<hbm>> -> memref<10240x128xf32, #tpu.memory_space<hbm>>
      tpu.wait_indirect_dma semaphore(%arg18 : memref<!tpu.dma_semaphore, #tpu.memory_space<semaphore_mem>>) src(%dma_wait3A_97 : memref<10240x128xf32, #tpu.memory_space<hbm>>) dst(%arg12 : memref<128x128xf32, #tpu.memory_space<vmem>>)
      %gt3A_98 = arith.constant 0 : i32
      %gt3A_99 = arith.cmpi sgt, %scan3A_44, %gt3A_98 : i32
      %convert_element_type3A_100 = arith.extui %gt3A_99 : i1 to i32
      %cond3A_101 = arith.constant 0 : i32
      %cond3A_102 = arith.cmpi ne, %convert_element_type3A_100, %cond3A_101 : i32
      scf.if %cond3A_102 {
        %dma_wait3A_123 = arith.constant 0 : i32
        %dma_wait3A_124 = arith.constant 0 : i32
        %dma_wait3A_125 = tpu.memref_slice %arg6[%dma_wait3A_123, %dma_wait3A_124] : memref<163840x128xf32, #tpu.memory_space<hbm>> -> memref<128x128xf32, #tpu.memory_space<hbm>>
        %dma_wait3A_126 = arith.constant 0 : i32
        %dma_wait3A_127 = arith.constant 0 : i32
        %dma_wait3A_128 = tpu.memref_slice %arg6[%dma_wait3A_126, %dma_wait3A_127] : memref<163840x128xf32, #tpu.memory_space<hbm>> -> memref<128x128xf32, #tpu.memory_space<hbm>>
        tpu.wait_dma2 semaphore(%arg20 : memref<!tpu.dma_semaphore, #tpu.memory_space<semaphore_mem>>) src(%arg14 : memref<128x128xf32, #tpu.memory_space<vmem>>) dst(%dma_wait3A_128 : memref<128x128xf32, #tpu.memory_space<hbm>>)
      } else {
      }
      %scan3A_103 = arith.constant 0 : i32
      %scan3A_104 = arith.constant 0 : i32
      %scan3A_105 = arith.constant 128 : i32
      %scan3A_106 = arith.addi %scan3A_104, %scan3A_105 : i32
      %scan3A_107 = arith.constant 1 : i32
      scf.for %scan3A_123 = %scan3A_104 to %scan3A_106 step %scan3A_107  : i32 {
        %get3A = arith.index_cast %scan3A_123 : i32 to index
        %get3A_124 = arith.constant 0 : index
        %get3A_125 = tpu.vector_load %arg10[%get3A, %get3A_124] {strides = array<i32>} : memref<128x128xf32, #tpu.memory_space<vmem>>, vector<1x16xf32>,
        %get3A_126 = vector.shape_cast %get3A_125 : vector<1x16xf32> to vector<16xf32>
        %get3A_127 = arith.index_cast %scan3A_123 : i32 to index
        %get3A_128 = arith.constant 0 : index
        %get3A_129 = tpu.vector_load %arg12[%get3A_127, %get3A_128] {strides = array<i32>} : memref<128x128xf32, #tpu.memory_space<vmem>>, vector<1x16xf32>,
        %get3A_130 = vector.shape_cast %get3A_129 : vector<1x16xf32> to vector<16xf32>
        %add3A_131 = arith.addf %get3A_126, %get3A_130 : vector<16xf32>
        %swap3A = arith.index_cast %scan3A_123 : i32 to index
        %swap3A_132 = arith.constant 0 : index
        %swap3A_133 = tpu.vector_load %arg14[%swap3A, %swap3A_132] {strides = array<i32>} : memref<128x128xf32, #tpu.memory_space<vmem>>, vector<1x16xf32>,
        %swap3A_134 = vector.shape_cast %swap3A_133 : vector<1x16xf32> to vector<16xf32>
        %swap3A_135 = vector.shape_cast %add3A_131 : vector<16xf32> to vector<1x16xf32>
        tpu.vector_store %arg14[%swap3A, %swap3A_132], %swap3A_135 {strides = array<i32>} : memref<128x128xf32, #tpu.memory_space<vmem>>, vector<1x16xf32>,
        %get3A_136 = arith.index_cast %scan3A_123 : i32 to index
        %get3A_137 = arith.constant 16 : index
        %get3A_138 = tpu.vector_load %arg10[%get3A_136, %get3A_137] {strides = array<i32>} : memref<128x128xf32, #tpu.memory_space<vmem>>, vector<1x16xf32>,
        %get3A_139 = vector.shape_cast %get3A_138 : vector<1x16xf32> to vector<16xf32>
        %get3A_140 = arith.index_cast %scan3A_123 : i32 to index
        %get3A_141 = arith.constant 16 : index
        %get3A_142 = tpu.vector_load %arg12[%get3A_140, %get3A_141] {strides = array<i32>} : memref<128x128xf32, #tpu.memory_space<vmem>>, vector<1x16xf32>,
        %get3A_143 = vector.shape_cast %get3A_142 : vector<1x16xf32> to vector<16xf32>
        %add3A_144 = arith.addf %get3A_139, %get3A_143 : vector<16xf32>
        %swap3A_145 = arith.index_cast %scan3A_123 : i32 to index
        %swap3A_146 = arith.constant 16 : index
        %swap3A_147 = tpu.vector_load %arg14[%swap3A_145, %swap3A_146] {strides = array<i32>} : memref<128x128xf32, #tpu.memory_space<vmem>>, vector<1x16xf32>,
        %swap3A_148 = vector.shape_cast %swap3A_147 : vector<1x16xf32> to vector<16xf32>
        %swap3A_149 = vector.shape_cast %add3A_144 : vector<16xf32> to vector<1x16xf32>
        tpu.vector_store %arg14[%swap3A_145, %swap3A_146], %swap3A_149 {strides = array<i32>} : memref<128x128xf32, #tpu.memory_space<vmem>>, vector<1x16xf32>,
        %get3A_150 = arith.index_cast %scan3A_123 : i32 to index
        %get3A_151 = arith.constant 32 : index
        %get3A_152 = tpu.vector_load %arg10[%get3A_150, %get3A_151] {strides = array<i32>} : memref<128x128xf32, #tpu.memory_space<vmem>>, vector<1x16xf32>,
        %get3A_153 = vector.shape_cast %get3A_152 : vector<1x16xf32> to vector<16xf32>
        %get3A_154 = arith.index_cast %scan3A_123 : i32 to index
        %get3A_155 = arith.constant 32 : index
        %get3A_156 = tpu.vector_load %arg12[%get3A_154, %get3A_155] {strides = array<i32>} : memref<128x128xf32, #tpu.memory_space<vmem>>, vector<1x16xf32>,
        %get3A_157 = vector.shape_cast %get3A_156 : vector<1x16xf32> to vector<16xf32>
        %add3A_158 = arith.addf %get3A_153, %get3A_157 : vector<16xf32>
        %swap3A_159 = arith.index_cast %scan3A_123 : i32 to index
        %swap3A_160 = arith.constant 32 : index
        %swap3A_161 = tpu.vector_load %arg14[%swap3A_159, %swap3A_160] {strides = array<i32>} : memref<128x128xf32, #tpu.memory_space<vmem>>, vector<1x16xf32>,
        %swap3A_162 = vector.shape_cast %swap3A_161 : vector<1x16xf32> to vector<16xf32>
        %swap3A_163 = vector.shape_cast %add3A_158 : vector<16xf32> to vector<1x16xf32>
        tpu.vector_store %arg14[%swap3A_159, %swap3A_160], %swap3A_163 {strides = array<i32>} : memref<128x128xf32, #tpu.memory_space<vmem>>, vector<1x16xf32>,
        %get3A_164 = arith.index_cast %scan3A_123 : i32 to index
        %get3A_165 = arith.constant 48 : index
        %get3A_166 = tpu.vector_load %arg10[%get3A_164, %get3A_165] {strides = array<i32>} : memref<128x128xf32, #tpu.memory_space<vmem>>, vector<1x16xf32>,
        %get3A_167 = vector.shape_cast %get3A_166 : vector<1x16xf32> to vector<16xf32>
        %get3A_168 = arith.index_cast %scan3A_123 : i32 to index
        %get3A_169 = arith.constant 48 : index
        %get3A_170 = tpu.vector_load %arg12[%get3A_168, %get3A_169] {strides = array<i32>} : memref<128x128xf32, #tpu.memory_space<vmem>>, vector<1x16xf32>,
        %get3A_171 = vector.shape_cast %get3A_170 : vector<1x16xf32> to vector<16xf32>
        %add3A_172 = arith.addf %get3A_167, %get3A_171 : vector<16xf32>
        %swap3A_173 = arith.index_cast %scan3A_123 : i32 to index
        %swap3A_174 = arith.constant 48 : index
        %swap3A_175 = tpu.vector_load %arg14[%swap3A_173, %swap3A_174] {strides = array<i32>} : memref<128x128xf32, #tpu.memory_space<vmem>>, vector<1x16xf32>,
        %swap3A_176 = vector.shape_cast %swap3A_175 : vector<1x16xf32> to vector<16xf32>
        %swap3A_177 = vector.shape_cast %add3A_172 : vector<16xf32> to vector<1x16xf32>
        tpu.vector_store %arg14[%swap3A_173, %swap3A_174], %swap3A_177 {strides = array<i32>} : memref<128x128xf32, #tpu.memory_space<vmem>>, vector<1x16xf32>,
        %get3A_178 = arith.index_cast %scan3A_123 : i32 to index
        %get3A_179 = arith.constant 64 : index
        %get3A_180 = tpu.vector_load %arg10[%get3A_178, %get3A_179] {strides = array<i32>} : memref<128x128xf32, #tpu.memory_space<vmem>>, vector<1x16xf32>,
        %get3A_181 = vector.shape_cast %get3A_180 : vector<1x16xf32> to vector<16xf32>
        %get3A_182 = arith.index_cast %scan3A_123 : i32 to index
        %get3A_183 = arith.constant 64 : index
        %get3A_184 = tpu.vector_load %arg12[%get3A_182, %get3A_183] {strides = array<i32>} : memref<128x128xf32, #tpu.memory_space<vmem>>, vector<1x16xf32>,
        %get3A_185 = vector.shape_cast %get3A_184 : vector<1x16xf32> to vector<16xf32>
        %add3A_186 = arith.addf %get3A_181, %get3A_185 : vector<16xf32>
        %swap3A_187 = arith.index_cast %scan3A_123 : i32 to index
        %swap3A_188 = arith.constant 64 : index
        %swap3A_189 = tpu.vector_load %arg14[%swap3A_187, %swap3A_188] {strides = array<i32>} : memref<128x128xf32, #tpu.memory_space<vmem>>, vector<1x16xf32>,
        %swap3A_190 = vector.shape_cast %swap3A_189 : vector<1x16xf32> to vector<16xf32>
        %swap3A_191 = vector.shape_cast %add3A_186 : vector<16xf32> to vector<1x16xf32>
        tpu.vector_store %arg14[%swap3A_187, %swap3A_188], %swap3A_191 {strides = array<i32>} : memref<128x128xf32, #tpu.memory_space<vmem>>, vector<1x16xf32>,
        %get3A_192 = arith.index_cast %scan3A_123 : i32 to index
        %get3A_193 = arith.constant 80 : index
        %get3A_194 = tpu.vector_load %arg10[%get3A_192, %get3A_193] {strides = array<i32>} : memref<128x128xf32, #tpu.memory_space<vmem>>, vector<1x16xf32>,
        %get3A_195 = vector.shape_cast %get3A_194 : vector<1x16xf32> to vector<16xf32>
        %get3A_196 = arith.index_cast %scan3A_123 : i32 to index
        %get3A_197 = arith.constant 80 : index
        %get3A_198 = tpu.vector_load %arg12[%get3A_196, %get3A_197] {strides = array<i32>} : memref<128x128xf32, #tpu.memory_space<vmem>>, vector<1x16xf32>,
        %get3A_199 = vector.shape_cast %get3A_198 : vector<1x16xf32> to vector<16xf32>
        %add3A_200 = arith.addf %get3A_195, %get3A_199 : vector<16xf32>
        %swap3A_201 = arith.index_cast %scan3A_123 : i32 to index
        %swap3A_202 = arith.constant 80 : index
        %swap3A_203 = tpu.vector_load %arg14[%swap3A_201, %swap3A_202] {strides = array<i32>} : memref<128x128xf32, #tpu.memory_space<vmem>>, vector<1x16xf32>,
        %swap3A_204 = vector.shape_cast %swap3A_203 : vector<1x16xf32> to vector<16xf32>
        %swap3A_205 = vector.shape_cast %add3A_200 : vector<16xf32> to vector<1x16xf32>
        tpu.vector_store %arg14[%swap3A_201, %swap3A_202], %swap3A_205 {strides = array<i32>} : memref<128x128xf32, #tpu.memory_space<vmem>>, vector<1x16xf32>,
        %get3A_206 = arith.index_cast %scan3A_123 : i32 to index
        %get3A_207 = arith.constant 96 : index
        %get3A_208 = tpu.vector_load %arg10[%get3A_206, %get3A_207] {strides = array<i32>} : memref<128x128xf32, #tpu.memory_space<vmem>>, vector<1x16xf32>,
        %get3A_209 = vector.shape_cast %get3A_208 : vector<1x16xf32> to vector<16xf32>
        %get3A_210 = arith.index_cast %scan3A_123 : i32 to index
        %get3A_211 = arith.constant 96 : index
        %get3A_212 = tpu.vector_load %arg12[%get3A_210, %get3A_211] {strides = array<i32>} : memref<128x128xf32, #tpu.memory_space<vmem>>, vector<1x16xf32>,
        %get3A_213 = vector.shape_cast %get3A_212 : vector<1x16xf32> to vector<16xf32>
        %add3A_214 = arith.addf %get3A_209, %get3A_213 : vector<16xf32>
        %swap3A_215 = arith.index_cast %scan3A_123 : i32 to index
        %swap3A_216 = arith.constant 96 : index
        %swap3A_217 = tpu.vector_load %arg14[%swap3A_215, %swap3A_216] {strides = array<i32>} : memref<128x128xf32, #tpu.memory_space<vmem>>, vector<1x16xf32>,
        %swap3A_218 = vector.shape_cast %swap3A_217 : vector<1x16xf32> to vector<16xf32>
        %swap3A_219 = vector.shape_cast %add3A_214 : vector<16xf32> to vector<1x16xf32>
        tpu.vector_store %arg14[%swap3A_215, %swap3A_216], %swap3A_219 {strides = array<i32>} : memref<128x128xf32, #tpu.memory_space<vmem>>, vector<1x16xf32>,
        %get3A_220 = arith.index_cast %scan3A_123 : i32 to index
        %get3A_221 = arith.constant 112 : index
        %get3A_222 = tpu.vector_load %arg10[%get3A_220, %get3A_221] {strides = array<i32>} : memref<128x128xf32, #tpu.memory_space<vmem>>, vector<1x16xf32>,
        %get3A_223 = vector.shape_cast %get3A_222 : vector<1x16xf32> to vector<16xf32>
        %get3A_224 = arith.index_cast %scan3A_123 : i32 to index
        %get3A_225 = arith.constant 112 : index
        %get3A_226 = tpu.vector_load %arg12[%get3A_224, %get3A_225] {strides = array<i32>} : memref<128x128xf32, #tpu.memory_space<vmem>>, vector<1x16xf32>,
        %get3A_227 = vector.shape_cast %get3A_226 : vector<1x16xf32> to vector<16xf32>
        %add3A_228 = arith.addf %get3A_223, %get3A_227 : vector<16xf32>
        %swap3A_229 = arith.index_cast %scan3A_123 : i32 to index
        %swap3A_230 = arith.constant 112 : index
        %swap3A_231 = tpu.vector_load %arg14[%swap3A_229, %swap3A_230] {strides = array<i32>} : memref<128x128xf32, #tpu.memory_space<vmem>>, vector<1x16xf32>,
        %swap3A_232 = vector.shape_cast %swap3A_231 : vector<1x16xf32> to vector<16xf32>
        %swap3A_233 = vector.shape_cast %add3A_228 : vector<16xf32> to vector<1x16xf32>
        tpu.vector_store %arg14[%swap3A_229, %swap3A_230], %swap3A_233 {strides = array<i32>} : memref<128x128xf32, #tpu.memory_space<vmem>>, vector<1x16xf32>,
      }
      %scan3A_108 = arith.constant 128 : i32
      %mul3A_109 = arith.constant 40 : i32
      %mul3A_110 = arith.muli %add3A, %mul3A_109 : i32
      %add3A_111 = arith.addi %mul3A_110, %add3A_85 : i32
      %mul3A_112 = arith.constant 128 : i32
      %mul3A_113 = arith.muli %add3A_111, %mul3A_112 : i32
      %dma_start3A_114 = arith.constant 0 : i32
      %dma_start3A_115 = tpu.memref_slice %arg6[%mul3A_113, %dma_start3A_114] : memref<163840x128xf32, #tpu.memory_space<hbm>> -> memref<128x128xf32, #tpu.memory_space<hbm>>
      %dma_start3A_116 = arith.constant 0 : i32
      %dma_start3A_117 = tpu.memref_slice %arg6[%mul3A_113, %dma_start3A_116] : memref<163840x128xf32, #tpu.memory_space<hbm>> -> memref<128x128xf32, #tpu.memory_space<hbm>>
      tpu.enqueue_dma source(%arg14 : memref<128x128xf32, #tpu.memory_space<vmem>>) target(%dma_start3A_117 : memref<128x128xf32, #tpu.memory_space<hbm>>) target_semaphore(%arg20 : memref<!tpu.dma_semaphore, #tpu.memory_space<semaphore_mem>>)
      %lt3A_118 = arith.constant 19 : i32
      %lt3A_119 = arith.cmpi slt, %scan3A_44, %lt3A_118 : i32
      %convert_element_type3A_120 = arith.extui %lt3A_119 : i1 to i32
      %cond3A_121 = arith.constant 0 : i32
      %cond3A_122 = arith.cmpi ne, %convert_element_type3A_120, %cond3A_121 : i32
      scf.if %cond3A_122 {
        %add3A_123 = arith.constant 2 : i32
        %add3A_124 = arith.addi %add3A_85, %add3A_123 : i32
        %dma_start3A_125 = arith.constant 0 : i32
        %dma_start3A_126 = tpu.memref_slice %arg7[%add3A_124, %dma_start3A_125] : memref<40x128xi32, #tpu.memory_space<vmem>> -> memref<1x128xi32, #tpu.memory_space<vmem>>
        %dma_start3A_127 = tpu.memref_squeeze %dma_start3A_126 : memref<1x128xi32, #tpu.memory_space<vmem>> -> memref<128xi32, #tpu.memory_space<vmem>>
        %dma_start3A_128 = arith.constant 0 : i32
        %dma_start3A_129 = arith.constant 0 : i32
        %dma_start3A_130 = tpu.memref_slice %arg2[%dma_start3A_128, %dma_start3A_129] : memref<10240x128xf32, #tpu.memory_space<hbm>> -> memref<10240x128xf32, #tpu.memory_space<hbm>>
        tpu.enqueue_indirect_dma source(%dma_start3A_130 : memref<10240x128xf32, #tpu.memory_space<hbm>>) target(%arg10 : memref<128x128xf32, #tpu.memory_space<vmem>>) offsets(%dma_start3A_127 : memref<128xi32, #tpu.memory_space<vmem>>) semaphore(%arg16 : memref<!tpu.dma_semaphore, #tpu.memory_space<semaphore_mem>>)
        %add3A_131 = arith.constant 2 : i32
        %add3A_132 = arith.addi %add3A_85, %add3A_131 : i32
        %dma_start3A_133 = arith.constant 0 : i32
        %dma_start3A_134 = tpu.memref_slice %arg8[%add3A_132, %dma_start3A_133] : memref<40x128xi32, #tpu.memory_space<vmem>> -> memref<1x128xi32, #tpu.memory_space<vmem>>
        %dma_start3A_135 = tpu.memref_squeeze %dma_start3A_134 : memref<1x128xi32, #tpu.memory_space<vmem>> -> memref<128xi32, #tpu.memory_space<vmem>>
        %dma_start3A_136 = arith.constant 0 : i32
        %dma_start3A_137 = arith.constant 0 : i32
        %dma_start3A_138 = tpu.memref_slice %arg3[%dma_start3A_136, %dma_start3A_137] : memref<10240x128xf32, #tpu.memory_space<hbm>> -> memref<10240x128xf32, #tpu.memory_space<hbm>>
        tpu.enqueue_indirect_dma source(%dma_start3A_138 : memref<10240x128xf32, #tpu.memory_space<hbm>>) target(%arg12 : memref<128x128xf32, #tpu.memory_space<vmem>>) offsets(%dma_start3A_135 : memref<128xi32, #tpu.memory_space<vmem>>) semaphore(%arg18 : memref<!tpu.dma_semaphore, #tpu.memory_space<semaphore_mem>>)
      } else {
      }
    }
    %scan3A_32 = arith.constant 20 : i32
    %dma_wait3A = arith.constant 0 : i32
    %dma_wait3A_33 = arith.constant 0 : i32
    %dma_wait3A_34 = tpu.memref_slice %arg6[%dma_wait3A, %dma_wait3A_33] : memref<163840x128xf32, #tpu.memory_space<hbm>> -> memref<128x128xf32, #tpu.memory_space<hbm>>
    %dma_wait3A_35 = arith.constant 0 : i32
    %dma_wait3A_36 = arith.constant 0 : i32
    %dma_wait3A_37 = tpu.memref_slice %arg6[%dma_wait3A_35, %dma_wait3A_36] : memref<163840x128xf32, #tpu.memory_space<hbm>> -> memref<128x128xf32, #tpu.memory_space<hbm>>
    tpu.wait_dma2 semaphore(%arg19 : memref<!tpu.dma_semaphore, #tpu.memory_space<semaphore_mem>>) src(%arg13 : memref<128x128xf32, #tpu.memory_space<vmem>>) dst(%dma_wait3A_37 : memref<128x128xf32, #tpu.memory_space<hbm>>)
    %dma_wait3A_38 = arith.constant 0 : i32
    %dma_wait3A_39 = arith.constant 0 : i32
    %dma_wait3A_40 = tpu.memref_slice %arg6[%dma_wait3A_38, %dma_wait3A_39] : memref<163840x128xf32, #tpu.memory_space<hbm>> -> memref<128x128xf32, #tpu.memory_space<hbm>>
    %dma_wait3A_41 = arith.constant 0 : i32
    %dma_wait3A_42 = arith.constant 0 : i32
    %dma_wait3A_43 = tpu.memref_slice %arg6[%dma_wait3A_41, %dma_wait3A_42] : memref<163840x128xf32, #tpu.memory_space<hbm>> -> memref<128x128xf32, #tpu.memory_space<hbm>>
    tpu.wait_dma2 semaphore(%arg20 : memref<!tpu.dma_semaphore, #tpu.memory_space<semaphore_mem>>) src(%arg14 : memref<128x128xf32, #tpu.memory_space<vmem>>) dst(%dma_wait3A_43 : memref<128x128xf32, #tpu.memory_space<hbm>>)
    return
  }
}

#map = affine_map<(d0, d1) -> (0, 0)>
#map1 = affine_map<(d0, d1) -> (0, 0, 0)>
module attributes {stable_mosaic.version = 14 : i64} {
  func.func @_spmm_body(%arg0: i32, %arg1: i32, %arg2: memref<10240x128xf32, #tpu.memory_space<hbm>>, %arg3: memref<32x40x128xi32, #tpu.memory_space<hbm>>, %arg4: memref<32x40x128xi32, #tpu.memory_space<hbm>>, %arg5: memref<640x128xf32, #tpu.memory_space<hbm>>, %arg6: memref<2x10240x128xf32, #tpu.memory_space<hbm>>, %arg7: memref<40x128xi32, #tpu.memory_space<vmem>>, %arg8: memref<40x128xi32, #tpu.memory_space<vmem>>, %arg9: memref<128x128xf32, #tpu.memory_space<vmem>>, %arg10: memref<128x128xf32, #tpu.memory_space<vmem>>, %arg11: memref<10240x128xf32, #tpu.memory_space<vmem_shared>>, %arg12: memref<!tpu.dma_semaphore, #tpu.memory_space<semaphore_mem>>, %arg13: memref<!tpu.dma_semaphore, #tpu.memory_space<semaphore_mem>>, %arg14: memref<!tpu.dma_semaphore, #tpu.memory_space<semaphore_mem>>) attributes {dimension_semantics = [#tpu.dimension_semantics<core_parallel>, #tpu.dimension_semantics<subcore_parallel>], iteration_bounds = array<i64: 2, 16>, scalar_prefetch = 0 : i64, scratch_operands = 8 : i64, tpu.core_type = #tpu.core_type<sc_vector_subcore>, window_params = [{transform_indices = #map}, {transform_indices = #map1}, {transform_indices = #map1}, {transform_indices = #map}, {transform_indices = #map1}]} {
    %mul3A = arith.constant 16 : i32
    %mul3A_0 = arith.muli %arg0, %mul3A : i32
    %add3A = arith.addi %mul3A_0, %arg1 : i32
    %mul3A_1 = arith.constant 640 : i32
    %mul3A_2 = arith.muli %arg1, %mul3A_1 : i32
    "tpu.region"() ({
      %run_scoped3A = tpu.sem_alloc : memref<!tpu.dma_semaphore, #tpu.memory_space<semaphore_mem>>
      %dma_start3A_26 = arith.constant 0 : i32
      %dma_start3A_27 = tpu.memref_slice %arg11[%mul3A_2, %dma_start3A_26] : memref<10240x128xf32, #tpu.memory_space<vmem_shared>> -> memref<640x128xf32, #tpu.memory_space<vmem_shared>>
      tpu.enqueue_dma source(%arg5 : memref<640x128xf32, #tpu.memory_space<hbm>>) target(%dma_start3A_27 : memref<640x128xf32, #tpu.memory_space<vmem_shared>>) target_semaphore(%run_scoped3A : memref<!tpu.dma_semaphore, #tpu.memory_space<semaphore_mem>>)
      %dma_wait3A = arith.constant 0 : i32
      %dma_wait3A_28 = tpu.memref_slice %arg11[%mul3A_2, %dma_wait3A] : memref<10240x128xf32, #tpu.memory_space<vmem_shared>> -> memref<640x128xf32, #tpu.memory_space<vmem_shared>>
      tpu.wait_dma2 semaphore(%run_scoped3A : memref<!tpu.dma_semaphore, #tpu.memory_space<semaphore_mem>>) src(%arg5 : memref<640x128xf32, #tpu.memory_space<hbm>>) dst(%dma_wait3A_28 : memref<640x128xf32, #tpu.memory_space<vmem_shared>>)
      tpu.yield
    }) : () -> ()
    "tpu.region"() ({
      %run_scoped3A = tpu.sem_alloc : memref<!tpu.dma_semaphore, #tpu.memory_space<semaphore_mem>>
      %dma_start3A_26 = arith.constant 0 : i32
      %dma_start3A_27 = arith.constant 0 : i32
      %dma_start3A_28 = tpu.memref_slice %arg3[%add3A, %dma_start3A_26, %dma_start3A_27] : memref<32x40x128xi32, #tpu.memory_space<hbm>> -> memref<1x40x128xi32, #tpu.memory_space<hbm>>
      %dma_start3A_29 = tpu.memref_squeeze %dma_start3A_28 : memref<1x40x128xi32, #tpu.memory_space<hbm>> -> memref<40x128xi32, #tpu.memory_space<hbm>>
      %dma_start3A_30 = arith.constant 0 : i32
      %dma_start3A_31 = arith.constant 0 : i32
      %dma_start3A_32 = tpu.memref_slice %arg3[%add3A, %dma_start3A_30, %dma_start3A_31] : memref<32x40x128xi32, #tpu.memory_space<hbm>> -> memref<1x40x128xi32, #tpu.memory_space<hbm>>
      %dma_start3A_33 = tpu.memref_squeeze %dma_start3A_32 : memref<1x40x128xi32, #tpu.memory_space<hbm>> -> memref<40x128xi32, #tpu.memory_space<hbm>>
      tpu.enqueue_dma source(%dma_start3A_33 : memref<40x128xi32, #tpu.memory_space<hbm>>) target(%arg7 : memref<40x128xi32, #tpu.memory_space<vmem>>) target_semaphore(%run_scoped3A : memref<!tpu.dma_semaphore, #tpu.memory_space<semaphore_mem>>)
      %dma_wait3A = arith.constant 0 : i32
      %dma_wait3A_34 = arith.constant 0 : i32
      %dma_wait3A_35 = tpu.memref_slice %arg3[%add3A, %dma_wait3A, %dma_wait3A_34] : memref<32x40x128xi32, #tpu.memory_space<hbm>> -> memref<1x40x128xi32, #tpu.memory_space<hbm>>
      %dma_wait3A_36 = tpu.memref_squeeze %dma_wait3A_35 : memref<1x40x128xi32, #tpu.memory_space<hbm>> -> memref<40x128xi32, #tpu.memory_space<hbm>>
      %dma_wait3A_37 = arith.constant 0 : i32
      %dma_wait3A_38 = arith.constant 0 : i32
      %dma_wait3A_39 = tpu.memref_slice %arg3[%add3A, %dma_wait3A_37, %dma_wait3A_38] : memref<32x40x128xi32, #tpu.memory_space<hbm>> -> memref<1x40x128xi32, #tpu.memory_space<hbm>>
      %dma_wait3A_40 = tpu.memref_squeeze %dma_wait3A_39 : memref<1x40x128xi32, #tpu.memory_space<hbm>> -> memref<40x128xi32, #tpu.memory_space<hbm>>
      tpu.wait_dma2 semaphore(%run_scoped3A : memref<!tpu.dma_semaphore, #tpu.memory_space<semaphore_mem>>) src(%dma_wait3A_40 : memref<40x128xi32, #tpu.memory_space<hbm>>) dst(%arg7 : memref<40x128xi32, #tpu.memory_space<vmem>>)
      tpu.yield
    }) : () -> ()
    "tpu.region"() ({
      %run_scoped3A = tpu.sem_alloc : memref<!tpu.dma_semaphore, #tpu.memory_space<semaphore_mem>>
      %dma_start3A_26 = arith.constant 0 : i32
      %dma_start3A_27 = arith.constant 0 : i32
      %dma_start3A_28 = tpu.memref_slice %arg4[%add3A, %dma_start3A_26, %dma_start3A_27] : memref<32x40x128xi32, #tpu.memory_space<hbm>> -> memref<1x40x128xi32, #tpu.memory_space<hbm>>
      %dma_start3A_29 = tpu.memref_squeeze %dma_start3A_28 : memref<1x40x128xi32, #tpu.memory_space<hbm>> -> memref<40x128xi32, #tpu.memory_space<hbm>>
      %dma_start3A_30 = arith.constant 0 : i32
      %dma_start3A_31 = arith.constant 0 : i32
      %dma_start3A_32 = tpu.memref_slice %arg4[%add3A, %dma_start3A_30, %dma_start3A_31] : memref<32x40x128xi32, #tpu.memory_space<hbm>> -> memref<1x40x128xi32, #tpu.memory_space<hbm>>
      %dma_start3A_33 = tpu.memref_squeeze %dma_start3A_32 : memref<1x40x128xi32, #tpu.memory_space<hbm>> -> memref<40x128xi32, #tpu.memory_space<hbm>>
      tpu.enqueue_dma source(%dma_start3A_33 : memref<40x128xi32, #tpu.memory_space<hbm>>) target(%arg8 : memref<40x128xi32, #tpu.memory_space<vmem>>) target_semaphore(%run_scoped3A : memref<!tpu.dma_semaphore, #tpu.memory_space<semaphore_mem>>)
      %dma_wait3A = arith.constant 0 : i32
      %dma_wait3A_34 = arith.constant 0 : i32
      %dma_wait3A_35 = tpu.memref_slice %arg4[%add3A, %dma_wait3A, %dma_wait3A_34] : memref<32x40x128xi32, #tpu.memory_space<hbm>> -> memref<1x40x128xi32, #tpu.memory_space<hbm>>
      %dma_wait3A_36 = tpu.memref_squeeze %dma_wait3A_35 : memref<1x40x128xi32, #tpu.memory_space<hbm>> -> memref<40x128xi32, #tpu.memory_space<hbm>>
      %dma_wait3A_37 = arith.constant 0 : i32
      %dma_wait3A_38 = arith.constant 0 : i32
      %dma_wait3A_39 = tpu.memref_slice %arg4[%add3A, %dma_wait3A_37, %dma_wait3A_38] : memref<32x40x128xi32, #tpu.memory_space<hbm>> -> memref<1x40x128xi32, #tpu.memory_space<hbm>>
      %dma_wait3A_40 = tpu.memref_squeeze %dma_wait3A_39 : memref<1x40x128xi32, #tpu.memory_space<hbm>> -> memref<40x128xi32, #tpu.memory_space<hbm>>
      tpu.wait_dma2 semaphore(%run_scoped3A : memref<!tpu.dma_semaphore, #tpu.memory_space<semaphore_mem>>) src(%dma_wait3A_40 : memref<40x128xi32, #tpu.memory_space<hbm>>) dst(%arg8 : memref<40x128xi32, #tpu.memory_space<vmem>>)
      tpu.yield
    }) : () -> ()
    %barrier3A = arith.constant 0 : index
    tpu.barrier barrier_id(%barrier3A)
    %dma_start3A = arith.constant 0 : i32
    %dma_start3A_3 = arith.constant 0 : i32
    %dma_start3A_4 = tpu.memref_slice %arg7[%dma_start3A, %dma_start3A_3] : memref<40x128xi32, #tpu.memory_space<vmem>> -> memref<1x128xi32, #tpu.memory_space<vmem>>
    %dma_start3A_5 = tpu.memref_squeeze %dma_start3A_4 : memref<1x128xi32, #tpu.memory_space<vmem>> -> memref<128xi32, #tpu.memory_space<vmem>>
    %dma_start3A_6 = arith.constant 0 : i32
    %dma_start3A_7 = arith.constant 0 : i32
    %dma_start3A_8 = tpu.memref_slice %arg2[%dma_start3A_6, %dma_start3A_7] : memref<10240x128xf32, #tpu.memory_space<hbm>> -> memref<10240x128xf32, #tpu.memory_space<hbm>>
    tpu.enqueue_indirect_dma source(%dma_start3A_8 : memref<10240x128xf32, #tpu.memory_space<hbm>>) target(%arg9 : memref<128x128xf32, #tpu.memory_space<vmem>>) offsets(%dma_start3A_5 : memref<128xi32, #tpu.memory_space<vmem>>) semaphore(%arg12 : memref<!tpu.dma_semaphore, #tpu.memory_space<semaphore_mem>>)
    %dma_start3A_9 = arith.constant 1 : i32
    %dma_start3A_10 = arith.constant 0 : i32
    %dma_start3A_11 = tpu.memref_slice %arg7[%dma_start3A_9, %dma_start3A_10] : memref<40x128xi32, #tpu.memory_space<vmem>> -> memref<1x128xi32, #tpu.memory_space<vmem>>
    %dma_start3A_12 = tpu.memref_squeeze %dma_start3A_11 : memref<1x128xi32, #tpu.memory_space<vmem>> -> memref<128xi32, #tpu.memory_space<vmem>>
    %dma_start3A_13 = arith.constant 0 : i32
    %dma_start3A_14 = arith.constant 0 : i32
    %dma_start3A_15 = tpu.memref_slice %arg2[%dma_start3A_13, %dma_start3A_14] : memref<10240x128xf32, #tpu.memory_space<hbm>> -> memref<10240x128xf32, #tpu.memory_space<hbm>>
    tpu.enqueue_indirect_dma source(%dma_start3A_15 : memref<10240x128xf32, #tpu.memory_space<hbm>>) target(%arg10 : memref<128x128xf32, #tpu.memory_space<vmem>>) offsets(%dma_start3A_12 : memref<128xi32, #tpu.memory_space<vmem>>) semaphore(%arg13 : memref<!tpu.dma_semaphore, #tpu.memory_space<semaphore_mem>>)
    %scan3A = arith.constant 0 : i32
    %scan3A_16 = arith.constant 0 : i32
    %scan3A_17 = arith.constant 20 : i32
    %scan3A_18 = arith.addi %scan3A_16, %scan3A_17 : i32
    %scan3A_19 = arith.constant 1 : i32
    scf.for %scan3A_26 = %scan3A_16 to %scan3A_18 step %scan3A_19  : i32 {
      %mul3A_27 = arith.constant 2 : i32
      %mul3A_28 = arith.muli %scan3A_26, %mul3A_27 : i32
      %add3A_29 = arith.constant 0 : i32
      %add3A_30 = arith.addi %mul3A_28, %add3A_29 : i32
      %dma_wait3A = arith.constant 0 : i32
      %dma_wait3A_31 = tpu.memref_slice %arg7[%add3A_30, %dma_wait3A] : memref<40x128xi32, #tpu.memory_space<vmem>> -> memref<1x128xi32, #tpu.memory_space<vmem>>
      %dma_wait3A_32 = tpu.memref_squeeze %dma_wait3A_31 : memref<1x128xi32, #tpu.memory_space<vmem>> -> memref<128xi32, #tpu.memory_space<vmem>>
      %dma_wait3A_33 = arith.constant 0 : i32
      %dma_wait3A_34 = arith.constant 0 : i32
      %dma_wait3A_35 = tpu.memref_slice %arg2[%dma_wait3A_33, %dma_wait3A_34] : memref<10240x128xf32, #tpu.memory_space<hbm>> -> memref<10240x128xf32, #tpu.memory_space<hbm>>
      tpu.wait_indirect_dma semaphore(%arg12 : memref<!tpu.dma_semaphore, #tpu.memory_space<semaphore_mem>>) src(%dma_wait3A_35 : memref<10240x128xf32, #tpu.memory_space<hbm>>) dst(%arg9 : memref<128x128xf32, #tpu.memory_space<vmem>>)
      %dma_start3A_36 = arith.constant 0 : i32
      %dma_start3A_37 = tpu.memref_slice %arg8[%add3A_30, %dma_start3A_36] : memref<40x128xi32, #tpu.memory_space<vmem>> -> memref<1x128xi32, #tpu.memory_space<vmem>>
      %dma_start3A_38 = tpu.memref_squeeze %dma_start3A_37 : memref<1x128xi32, #tpu.memory_space<vmem>> -> memref<128xi32, #tpu.memory_space<vmem>>
      %dma_start3A_39 = arith.constant 0 : i32
      %dma_start3A_40 = arith.constant 0 : i32
      %dma_start3A_41 = tpu.memref_slice %arg11[%dma_start3A_39, %dma_start3A_40] : memref<10240x128xf32, #tpu.memory_space<vmem_shared>> -> memref<10240x128xf32, #tpu.memory_space<vmem_shared>>
      tpu.enqueue_indirect_dma source(%arg9 : memref<128x128xf32, #tpu.memory_space<vmem>>) target(%dma_start3A_41 : memref<10240x128xf32, #tpu.memory_space<vmem_shared>>) offsets(%dma_start3A_38 : memref<128xi32, #tpu.memory_space<vmem>>) semaphore(%arg14 : memref<!tpu.dma_semaphore, #tpu.memory_space<semaphore_mem>>) {add = true}
      %dma_wait3A_42 = arith.constant 0 : i32
      %dma_wait3A_43 = tpu.memref_slice %arg8[%add3A_30, %dma_wait3A_42] : memref<40x128xi32, #tpu.memory_space<vmem>> -> memref<1x128xi32, #tpu.memory_space<vmem>>
      %dma_wait3A_44 = tpu.memref_squeeze %dma_wait3A_43 : memref<1x128xi32, #tpu.memory_space<vmem>> -> memref<128xi32, #tpu.memory_space<vmem>>
      %dma_wait3A_45 = arith.constant 0 : i32
      %dma_wait3A_46 = arith.constant 0 : i32
      %dma_wait3A_47 = tpu.memref_slice %arg11[%dma_wait3A_45, %dma_wait3A_46] : memref<10240x128xf32, #tpu.memory_space<vmem_shared>> -> memref<10240x128xf32, #tpu.memory_space<vmem_shared>>
      tpu.wait_indirect_dma semaphore(%arg14 : memref<!tpu.dma_semaphore, #tpu.memory_space<semaphore_mem>>) src(%arg9 : memref<128x128xf32, #tpu.memory_space<vmem>>) dst(%dma_wait3A_47 : memref<10240x128xf32, #tpu.memory_space<vmem_shared>>)
      %lt3A = arith.constant 19 : i32
      %lt3A_48 = arith.cmpi slt, %scan3A_26, %lt3A : i32
      %convert_element_type3A = arith.extui %lt3A_48 : i1 to i32
      %cond3A = arith.constant 0 : i32
      %cond3A_49 = arith.cmpi ne, %convert_element_type3A, %cond3A : i32
      scf.if %cond3A_49 {
        %add3A_77 = arith.constant 2 : i32
        %add3A_78 = arith.addi %add3A_30, %add3A_77 : i32
        %dma_start3A_79 = arith.constant 0 : i32
        %dma_start3A_80 = tpu.memref_slice %arg7[%add3A_78, %dma_start3A_79] : memref<40x128xi32, #tpu.memory_space<vmem>> -> memref<1x128xi32, #tpu.memory_space<vmem>>
        %dma_start3A_81 = tpu.memref_squeeze %dma_start3A_80 : memref<1x128xi32, #tpu.memory_space<vmem>> -> memref<128xi32, #tpu.memory_space<vmem>>
        %dma_start3A_82 = arith.constant 0 : i32
        %dma_start3A_83 = arith.constant 0 : i32
        %dma_start3A_84 = tpu.memref_slice %arg2[%dma_start3A_82, %dma_start3A_83] : memref<10240x128xf32, #tpu.memory_space<hbm>> -> memref<10240x128xf32, #tpu.memory_space<hbm>>
        tpu.enqueue_indirect_dma source(%dma_start3A_84 : memref<10240x128xf32, #tpu.memory_space<hbm>>) target(%arg9 : memref<128x128xf32, #tpu.memory_space<vmem>>) offsets(%dma_start3A_81 : memref<128xi32, #tpu.memory_space<vmem>>) semaphore(%arg12 : memref<!tpu.dma_semaphore, #tpu.memory_space<semaphore_mem>>)
      } else {
      }
      %mul3A_50 = arith.constant 2 : i32
      %mul3A_51 = arith.muli %scan3A_26, %mul3A_50 : i32
      %add3A_52 = arith.constant 1 : i32
      %add3A_53 = arith.addi %mul3A_51, %add3A_52 : i32
      %dma_wait3A_54 = arith.constant 0 : i32
      %dma_wait3A_55 = tpu.memref_slice %arg7[%add3A_53, %dma_wait3A_54] : memref<40x128xi32, #tpu.memory_space<vmem>> -> memref<1x128xi32, #tpu.memory_space<vmem>>
      %dma_wait3A_56 = tpu.memref_squeeze %dma_wait3A_55 : memref<1x128xi32, #tpu.memory_space<vmem>> -> memref<128xi32, #tpu.memory_space<vmem>>
      %dma_wait3A_57 = arith.constant 0 : i32
      %dma_wait3A_58 = arith.constant 0 : i32
      %dma_wait3A_59 = tpu.memref_slice %arg2[%dma_wait3A_57, %dma_wait3A_58] : memref<10240x128xf32, #tpu.memory_space<hbm>> -> memref<10240x128xf32, #tpu.memory_space<hbm>>
      tpu.wait_indirect_dma semaphore(%arg13 : memref<!tpu.dma_semaphore, #tpu.memory_space<semaphore_mem>>) src(%dma_wait3A_59 : memref<10240x128xf32, #tpu.memory_space<hbm>>) dst(%arg10 : memref<128x128xf32, #tpu.memory_space<vmem>>)
      %dma_start3A_60 = arith.constant 0 : i32
      %dma_start3A_61 = tpu.memref_slice %arg8[%add3A_53, %dma_start3A_60] : memref<40x128xi32, #tpu.memory_space<vmem>> -> memref<1x128xi32, #tpu.memory_space<vmem>>
      %dma_start3A_62 = tpu.memref_squeeze %dma_start3A_61 : memref<1x128xi32, #tpu.memory_space<vmem>> -> memref<128xi32, #tpu.memory_space<vmem>>
      %dma_start3A_63 = arith.constant 0 : i32
      %dma_start3A_64 = arith.constant 0 : i32
      %dma_start3A_65 = tpu.memref_slice %arg11[%dma_start3A_63, %dma_start3A_64] : memref<10240x128xf32, #tpu.memory_space<vmem_shared>> -> memref<10240x128xf32, #tpu.memory_space<vmem_shared>>
      tpu.enqueue_indirect_dma source(%arg10 : memref<128x128xf32, #tpu.memory_space<vmem>>) target(%dma_start3A_65 : memref<10240x128xf32, #tpu.memory_space<vmem_shared>>) offsets(%dma_start3A_62 : memref<128xi32, #tpu.memory_space<vmem>>) semaphore(%arg14 : memref<!tpu.dma_semaphore, #tpu.memory_space<semaphore_mem>>) {add = true}
      %dma_wait3A_66 = arith.constant 0 : i32
      %dma_wait3A_67 = tpu.memref_slice %arg8[%add3A_53, %dma_wait3A_66] : memref<40x128xi32, #tpu.memory_space<vmem>> -> memref<1x128xi32, #tpu.memory_space<vmem>>
      %dma_wait3A_68 = tpu.memref_squeeze %dma_wait3A_67 : memref<1x128xi32, #tpu.memory_space<vmem>> -> memref<128xi32, #tpu.memory_space<vmem>>
      %dma_wait3A_69 = arith.constant 0 : i32
      %dma_wait3A_70 = arith.constant 0 : i32
      %dma_wait3A_71 = tpu.memref_slice %arg11[%dma_wait3A_69, %dma_wait3A_70] : memref<10240x128xf32, #tpu.memory_space<vmem_shared>> -> memref<10240x128xf32, #tpu.memory_space<vmem_shared>>
      tpu.wait_indirect_dma semaphore(%arg14 : memref<!tpu.dma_semaphore, #tpu.memory_space<semaphore_mem>>) src(%arg10 : memref<128x128xf32, #tpu.memory_space<vmem>>) dst(%dma_wait3A_71 : memref<10240x128xf32, #tpu.memory_space<vmem_shared>>)
      %lt3A_72 = arith.constant 19 : i32
      %lt3A_73 = arith.cmpi slt, %scan3A_26, %lt3A_72 : i32
      %convert_element_type3A_74 = arith.extui %lt3A_73 : i1 to i32
      %cond3A_75 = arith.constant 0 : i32
      %cond3A_76 = arith.cmpi ne, %convert_element_type3A_74, %cond3A_75 : i32
      scf.if %cond3A_76 {
        %add3A_77 = arith.constant 2 : i32
        %add3A_78 = arith.addi %add3A_53, %add3A_77 : i32
        %dma_start3A_79 = arith.constant 0 : i32
        %dma_start3A_80 = tpu.memref_slice %arg7[%add3A_78, %dma_start3A_79] : memref<40x128xi32, #tpu.memory_space<vmem>> -> memref<1x128xi32, #tpu.memory_space<vmem>>
        %dma_start3A_81 = tpu.memref_squeeze %dma_start3A_80 : memref<1x128xi32, #tpu.memory_space<vmem>> -> memref<128xi32, #tpu.memory_space<vmem>>
        %dma_start3A_82 = arith.constant 0 : i32
        %dma_start3A_83 = arith.constant 0 : i32
        %dma_start3A_84 = tpu.memref_slice %arg2[%dma_start3A_82, %dma_start3A_83] : memref<10240x128xf32, #tpu.memory_space<hbm>> -> memref<10240x128xf32, #tpu.memory_space<hbm>>
        tpu.enqueue_indirect_dma source(%dma_start3A_84 : memref<10240x128xf32, #tpu.memory_space<hbm>>) target(%arg10 : memref<128x128xf32, #tpu.memory_space<vmem>>) offsets(%dma_start3A_81 : memref<128xi32, #tpu.memory_space<vmem>>) semaphore(%arg13 : memref<!tpu.dma_semaphore, #tpu.memory_space<semaphore_mem>>)
      } else {
      }
    }
    %scan3A_20 = arith.constant 20 : i32
    %barrier3A_21 = arith.constant 0 : index
    tpu.barrier barrier_id(%barrier3A_21)
    %mul3A_22 = arith.constant 640 : i32
    %mul3A_23 = arith.muli %arg1, %mul3A_22 : i32
    %mul3A_24 = arith.constant 640 : i32
    %mul3A_25 = arith.muli %arg1, %mul3A_24 : i32
    "tpu.region"() ({
      %run_scoped3A = tpu.sem_alloc : memref<!tpu.dma_semaphore, #tpu.memory_space<semaphore_mem>>
      %dma_start3A_26 = arith.constant 0 : i32
      %dma_start3A_27 = tpu.memref_slice %arg6[%arg0, %mul3A_25, %dma_start3A_26] : memref<2x10240x128xf32, #tpu.memory_space<hbm>> -> memref<1x640x128xf32, #tpu.memory_space<hbm>>
      %dma_start3A_28 = tpu.memref_squeeze %dma_start3A_27 : memref<1x640x128xf32, #tpu.memory_space<hbm>> -> memref<640x128xf32, #tpu.memory_space<hbm>>
      %dma_start3A_29 = arith.constant 0 : i32
      %dma_start3A_30 = tpu.memref_slice %arg11[%mul3A_23, %dma_start3A_29] : memref<10240x128xf32, #tpu.memory_space<vmem_shared>> -> memref<640x128xf32, #tpu.memory_space<vmem_shared>>
      tpu.enqueue_dma source(%dma_start3A_30 : memref<640x128xf32, #tpu.memory_space<vmem_shared>>) target(%dma_start3A_28 : memref<640x128xf32, #tpu.memory_space<hbm>>) target_semaphore(%run_scoped3A : memref<!tpu.dma_semaphore, #tpu.memory_space<semaphore_mem>>)
      %dma_wait3A = arith.constant 0 : i32
      %dma_wait3A_31 = tpu.memref_slice %arg6[%arg0, %mul3A_25, %dma_wait3A] : memref<2x10240x128xf32, #tpu.memory_space<hbm>> -> memref<1x640x128xf32, #tpu.memory_space<hbm>>
      %dma_wait3A_32 = tpu.memref_squeeze %dma_wait3A_31 : memref<1x640x128xf32, #tpu.memory_space<hbm>> -> memref<640x128xf32, #tpu.memory_space<hbm>>
      %dma_wait3A_33 = arith.constant 0 : i32
      %dma_wait3A_34 = tpu.memref_slice %arg11[%mul3A_23, %dma_wait3A_33] : memref<10240x128xf32, #tpu.memory_space<vmem_shared>> -> memref<640x128xf32, #tpu.memory_space<vmem_shared>>
      tpu.wait_dma2 semaphore(%run_scoped3A : memref<!tpu.dma_semaphore, #tpu.memory_space<semaphore_mem>>) src(%dma_wait3A_34 : memref<640x128xf32, #tpu.memory_space<vmem_shared>>) dst(%dma_wait3A_32 : memref<640x128xf32, #tpu.memory_space<hbm>>)
      tpu.yield
    }) : () -> ()
    return
  }
}

#map = affine_map<(d0, d1) -> (0, 0)>
#map1 = affine_map<(d0, d1) -> (0, 0, 0)>
module attributes {stable_mosaic.version = 14 : i64} {
  func.func @_spmm_body(%arg0: i32, %arg1: i32, %arg2: memref<10240x128xf32, #tpu.memory_space<hbm>>, %arg3: memref<32x40x128xi32, #tpu.memory_space<hbm>>, %arg4: memref<32x40x128xi32, #tpu.memory_space<hbm>>, %arg5: memref<640x128xf32, #tpu.memory_space<hbm>>, %arg6: memref<2x10240x128xf32, #tpu.memory_space<hbm>>, %arg7: memref<40x128xi32, #tpu.memory_space<vmem>>, %arg8: memref<40x128xi32, #tpu.memory_space<vmem>>, %arg9: memref<128x128xf32, #tpu.memory_space<vmem>>, %arg10: memref<128x128xf32, #tpu.memory_space<vmem>>, %arg11: memref<10240x128xf32, #tpu.memory_space<vmem_shared>>, %arg12: memref<!tpu.dma_semaphore, #tpu.memory_space<semaphore_mem>>, %arg13: memref<!tpu.dma_semaphore, #tpu.memory_space<semaphore_mem>>, %arg14: memref<!tpu.dma_semaphore, #tpu.memory_space<semaphore_mem>>) attributes {dimension_semantics = [#tpu.dimension_semantics<core_parallel>, #tpu.dimension_semantics<subcore_parallel>], iteration_bounds = array<i64: 2, 16>, scalar_prefetch = 0 : i64, scratch_operands = 8 : i64, tpu.core_type = #tpu.core_type<sc_vector_subcore>, window_params = [{transform_indices = #map}, {transform_indices = #map1}, {transform_indices = #map1}, {transform_indices = #map}, {transform_indices = #map1}]} {
    %mul3A = arith.constant 16 : i32
    %mul3A_0 = arith.muli %arg0, %mul3A : i32
    %add3A = arith.addi %mul3A_0, %arg1 : i32
    %mul3A_1 = arith.constant 640 : i32
    %mul3A_2 = arith.muli %arg1, %mul3A_1 : i32
    "tpu.region"() ({
      %run_scoped3A = tpu.sem_alloc : memref<!tpu.dma_semaphore, #tpu.memory_space<semaphore_mem>>
      %dma_start3A_26 = arith.constant 0 : i32
      %dma_start3A_27 = tpu.memref_slice %arg11[%mul3A_2, %dma_start3A_26] : memref<10240x128xf32, #tpu.memory_space<vmem_shared>> -> memref<640x128xf32, #tpu.memory_space<vmem_shared>>
      tpu.enqueue_dma source(%arg5 : memref<640x128xf32, #tpu.memory_space<hbm>>) target(%dma_start3A_27 : memref<640x128xf32, #tpu.memory_space<vmem_shared>>) target_semaphore(%run_scoped3A : memref<!tpu.dma_semaphore, #tpu.memory_space<semaphore_mem>>)
      %dma_wait3A = arith.constant 0 : i32
      %dma_wait3A_28 = tpu.memref_slice %arg11[%mul3A_2, %dma_wait3A] : memref<10240x128xf32, #tpu.memory_space<vmem_shared>> -> memref<640x128xf32, #tpu.memory_space<vmem_shared>>
      tpu.wait_dma2 semaphore(%run_scoped3A : memref<!tpu.dma_semaphore, #tpu.memory_space<semaphore_mem>>) src(%arg5 : memref<640x128xf32, #tpu.memory_space<hbm>>) dst(%dma_wait3A_28 : memref<640x128xf32, #tpu.memory_space<vmem_shared>>)
      tpu.yield
    }) : () -> ()
    "tpu.region"() ({
      %run_scoped3A = tpu.sem_alloc : memref<!tpu.dma_semaphore, #tpu.memory_space<semaphore_mem>>
      %dma_start3A_26 = arith.constant 0 : i32
      %dma_start3A_27 = arith.constant 0 : i32
      %dma_start3A_28 = tpu.memref_slice %arg3[%add3A, %dma_start3A_26, %dma_start3A_27] : memref<32x40x128xi32, #tpu.memory_space<hbm>> -> memref<1x40x128xi32, #tpu.memory_space<hbm>>
      %dma_start3A_29 = tpu.memref_squeeze %dma_start3A_28 : memref<1x40x128xi32, #tpu.memory_space<hbm>> -> memref<40x128xi32, #tpu.memory_space<hbm>>
      %dma_start3A_30 = arith.constant 0 : i32
      %dma_start3A_31 = arith.constant 0 : i32
      %dma_start3A_32 = tpu.memref_slice %arg3[%add3A, %dma_start3A_30, %dma_start3A_31] : memref<32x40x128xi32, #tpu.memory_space<hbm>> -> memref<1x40x128xi32, #tpu.memory_space<hbm>>
      %dma_start3A_33 = tpu.memref_squeeze %dma_start3A_32 : memref<1x40x128xi32, #tpu.memory_space<hbm>> -> memref<40x128xi32, #tpu.memory_space<hbm>>
      tpu.enqueue_dma source(%dma_start3A_33 : memref<40x128xi32, #tpu.memory_space<hbm>>) target(%arg7 : memref<40x128xi32, #tpu.memory_space<vmem>>) target_semaphore(%run_scoped3A : memref<!tpu.dma_semaphore, #tpu.memory_space<semaphore_mem>>)
      %dma_wait3A = arith.constant 0 : i32
      %dma_wait3A_34 = arith.constant 0 : i32
      %dma_wait3A_35 = tpu.memref_slice %arg3[%add3A, %dma_wait3A, %dma_wait3A_34] : memref<32x40x128xi32, #tpu.memory_space<hbm>> -> memref<1x40x128xi32, #tpu.memory_space<hbm>>
      %dma_wait3A_36 = tpu.memref_squeeze %dma_wait3A_35 : memref<1x40x128xi32, #tpu.memory_space<hbm>> -> memref<40x128xi32, #tpu.memory_space<hbm>>
      %dma_wait3A_37 = arith.constant 0 : i32
      %dma_wait3A_38 = arith.constant 0 : i32
      %dma_wait3A_39 = tpu.memref_slice %arg3[%add3A, %dma_wait3A_37, %dma_wait3A_38] : memref<32x40x128xi32, #tpu.memory_space<hbm>> -> memref<1x40x128xi32, #tpu.memory_space<hbm>>
      %dma_wait3A_40 = tpu.memref_squeeze %dma_wait3A_39 : memref<1x40x128xi32, #tpu.memory_space<hbm>> -> memref<40x128xi32, #tpu.memory_space<hbm>>
      tpu.wait_dma2 semaphore(%run_scoped3A : memref<!tpu.dma_semaphore, #tpu.memory_space<semaphore_mem>>) src(%dma_wait3A_40 : memref<40x128xi32, #tpu.memory_space<hbm>>) dst(%arg7 : memref<40x128xi32, #tpu.memory_space<vmem>>)
      tpu.yield
    }) : () -> ()
    "tpu.region"() ({
      %run_scoped3A = tpu.sem_alloc : memref<!tpu.dma_semaphore, #tpu.memory_space<semaphore_mem>>
      %dma_start3A_26 = arith.constant 0 : i32
      %dma_start3A_27 = arith.constant 0 : i32
      %dma_start3A_28 = tpu.memref_slice %arg4[%add3A, %dma_start3A_26, %dma_start3A_27] : memref<32x40x128xi32, #tpu.memory_space<hbm>> -> memref<1x40x128xi32, #tpu.memory_space<hbm>>
      %dma_start3A_29 = tpu.memref_squeeze %dma_start3A_28 : memref<1x40x128xi32, #tpu.memory_space<hbm>> -> memref<40x128xi32, #tpu.memory_space<hbm>>
      %dma_start3A_30 = arith.constant 0 : i32
      %dma_start3A_31 = arith.constant 0 : i32
      %dma_start3A_32 = tpu.memref_slice %arg4[%add3A, %dma_start3A_30, %dma_start3A_31] : memref<32x40x128xi32, #tpu.memory_space<hbm>> -> memref<1x40x128xi32, #tpu.memory_space<hbm>>
      %dma_start3A_33 = tpu.memref_squeeze %dma_start3A_32 : memref<1x40x128xi32, #tpu.memory_space<hbm>> -> memref<40x128xi32, #tpu.memory_space<hbm>>
      tpu.enqueue_dma source(%dma_start3A_33 : memref<40x128xi32, #tpu.memory_space<hbm>>) target(%arg8 : memref<40x128xi32, #tpu.memory_space<vmem>>) target_semaphore(%run_scoped3A : memref<!tpu.dma_semaphore, #tpu.memory_space<semaphore_mem>>)
      %dma_wait3A = arith.constant 0 : i32
      %dma_wait3A_34 = arith.constant 0 : i32
      %dma_wait3A_35 = tpu.memref_slice %arg4[%add3A, %dma_wait3A, %dma_wait3A_34] : memref<32x40x128xi32, #tpu.memory_space<hbm>> -> memref<1x40x128xi32, #tpu.memory_space<hbm>>
      %dma_wait3A_36 = tpu.memref_squeeze %dma_wait3A_35 : memref<1x40x128xi32, #tpu.memory_space<hbm>> -> memref<40x128xi32, #tpu.memory_space<hbm>>
      %dma_wait3A_37 = arith.constant 0 : i32
      %dma_wait3A_38 = arith.constant 0 : i32
      %dma_wait3A_39 = tpu.memref_slice %arg4[%add3A, %dma_wait3A_37, %dma_wait3A_38] : memref<32x40x128xi32, #tpu.memory_space<hbm>> -> memref<1x40x128xi32, #tpu.memory_space<hbm>>
      %dma_wait3A_40 = tpu.memref_squeeze %dma_wait3A_39 : memref<1x40x128xi32, #tpu.memory_space<hbm>> -> memref<40x128xi32, #tpu.memory_space<hbm>>
      tpu.wait_dma2 semaphore(%run_scoped3A : memref<!tpu.dma_semaphore, #tpu.memory_space<semaphore_mem>>) src(%dma_wait3A_40 : memref<40x128xi32, #tpu.memory_space<hbm>>) dst(%arg8 : memref<40x128xi32, #tpu.memory_space<vmem>>)
      tpu.yield
    }) : () -> ()
    %barrier3A = arith.constant 0 : index
    tpu.barrier barrier_id(%barrier3A)
    %dma_start3A = arith.constant 0 : i32
    %dma_start3A_3 = arith.constant 0 : i32
    %dma_start3A_4 = tpu.memref_slice %arg7[%dma_start3A, %dma_start3A_3] : memref<40x128xi32, #tpu.memory_space<vmem>> -> memref<1x128xi32, #tpu.memory_space<vmem>>
    %dma_start3A_5 = tpu.memref_squeeze %dma_start3A_4 : memref<1x128xi32, #tpu.memory_space<vmem>> -> memref<128xi32, #tpu.memory_space<vmem>>
    %dma_start3A_6 = arith.constant 0 : i32
    %dma_start3A_7 = arith.constant 0 : i32
    %dma_start3A_8 = tpu.memref_slice %arg2[%dma_start3A_6, %dma_start3A_7] : memref<10240x128xf32, #tpu.memory_space<hbm>> -> memref<10240x128xf32, #tpu.memory_space<hbm>>
    tpu.enqueue_indirect_dma source(%dma_start3A_8 : memref<10240x128xf32, #tpu.memory_space<hbm>>) target(%arg9 : memref<128x128xf32, #tpu.memory_space<vmem>>) offsets(%dma_start3A_5 : memref<128xi32, #tpu.memory_space<vmem>>) semaphore(%arg12 : memref<!tpu.dma_semaphore, #tpu.memory_space<semaphore_mem>>)
    %dma_start3A_9 = arith.constant 1 : i32
    %dma_start3A_10 = arith.constant 0 : i32
    %dma_start3A_11 = tpu.memref_slice %arg7[%dma_start3A_9, %dma_start3A_10] : memref<40x128xi32, #tpu.memory_space<vmem>> -> memref<1x128xi32, #tpu.memory_space<vmem>>
    %dma_start3A_12 = tpu.memref_squeeze %dma_start3A_11 : memref<1x128xi32, #tpu.memory_space<vmem>> -> memref<128xi32, #tpu.memory_space<vmem>>
    %dma_start3A_13 = arith.constant 0 : i32
    %dma_start3A_14 = arith.constant 0 : i32
    %dma_start3A_15 = tpu.memref_slice %arg2[%dma_start3A_13, %dma_start3A_14] : memref<10240x128xf32, #tpu.memory_space<hbm>> -> memref<10240x128xf32, #tpu.memory_space<hbm>>
    tpu.enqueue_indirect_dma source(%dma_start3A_15 : memref<10240x128xf32, #tpu.memory_space<hbm>>) target(%arg10 : memref<128x128xf32, #tpu.memory_space<vmem>>) offsets(%dma_start3A_12 : memref<128xi32, #tpu.memory_space<vmem>>) semaphore(%arg13 : memref<!tpu.dma_semaphore, #tpu.memory_space<semaphore_mem>>)
    %scan3A = arith.constant 0 : i32
    %scan3A_16 = arith.constant 0 : i32
    %scan3A_17 = arith.constant 20 : i32
    %scan3A_18 = arith.addi %scan3A_16, %scan3A_17 : i32
    %scan3A_19 = arith.constant 1 : i32
    scf.for %scan3A_26 = %scan3A_16 to %scan3A_18 step %scan3A_19  : i32 {
      %mul3A_27 = arith.constant 2 : i32
      %mul3A_28 = arith.muli %scan3A_26, %mul3A_27 : i32
      %add3A_29 = arith.constant 0 : i32
      %add3A_30 = arith.addi %mul3A_28, %add3A_29 : i32
      %dma_wait3A = arith.constant 0 : i32
      %dma_wait3A_31 = tpu.memref_slice %arg7[%add3A_30, %dma_wait3A] : memref<40x128xi32, #tpu.memory_space<vmem>> -> memref<1x128xi32, #tpu.memory_space<vmem>>
      %dma_wait3A_32 = tpu.memref_squeeze %dma_wait3A_31 : memref<1x128xi32, #tpu.memory_space<vmem>> -> memref<128xi32, #tpu.memory_space<vmem>>
      %dma_wait3A_33 = arith.constant 0 : i32
      %dma_wait3A_34 = arith.constant 0 : i32
      %dma_wait3A_35 = tpu.memref_slice %arg2[%dma_wait3A_33, %dma_wait3A_34] : memref<10240x128xf32, #tpu.memory_space<hbm>> -> memref<10240x128xf32, #tpu.memory_space<hbm>>
      tpu.wait_indirect_dma semaphore(%arg12 : memref<!tpu.dma_semaphore, #tpu.memory_space<semaphore_mem>>) src(%dma_wait3A_35 : memref<10240x128xf32, #tpu.memory_space<hbm>>) dst(%arg9 : memref<128x128xf32, #tpu.memory_space<vmem>>)
      %dma_start3A_36 = arith.constant 0 : i32
      %dma_start3A_37 = tpu.memref_slice %arg8[%add3A_30, %dma_start3A_36] : memref<40x128xi32, #tpu.memory_space<vmem>> -> memref<1x128xi32, #tpu.memory_space<vmem>>
      %dma_start3A_38 = tpu.memref_squeeze %dma_start3A_37 : memref<1x128xi32, #tpu.memory_space<vmem>> -> memref<128xi32, #tpu.memory_space<vmem>>
      %dma_start3A_39 = arith.constant 0 : i32
      %dma_start3A_40 = arith.constant 0 : i32
      %dma_start3A_41 = tpu.memref_slice %arg11[%dma_start3A_39, %dma_start3A_40] : memref<10240x128xf32, #tpu.memory_space<vmem_shared>> -> memref<10240x128xf32, #tpu.memory_space<vmem_shared>>
      tpu.enqueue_indirect_dma source(%arg9 : memref<128x128xf32, #tpu.memory_space<vmem>>) target(%dma_start3A_41 : memref<10240x128xf32, #tpu.memory_space<vmem_shared>>) offsets(%dma_start3A_38 : memref<128xi32, #tpu.memory_space<vmem>>) semaphore(%arg14 : memref<!tpu.dma_semaphore, #tpu.memory_space<semaphore_mem>>) {add = true}
      %dma_wait3A_42 = arith.constant 0 : i32
      %dma_wait3A_43 = tpu.memref_slice %arg8[%add3A_30, %dma_wait3A_42] : memref<40x128xi32, #tpu.memory_space<vmem>> -> memref<1x128xi32, #tpu.memory_space<vmem>>
      %dma_wait3A_44 = tpu.memref_squeeze %dma_wait3A_43 : memref<1x128xi32, #tpu.memory_space<vmem>> -> memref<128xi32, #tpu.memory_space<vmem>>
      %dma_wait3A_45 = arith.constant 0 : i32
      %dma_wait3A_46 = arith.constant 0 : i32
      %dma_wait3A_47 = tpu.memref_slice %arg11[%dma_wait3A_45, %dma_wait3A_46] : memref<10240x128xf32, #tpu.memory_space<vmem_shared>> -> memref<10240x128xf32, #tpu.memory_space<vmem_shared>>
      tpu.wait_indirect_dma semaphore(%arg14 : memref<!tpu.dma_semaphore, #tpu.memory_space<semaphore_mem>>) src(%arg9 : memref<128x128xf32, #tpu.memory_space<vmem>>) dst(%dma_wait3A_47 : memref<10240x128xf32, #tpu.memory_space<vmem_shared>>)
      %lt3A = arith.constant 19 : i32
      %lt3A_48 = arith.cmpi slt, %scan3A_26, %lt3A : i32
      %convert_element_type3A = arith.extui %lt3A_48 : i1 to i32
      %cond3A = arith.constant 0 : i32
      %cond3A_49 = arith.cmpi ne, %convert_element_type3A, %cond3A : i32
      scf.if %cond3A_49 {
        %add3A_77 = arith.constant 2 : i32
        %add3A_78 = arith.addi %add3A_30, %add3A_77 : i32
        %dma_start3A_79 = arith.constant 0 : i32
        %dma_start3A_80 = tpu.memref_slice %arg7[%add3A_78, %dma_start3A_79] : memref<40x128xi32, #tpu.memory_space<vmem>> -> memref<1x128xi32, #tpu.memory_space<vmem>>
        %dma_start3A_81 = tpu.memref_squeeze %dma_start3A_80 : memref<1x128xi32, #tpu.memory_space<vmem>> -> memref<128xi32, #tpu.memory_space<vmem>>
        %dma_start3A_82 = arith.constant 0 : i32
        %dma_start3A_83 = arith.constant 0 : i32
        %dma_start3A_84 = tpu.memref_slice %arg2[%dma_start3A_82, %dma_start3A_83] : memref<10240x128xf32, #tpu.memory_space<hbm>> -> memref<10240x128xf32, #tpu.memory_space<hbm>>
        tpu.enqueue_indirect_dma source(%dma_start3A_84 : memref<10240x128xf32, #tpu.memory_space<hbm>>) target(%arg9 : memref<128x128xf32, #tpu.memory_space<vmem>>) offsets(%dma_start3A_81 : memref<128xi32, #tpu.memory_space<vmem>>) semaphore(%arg12 : memref<!tpu.dma_semaphore, #tpu.memory_space<semaphore_mem>>)
      } else {
      }
      %mul3A_50 = arith.constant 2 : i32
      %mul3A_51 = arith.muli %scan3A_26, %mul3A_50 : i32
      %add3A_52 = arith.constant 1 : i32
      %add3A_53 = arith.addi %mul3A_51, %add3A_52 : i32
      %dma_wait3A_54 = arith.constant 0 : i32
      %dma_wait3A_55 = tpu.memref_slice %arg7[%add3A_53, %dma_wait3A_54] : memref<40x128xi32, #tpu.memory_space<vmem>> -> memref<1x128xi32, #tpu.memory_space<vmem>>
      %dma_wait3A_56 = tpu.memref_squeeze %dma_wait3A_55 : memref<1x128xi32, #tpu.memory_space<vmem>> -> memref<128xi32, #tpu.memory_space<vmem>>
      %dma_wait3A_57 = arith.constant 0 : i32
      %dma_wait3A_58 = arith.constant 0 : i32
      %dma_wait3A_59 = tpu.memref_slice %arg2[%dma_wait3A_57, %dma_wait3A_58] : memref<10240x128xf32, #tpu.memory_space<hbm>> -> memref<10240x128xf32, #tpu.memory_space<hbm>>
      tpu.wait_indirect_dma semaphore(%arg13 : memref<!tpu.dma_semaphore, #tpu.memory_space<semaphore_mem>>) src(%dma_wait3A_59 : memref<10240x128xf32, #tpu.memory_space<hbm>>) dst(%arg10 : memref<128x128xf32, #tpu.memory_space<vmem>>)
      %dma_start3A_60 = arith.constant 0 : i32
      %dma_start3A_61 = tpu.memref_slice %arg8[%add3A_53, %dma_start3A_60] : memref<40x128xi32, #tpu.memory_space<vmem>> -> memref<1x128xi32, #tpu.memory_space<vmem>>
      %dma_start3A_62 = tpu.memref_squeeze %dma_start3A_61 : memref<1x128xi32, #tpu.memory_space<vmem>> -> memref<128xi32, #tpu.memory_space<vmem>>
      %dma_start3A_63 = arith.constant 0 : i32
      %dma_start3A_64 = arith.constant 0 : i32
      %dma_start3A_65 = tpu.memref_slice %arg11[%dma_start3A_63, %dma_start3A_64] : memref<10240x128xf32, #tpu.memory_space<vmem_shared>> -> memref<10240x128xf32, #tpu.memory_space<vmem_shared>>
      tpu.enqueue_indirect_dma source(%arg10 : memref<128x128xf32, #tpu.memory_space<vmem>>) target(%dma_start3A_65 : memref<10240x128xf32, #tpu.memory_space<vmem_shared>>) offsets(%dma_start3A_62 : memref<128xi32, #tpu.memory_space<vmem>>) semaphore(%arg14 : memref<!tpu.dma_semaphore, #tpu.memory_space<semaphore_mem>>) {add = true}
      %dma_wait3A_66 = arith.constant 0 : i32
      %dma_wait3A_67 = tpu.memref_slice %arg8[%add3A_53, %dma_wait3A_66] : memref<40x128xi32, #tpu.memory_space<vmem>> -> memref<1x128xi32, #tpu.memory_space<vmem>>
      %dma_wait3A_68 = tpu.memref_squeeze %dma_wait3A_67 : memref<1x128xi32, #tpu.memory_space<vmem>> -> memref<128xi32, #tpu.memory_space<vmem>>
      %dma_wait3A_69 = arith.constant 0 : i32
      %dma_wait3A_70 = arith.constant 0 : i32
      %dma_wait3A_71 = tpu.memref_slice %arg11[%dma_wait3A_69, %dma_wait3A_70] : memref<10240x128xf32, #tpu.memory_space<vmem_shared>> -> memref<10240x128xf32, #tpu.memory_space<vmem_shared>>
      tpu.wait_indirect_dma semaphore(%arg14 : memref<!tpu.dma_semaphore, #tpu.memory_space<semaphore_mem>>) src(%arg10 : memref<128x128xf32, #tpu.memory_space<vmem>>) dst(%dma_wait3A_71 : memref<10240x128xf32, #tpu.memory_space<vmem_shared>>)
      %lt3A_72 = arith.constant 19 : i32
      %lt3A_73 = arith.cmpi slt, %scan3A_26, %lt3A_72 : i32
      %convert_element_type3A_74 = arith.extui %lt3A_73 : i1 to i32
      %cond3A_75 = arith.constant 0 : i32
      %cond3A_76 = arith.cmpi ne, %convert_element_type3A_74, %cond3A_75 : i32
      scf.if %cond3A_76 {
        %add3A_77 = arith.constant 2 : i32
        %add3A_78 = arith.addi %add3A_53, %add3A_77 : i32
        %dma_start3A_79 = arith.constant 0 : i32
        %dma_start3A_80 = tpu.memref_slice %arg7[%add3A_78, %dma_start3A_79] : memref<40x128xi32, #tpu.memory_space<vmem>> -> memref<1x128xi32, #tpu.memory_space<vmem>>
        %dma_start3A_81 = tpu.memref_squeeze %dma_start3A_80 : memref<1x128xi32, #tpu.memory_space<vmem>> -> memref<128xi32, #tpu.memory_space<vmem>>
        %dma_start3A_82 = arith.constant 0 : i32
        %dma_start3A_83 = arith.constant 0 : i32
        %dma_start3A_84 = tpu.memref_slice %arg2[%dma_start3A_82, %dma_start3A_83] : memref<10240x128xf32, #tpu.memory_space<hbm>> -> memref<10240x128xf32, #tpu.memory_space<hbm>>
        tpu.enqueue_indirect_dma source(%dma_start3A_84 : memref<10240x128xf32, #tpu.memory_space<hbm>>) target(%arg10 : memref<128x128xf32, #tpu.memory_space<vmem>>) offsets(%dma_start3A_81 : memref<128xi32, #tpu.memory_space<vmem>>) semaphore(%arg13 : memref<!tpu.dma_semaphore, #tpu.memory_space<semaphore_mem>>)
      } else {
      }
    }
    %scan3A_20 = arith.constant 20 : i32
    %barrier3A_21 = arith.constant 0 : index
    tpu.barrier barrier_id(%barrier3A_21)
    %mul3A_22 = arith.constant 640 : i32
    %mul3A_23 = arith.muli %arg1, %mul3A_22 : i32
    %mul3A_24 = arith.constant 640 : i32
    %mul3A_25 = arith.muli %arg1, %mul3A_24 : i32
    "tpu.region"() ({
      %run_scoped3A = tpu.sem_alloc : memref<!tpu.dma_semaphore, #tpu.memory_space<semaphore_mem>>
      %dma_start3A_26 = arith.constant 0 : i32
      %dma_start3A_27 = tpu.memref_slice %arg6[%arg0, %mul3A_25, %dma_start3A_26] : memref<2x10240x128xf32, #tpu.memory_space<hbm>> -> memref<1x640x128xf32, #tpu.memory_space<hbm>>
      %dma_start3A_28 = tpu.memref_squeeze %dma_start3A_27 : memref<1x640x128xf32, #tpu.memory_space<hbm>> -> memref<640x128xf32, #tpu.memory_space<hbm>>
      %dma_start3A_29 = arith.constant 0 : i32
      %dma_start3A_30 = tpu.memref_slice %arg11[%mul3A_23, %dma_start3A_29] : memref<10240x128xf32, #tpu.memory_space<vmem_shared>> -> memref<640x128xf32, #tpu.memory_space<vmem_shared>>
      tpu.enqueue_dma source(%dma_start3A_30 : memref<640x128xf32, #tpu.memory_space<vmem_shared>>) target(%dma_start3A_28 : memref<640x128xf32, #tpu.memory_space<hbm>>) target_semaphore(%run_scoped3A : memref<!tpu.dma_semaphore, #tpu.memory_space<semaphore_mem>>)
      %dma_wait3A = arith.constant 0 : i32
      %dma_wait3A_31 = tpu.memref_slice %arg6[%arg0, %mul3A_25, %dma_wait3A] : memref<2x10240x128xf32, #tpu.memory_space<hbm>> -> memref<1x640x128xf32, #tpu.memory_space<hbm>>
      %dma_wait3A_32 = tpu.memref_squeeze %dma_wait3A_31 : memref<1x640x128xf32, #tpu.memory_space<hbm>> -> memref<640x128xf32, #tpu.memory_space<hbm>>
      %dma_wait3A_33 = arith.constant 0 : i32
      %dma_wait3A_34 = tpu.memref_slice %arg11[%mul3A_23, %dma_wait3A_33] : memref<10240x128xf32, #tpu.memory_space<vmem_shared>> -> memref<640x128xf32, #tpu.memory_space<vmem_shared>>
      tpu.wait_dma2 semaphore(%run_scoped3A : memref<!tpu.dma_semaphore, #tpu.memory_space<semaphore_mem>>) src(%dma_wait3A_34 : memref<640x128xf32, #tpu.memory_space<vmem_shared>>) dst(%dma_wait3A_32 : memref<640x128xf32, #tpu.memory_space<hbm>>)
      tpu.yield
    }) : () -> ()
    return
  }
}

module attributes {stable_mosaic.version = 14 : i64} {
  func.func @_tc1_body(%arg0: i32, %arg1: memref<512x128xf32, #tpu.memory_space<vmem>>, %arg2: memref<128x128xf32, #tpu.memory_space<vmem>>, %arg3: memref<2x512x128xf32, #tpu.memory_space<vmem>>, %arg4: memref<512x128xf32, #tpu.memory_space<vmem>>) attributes {dimension_semantics = [#tpu.dimension_semantics<arbitrary>], iteration_bounds = array<i64: 20>, scalar_prefetch = 0 : i64, scratch_operands = 0 : i64, tpu.core_type = #tpu.core_type<tc>, window_params = [{transform_indices = @transform_0, window_bounds = array<i64: 512, 128>}, {pipeline_mode = #tpu.pipeline_mode<synchronous>, transform_indices = @transform_1, window_bounds = array<i64: 128, 128>}, {transform_indices = @transform_2, window_bounds = array<i64: 2, 512, 128>}, {transform_indices = @transform_3, window_bounds = array<i64: 512, 128>}]} {
    %get3A = arith.constant 0 : index
    %get3A_0 = arith.constant 0 : index
    %get3A_1 = arith.constant 0 : index
    %get3A_2 = vector.load %arg3[%get3A, %get3A_0, %get3A_1] : memref<2x512x128xf32, #tpu.memory_space<vmem>>, vector<1x512x1xf32>
    %get3A_3 = vector.shape_cast %get3A_2 : vector<1x512x1xf32> to vector<512x1xf32>
    %get3A_4 = arith.constant 1 : index
    %get3A_5 = arith.constant 0 : index
    %get3A_6 = arith.constant 0 : index
    %get3A_7 = vector.load %arg3[%get3A_4, %get3A_5, %get3A_6] : memref<2x512x128xf32, #tpu.memory_space<vmem>>, vector<1x512x1xf32>
    %get3A_8 = vector.shape_cast %get3A_7 : vector<1x512x1xf32> to vector<512x1xf32>
    %add3A = arith.addf %get3A_3, %get3A_8 : vector<512x1xf32>
    %add3A_9 = arith.constant 1.000000e+00 : f32
    %add3A_10 = vector.broadcast %add3A_9 : f32 to vector<512x1xf32>
    %add3A_11 = arith.addf %add3A, %add3A_10 : vector<512x1xf32>
    %rsqrt3A = math.rsqrt %add3A_11 : vector<512x1xf32>
    %get3A_12 = arith.constant 0 : index
    %get3A_13 = arith.constant 0 : index
    %get3A_14 = vector.load %arg1[%get3A_12, %get3A_13] : memref<512x128xf32, #tpu.memory_space<vmem>>, vector<512x128xf32>
    %get3A_15 = arith.constant 0 : index
    %get3A_16 = arith.constant 0 : index
    %get3A_17 = vector.load %arg2[%get3A_15, %get3A_16] : memref<128x128xf32, #tpu.memory_space<vmem>>, vector<128x128xf32>
    %dot_general3A = arith.constant dense<0.000000e+00> : vector<512x128xf32>
    %dot_general3A_18 = tpu.matmul %get3A_14, %get3A_17, %dot_general3A {dimension_numbers = #tpu.dot_dimension_numbers<[1], [0], [0], [1], [0, 0, 1, 1], [], []>, transpose_lhs_hint = false} : vector<512x128xf32>, vector<128x128xf32>, vector<512x128xf32> -> vector<512x128xf32>
    %mul3A = vector.broadcast %rsqrt3A : vector<512x1xf32> to vector<512x128xf32>
    %mul3A_19 = arith.mulf %dot_general3A_18, %mul3A : vector<512x128xf32>
    %swap3A = arith.constant 0 : index
    %swap3A_20 = arith.constant 0 : index
    %swap3A_21 = vector.load %arg4[%swap3A, %swap3A_20] : memref<512x128xf32, #tpu.memory_space<vmem>>, vector<512x128xf32>
    tpu.vector_store %arg4[%swap3A, %swap3A_20], %mul3A_19 {strides = array<i32>} : memref<512x128xf32, #tpu.memory_space<vmem>>, vector<512x128xf32>,
    return
  }
  func.func @transform_0(%arg0: i32) -> (i32, i32) {
    %c0_i32 = arith.constant 0 : i32
    %c0_i32_0 = arith.constant 0 : i32
    return %arg0, %c0_i32 : i32, i32
  }
  func.func @transform_1(%arg0: i32) -> (i32, i32) {
    %c0_i32 = arith.constant 0 : i32
    %c0_i32_0 = arith.constant 0 : i32
    %c0_i32_1 = arith.constant 0 : i32
    return %c0_i32, %c0_i32_0 : i32, i32
  }
  func.func @transform_2(%arg0: i32) -> (i32, i32, i32) {
    %c0_i32 = arith.constant 0 : i32
    %c0_i32_0 = arith.constant 0 : i32
    %c0_i32_1 = arith.constant 0 : i32
    return %c0_i32, %arg0, %c0_i32_0 : i32, i32, i32
  }
  func.func @transform_3(%arg0: i32) -> (i32, i32) {
    %c0_i32 = arith.constant 0 : i32
    %c0_i32_0 = arith.constant 0 : i32
    return %arg0, %c0_i32 : i32, i32
  }
}

module attributes {stable_mosaic.version = 14 : i64} {
  func.func @_tc2_body(%arg0: i32, %arg1: memref<2x512x128xf32, #tpu.memory_space<vmem>>, %arg2: memref<512x128xf32, #tpu.memory_space<vmem>>, %arg3: memref<2x512x128xf32, #tpu.memory_space<vmem>>, %arg4: memref<128x128xf32, #tpu.memory_space<vmem>>, %arg5: memref<1x128xf32, #tpu.memory_space<vmem>>, %arg6: memref<512x128xf32, #tpu.memory_space<vmem>>) attributes {dimension_semantics = [#tpu.dimension_semantics<arbitrary>], iteration_bounds = array<i64: 20>, scalar_prefetch = 0 : i64, scratch_operands = 0 : i64, tpu.core_type = #tpu.core_type<tc>, window_params = [{transform_indices = @transform_0, window_bounds = array<i64: 2, 512, 128>}, {transform_indices = @transform_1, window_bounds = array<i64: 512, 128>}, {transform_indices = @transform_2, window_bounds = array<i64: 2, 512, 128>}, {pipeline_mode = #tpu.pipeline_mode<synchronous>, transform_indices = @transform_3, window_bounds = array<i64: 128, 128>}, {pipeline_mode = #tpu.pipeline_mode<synchronous>, transform_indices = @transform_4, window_bounds = array<i64: 1, 128>}, {transform_indices = @transform_5, window_bounds = array<i64: 512, 128>}]} {
    %get3A = arith.constant 0 : index
    %get3A_0 = arith.constant 0 : index
    %get3A_1 = arith.constant 0 : index
    %get3A_2 = vector.load %arg3[%get3A, %get3A_0, %get3A_1] : memref<2x512x128xf32, #tpu.memory_space<vmem>>, vector<1x512x1xf32>
    %get3A_3 = vector.shape_cast %get3A_2 : vector<1x512x1xf32> to vector<512x1xf32>
    %get3A_4 = arith.constant 1 : index
    %get3A_5 = arith.constant 0 : index
    %get3A_6 = arith.constant 0 : index
    %get3A_7 = vector.load %arg3[%get3A_4, %get3A_5, %get3A_6] : memref<2x512x128xf32, #tpu.memory_space<vmem>>, vector<1x512x1xf32>
    %get3A_8 = vector.shape_cast %get3A_7 : vector<1x512x1xf32> to vector<512x1xf32>
    %add3A = arith.addf %get3A_3, %get3A_8 : vector<512x1xf32>
    %add3A_9 = arith.constant 1.000000e+00 : f32
    %add3A_10 = vector.broadcast %add3A_9 : f32 to vector<512x1xf32>
    %add3A_11 = arith.addf %add3A, %add3A_10 : vector<512x1xf32>
    %rsqrt3A = math.rsqrt %add3A_11 : vector<512x1xf32>
    %get3A_12 = arith.constant 0 : index
    %get3A_13 = arith.constant 0 : index
    %get3A_14 = arith.constant 0 : index
    %get3A_15 = vector.load %arg1[%get3A_12, %get3A_13, %get3A_14] : memref<2x512x128xf32, #tpu.memory_space<vmem>>, vector<1x512x128xf32>
    %get3A_16 = vector.shape_cast %get3A_15 : vector<1x512x128xf32> to vector<512x128xf32>
    %get3A_17 = arith.constant 1 : index
    %get3A_18 = arith.constant 0 : index
    %get3A_19 = arith.constant 0 : index
    %get3A_20 = vector.load %arg1[%get3A_17, %get3A_18, %get3A_19] : memref<2x512x128xf32, #tpu.memory_space<vmem>>, vector<1x512x128xf32>
    %get3A_21 = vector.shape_cast %get3A_20 : vector<1x512x128xf32> to vector<512x128xf32>
    %add3A_22 = arith.addf %get3A_16, %get3A_21 : vector<512x128xf32>
    %get3A_23 = arith.constant 0 : index
    %get3A_24 = arith.constant 0 : index
    %get3A_25 = vector.load %arg2[%get3A_23, %get3A_24] : memref<512x128xf32, #tpu.memory_space<vmem>>, vector<512x128xf32>
    %add3A_26 = arith.addf %add3A_22, %get3A_25 : vector<512x128xf32>
    %mul3A = vector.broadcast %rsqrt3A : vector<512x1xf32> to vector<512x128xf32>
    %mul3A_27 = arith.mulf %add3A_26, %mul3A : vector<512x128xf32>
    %get3A_28 = arith.constant 0 : index
    %get3A_29 = arith.constant 0 : index
    %get3A_30 = vector.load %arg5[%get3A_28, %get3A_29] : memref<1x128xf32, #tpu.memory_space<vmem>>, vector<1x128xf32>
    %add3A_31 = vector.broadcast %get3A_30 : vector<1x128xf32> to vector<512x128xf32>
    %add3A_32 = arith.addf %mul3A_27, %add3A_31 : vector<512x128xf32>
    %max3A = arith.constant 0.000000e+00 : f32
    %max3A_33 = vector.broadcast %max3A : f32 to vector<512x128xf32>
    %max3A_34 = arith.maximumf %add3A_32, %max3A_33 : vector<512x128xf32>
    %get3A_35 = arith.constant 0 : index
    %get3A_36 = arith.constant 0 : index
    %get3A_37 = vector.load %arg4[%get3A_35, %get3A_36] : memref<128x128xf32, #tpu.memory_space<vmem>>, vector<128x128xf32>
    %dot_general3A = arith.constant dense<0.000000e+00> : vector<512x128xf32>
    %dot_general3A_38 = tpu.matmul %max3A_34, %get3A_37, %dot_general3A {dimension_numbers = #tpu.dot_dimension_numbers<[1], [0], [0], [1], [0, 0, 1, 1], [], []>, transpose_lhs_hint = false} : vector<512x128xf32>, vector<128x128xf32>, vector<512x128xf32> -> vector<512x128xf32>
    %mul3A_39 = vector.broadcast %rsqrt3A : vector<512x1xf32> to vector<512x128xf32>
    %mul3A_40 = arith.mulf %dot_general3A_38, %mul3A_39 : vector<512x128xf32>
    %swap3A = arith.constant 0 : index
    %swap3A_41 = arith.constant 0 : index
    %swap3A_42 = vector.load %arg6[%swap3A, %swap3A_41] : memref<512x128xf32, #tpu.memory_space<vmem>>, vector<512x128xf32>
    tpu.vector_store %arg6[%swap3A, %swap3A_41], %mul3A_40 {strides = array<i32>} : memref<512x128xf32, #tpu.memory_space<vmem>>, vector<512x128xf32>,
    return
  }
  func.func @transform_0(%arg0: i32) -> (i32, i32, i32) {
    %c0_i32 = arith.constant 0 : i32
    %c0_i32_0 = arith.constant 0 : i32
    %c0_i32_1 = arith.constant 0 : i32
    return %c0_i32, %arg0, %c0_i32_0 : i32, i32, i32
  }
  func.func @transform_1(%arg0: i32) -> (i32, i32) {
    %c0_i32 = arith.constant 0 : i32
    %c0_i32_0 = arith.constant 0 : i32
    return %arg0, %c0_i32 : i32, i32
  }
  func.func @transform_2(%arg0: i32) -> (i32, i32, i32) {
    %c0_i32 = arith.constant 0 : i32
    %c0_i32_0 = arith.constant 0 : i32
    %c0_i32_1 = arith.constant 0 : i32
    return %c0_i32, %arg0, %c0_i32_0 : i32, i32, i32
  }
  func.func @transform_3(%arg0: i32) -> (i32, i32) {
    %c0_i32 = arith.constant 0 : i32
    %c0_i32_0 = arith.constant 0 : i32
    %c0_i32_1 = arith.constant 0 : i32
    return %c0_i32, %c0_i32_0 : i32, i32
  }
  func.func @transform_4(%arg0: i32) -> (i32, i32) {
    %c0_i32 = arith.constant 0 : i32
    %c0_i32_0 = arith.constant 0 : i32
    %c0_i32_1 = arith.constant 0 : i32
    return %c0_i32, %c0_i32_0 : i32, i32
  }
  func.func @transform_5(%arg0: i32) -> (i32, i32) {
    %c0_i32 = arith.constant 0 : i32
    %c0_i32_0 = arith.constant 0 : i32
    return %arg0, %c0_i32 : i32, i32
  }
}

module attributes {stable_mosaic.version = 14 : i64} {
  func.func @_tc3_body(%arg0: i32, %arg1: memref<2x512x128xf32, #tpu.memory_space<vmem>>, %arg2: memref<512x128xf32, #tpu.memory_space<vmem>>, %arg3: memref<2x512x128xf32, #tpu.memory_space<vmem>>, %arg4: memref<1x128xf32, #tpu.memory_space<vmem>>, %arg5: memref<256x1xf32, #tpu.memory_space<vmem>>, %arg6: memref<1x1x512xi32, #tpu.memory_space<vmem>>, %arg7: memref<64x128xf32, #tpu.memory_space<vmem>>, %arg8: memref<1x128xf32, #tpu.memory_space<vmem>>, %arg9: memref<128x128xf32, #tpu.memory_space<vmem>>, %arg10: memref<1x128xf32, #tpu.memory_space<vmem>>, %arg11: memref<128x128xf32, #tpu.memory_space<vmem>>, %arg12: memref<128x128xf32, #tpu.memory_space<vmem>>, %arg13: memref<1x128xf32, #tpu.memory_space<vmem>>, %arg14: memref<512x128xf32, #tpu.memory_space<vmem>>, %arg15: memref<512x128xf32, #tpu.memory_space<vmem>>, %arg16: memref<512x128xf32, #tpu.memory_space<vmem>>) attributes {dimension_semantics = [#tpu.dimension_semantics<arbitrary>], iteration_bounds = array<i64: 20>, scalar_prefetch = 0 : i64, scratch_operands = 0 : i64, tpu.core_type = #tpu.core_type<tc>, window_params = [{transform_indices = @transform_0, window_bounds = array<i64: 2, 512, 128>}, {transform_indices = @transform_1, window_bounds = array<i64: 512, 128>}, {transform_indices = @transform_2, window_bounds = array<i64: 2, 512, 128>}, {pipeline_mode = #tpu.pipeline_mode<synchronous>, transform_indices = @transform_3, window_bounds = array<i64: 1, 128>}, {pipeline_mode = #tpu.pipeline_mode<synchronous>, transform_indices = @transform_4, window_bounds = array<i64: 256, 1>}, {transform_indices = @transform_5, window_bounds = array<i64: 1, 1, 512>}, {pipeline_mode = #tpu.pipeline_mode<synchronous>, transform_indices = @transform_6, window_bounds = array<i64: 64, 128>}, {pipeline_mode = #tpu.pipeline_mode<synchronous>, transform_indices = @transform_7, window_bounds = array<i64: 1, 128>}, {pipeline_mode = #tpu.pipeline_mode<synchronous>, transform_indices = @transform_8, window_bounds = array<i64: 128, 128>}, {pipeline_mode = #tpu.pipeline_mode<synchronous>, transform_indices = @transform_9, window_bounds = array<i64: 1, 128>}, {pipeline_mode = #tpu.pipeline_mode<synchronous>, transform_indices = @transform_10, window_bounds = array<i64: 128, 128>}, {pipeline_mode = #tpu.pipeline_mode<synchronous>, transform_indices = @transform_11, window_bounds = array<i64: 128, 128>}, {pipeline_mode = #tpu.pipeline_mode<synchronous>, transform_indices = @transform_12, window_bounds = array<i64: 1, 128>}, {transform_indices = @transform_13, window_bounds = array<i64: 512, 128>}, {transform_indices = @transform_14, window_bounds = array<i64: 512, 128>}, {transform_indices = @transform_15, window_bounds = array<i64: 512, 128>}]} {
    %get3A = arith.constant 0 : index
    %get3A_0 = arith.constant 0 : index
    %get3A_1 = arith.constant 0 : index
    %get3A_2 = vector.load %arg3[%get3A, %get3A_0, %get3A_1] : memref<2x512x128xf32, #tpu.memory_space<vmem>>, vector<1x512x1xf32>
    %get3A_3 = vector.shape_cast %get3A_2 : vector<1x512x1xf32> to vector<512x1xf32>
    %get3A_4 = arith.constant 1 : index
    %get3A_5 = arith.constant 0 : index
    %get3A_6 = arith.constant 0 : index
    %get3A_7 = vector.load %arg3[%get3A_4, %get3A_5, %get3A_6] : memref<2x512x128xf32, #tpu.memory_space<vmem>>, vector<1x512x1xf32>
    %get3A_8 = vector.shape_cast %get3A_7 : vector<1x512x1xf32> to vector<512x1xf32>
    %add3A = arith.addf %get3A_3, %get3A_8 : vector<512x1xf32>
    %add3A_9 = arith.constant 1.000000e+00 : f32
    %add3A_10 = vector.broadcast %add3A_9 : f32 to vector<512x1xf32>
    %add3A_11 = arith.addf %add3A, %add3A_10 : vector<512x1xf32>
    %rsqrt3A = math.rsqrt %add3A_11 : vector<512x1xf32>
    %get3A_12 = arith.constant 0 : index
    %get3A_13 = arith.constant 0 : index
    %get3A_14 = arith.constant 0 : index
    %get3A_15 = vector.load %arg1[%get3A_12, %get3A_13, %get3A_14] : memref<2x512x128xf32, #tpu.memory_space<vmem>>, vector<1x512x128xf32>
    %get3A_16 = vector.shape_cast %get3A_15 : vector<1x512x128xf32> to vector<512x128xf32>
    %get3A_17 = arith.constant 1 : index
    %get3A_18 = arith.constant 0 : index
    %get3A_19 = arith.constant 0 : index
    %get3A_20 = vector.load %arg1[%get3A_17, %get3A_18, %get3A_19] : memref<2x512x128xf32, #tpu.memory_space<vmem>>, vector<1x512x128xf32>
    %get3A_21 = vector.shape_cast %get3A_20 : vector<1x512x128xf32> to vector<512x128xf32>
    %add3A_22 = arith.addf %get3A_16, %get3A_21 : vector<512x128xf32>
    %get3A_23 = arith.constant 0 : index
    %get3A_24 = arith.constant 0 : index
    %get3A_25 = vector.load %arg2[%get3A_23, %get3A_24] : memref<512x128xf32, #tpu.memory_space<vmem>>, vector<512x128xf32>
    %add3A_26 = arith.addf %add3A_22, %get3A_25 : vector<512x128xf32>
    %mul3A = vector.broadcast %rsqrt3A : vector<512x1xf32> to vector<512x128xf32>
    %mul3A_27 = arith.mulf %add3A_26, %mul3A : vector<512x128xf32>
    %get3A_28 = arith.constant 0 : index
    %get3A_29 = arith.constant 0 : index
    %get3A_30 = vector.load %arg4[%get3A_28, %get3A_29] : memref<1x128xf32, #tpu.memory_space<vmem>>, vector<1x128xf32>
    %add3A_31 = vector.broadcast %get3A_30 : vector<1x128xf32> to vector<512x128xf32>
    %add3A_32 = arith.addf %mul3A_27, %add3A_31 : vector<512x128xf32>
    %max3A = arith.constant 0.000000e+00 : f32
    %max3A_33 = vector.broadcast %max3A : f32 to vector<512x128xf32>
    %max3A_34 = arith.maximumf %add3A_32, %max3A_33 : vector<512x128xf32>
    %iota3A = tpu.iota {dimensions = array<i32: 1>} : vector<1x32xi32>
    %convert_element_type3A = arith.sitofp %iota3A : vector<1x32xi32> to vector<1x32xf32>
    %mul3A_35 = arith.constant -0.287823141 : f32
    %mul3A_36 = vector.broadcast %mul3A_35 : f32 to vector<1x32xf32>
    %mul3A_37 = arith.mulf %convert_element_type3A, %mul3A_36 : vector<1x32xf32>
    %exp3A = math.exp %mul3A_37 : vector<1x32xf32>
    %get3A_38 = arith.constant 0 : index
    %get3A_39 = arith.constant 0 : index
    %get3A_40 = vector.load %arg5[%get3A_38, %get3A_39] : memref<256x1xf32, #tpu.memory_space<vmem>>, vector<256x1xf32>
    %mul3A_41 = vector.broadcast %get3A_40 : vector<256x1xf32> to vector<256x32xf32>
    %mul3A_42 = vector.broadcast %exp3A : vector<1x32xf32> to vector<256x32xf32>
    %mul3A_43 = arith.mulf %mul3A_41, %mul3A_42 : vector<256x32xf32>
    %sin3A = math.sin %mul3A_43 : vector<256x32xf32>
    %cos3A = math.cos %mul3A_43 : vector<256x32xf32>
    %concatenate3A = tpu.concatenate %sin3A, %cos3A in 1 : vector<256x32xf32>, vector<256x32xf32> -> vector<256x64xf32>
    %get3A_44 = arith.constant 0 : index
    %get3A_45 = arith.constant 0 : index
    %get3A_46 = vector.load %arg7[%get3A_44, %get3A_45] : memref<64x128xf32, #tpu.memory_space<vmem>>, vector<64x128xf32>
    %dot_general3A = arith.constant dense<0.000000e+00> : vector<256x128xf32>
    %dot_general3A_47 = tpu.matmul %concatenate3A, %get3A_46, %dot_general3A {dimension_numbers = #tpu.dot_dimension_numbers<[1], [0], [0], [1], [0, 0, 1, 1], [], []>, transpose_lhs_hint = false} : vector<256x64xf32>, vector<64x128xf32>, vector<256x128xf32> -> vector<256x128xf32>
    %get3A_48 = arith.constant 0 : index
    %get3A_49 = arith.constant 0 : index
    %get3A_50 = vector.load %arg8[%get3A_48, %get3A_49] : memref<1x128xf32, #tpu.memory_space<vmem>>, vector<1x128xf32>
    %add3A_51 = vector.broadcast %get3A_50 : vector<1x128xf32> to vector<256x128xf32>
    %add3A_52 = arith.addf %dot_general3A_47, %add3A_51 : vector<256x128xf32>
    %neg3A = arith.constant 0.000000e+00 : f32
    %neg3A_53 = vector.broadcast %neg3A : f32 to vector<256x128xf32>
    %neg3A_54 = arith.subf %neg3A_53, %add3A_52 : vector<256x128xf32>
    %exp3A_55 = math.exp %neg3A_54 : vector<256x128xf32>
    %add3A_56 = arith.constant 1.000000e+00 : f32
    %add3A_57 = vector.broadcast %add3A_56 : f32 to vector<256x128xf32>
    %add3A_58 = arith.addf %add3A_57, %exp3A_55 : vector<256x128xf32>
    %div3A = arith.constant 1.000000e+00 : f32
    %div3A_59 = vector.broadcast %div3A : f32 to vector<256x128xf32>
    %div3A_60 = arith.divf %div3A_59, %add3A_58 : vector<256x128xf32>
    %mul3A_61 = arith.mulf %add3A_52, %div3A_60 : vector<256x128xf32>
    %get3A_62 = arith.constant 0 : index
    %get3A_63 = arith.constant 0 : index
    %get3A_64 = arith.constant 0 : index
    %get3A_65 = vector.load %arg6[%get3A_62, %get3A_63, %get3A_64] : memref<1x1x512xi32, #tpu.memory_space<vmem>>, vector<1x1x512xi32>
    %get3A_66 = vector.shape_cast %get3A_65 : vector<1x1x512xi32> to vector<512xi32>
    %broadcast_in_dim3A = vector.shape_cast %get3A_66 : vector<512xi32> to vector<512x1xi32>
    %iota3A_67 = tpu.iota {dimensions = array<i32: 1>} : vector<512x256xi32>
    %eq3A = vector.broadcast %broadcast_in_dim3A : vector<512x1xi32> to vector<512x256xi32>
    %eq3A_68 = arith.cmpi eq, %eq3A, %iota3A_67 : vector<512x256xi32>
    %convert_element_type3A_69 = arith.extui %eq3A_68 : vector<512x256xi1> to vector<512x256xi32>
    %convert_element_type3A_70 = arith.sitofp %convert_element_type3A_69 : vector<512x256xi32> to vector<512x256xf32>
    %dot_general3A_71 = arith.constant dense<0.000000e+00> : vector<512x128xf32>
    %dot_general3A_72 = tpu.matmul %convert_element_type3A_70, %mul3A_61, %dot_general3A_71 {dimension_numbers = #tpu.dot_dimension_numbers<[1], [0], [0], [1], [0, 0, 1, 1], [], []>, transpose_lhs_hint = false} : vector<512x256xf32>, vector<256x128xf32>, vector<512x128xf32> -> vector<512x128xf32>
    %add3A_73 = arith.addf %max3A_34, %dot_general3A_72 : vector<512x128xf32>
    %get3A_74 = arith.constant 0 : index
    %get3A_75 = arith.constant 0 : index
    %get3A_76 = vector.load %arg9[%get3A_74, %get3A_75] : memref<128x128xf32, #tpu.memory_space<vmem>>, vector<128x128xf32>
    %dot_general3A_77 = arith.constant dense<0.000000e+00> : vector<512x128xf32>
    %dot_general3A_78 = tpu.matmul %add3A_73, %get3A_76, %dot_general3A_77 {dimension_numbers = #tpu.dot_dimension_numbers<[1], [0], [0], [1], [0, 0, 1, 1], [], []>, transpose_lhs_hint = false} : vector<512x128xf32>, vector<128x128xf32>, vector<512x128xf32> -> vector<512x128xf32>
    %get3A_79 = arith.constant 0 : index
    %get3A_80 = arith.constant 0 : index
    %get3A_81 = vector.load %arg10[%get3A_79, %get3A_80] : memref<1x128xf32, #tpu.memory_space<vmem>>, vector<1x128xf32>
    %add3A_82 = vector.broadcast %get3A_81 : vector<1x128xf32> to vector<512x128xf32>
    %add3A_83 = arith.addf %dot_general3A_78, %add3A_82 : vector<512x128xf32>
    %swap3A = arith.constant 0 : index
    %swap3A_84 = arith.constant 0 : index
    %swap3A_85 = vector.load %arg14[%swap3A, %swap3A_84] : memref<512x128xf32, #tpu.memory_space<vmem>>, vector<512x128xf32>
    tpu.vector_store %arg14[%swap3A, %swap3A_84], %add3A_83 {strides = array<i32>} : memref<512x128xf32, #tpu.memory_space<vmem>>, vector<512x128xf32>,
    %get3A_86 = arith.constant 0 : index
    %get3A_87 = arith.constant 0 : index
    %get3A_88 = vector.load %arg11[%get3A_86, %get3A_87] : memref<128x128xf32, #tpu.memory_space<vmem>>, vector<128x128xf32>
    %dot_general3A_89 = arith.constant dense<0.000000e+00> : vector<512x128xf32>
    %dot_general3A_90 = tpu.matmul %add3A_73, %get3A_88, %dot_general3A_89 {dimension_numbers = #tpu.dot_dimension_numbers<[1], [0], [0], [1], [0, 0, 1, 1], [], []>, transpose_lhs_hint = false} : vector<512x128xf32>, vector<128x128xf32>, vector<512x128xf32> -> vector<512x128xf32>
    %get3A_91 = arith.constant 0 : index
    %get3A_92 = arith.constant 0 : index
    %get3A_93 = vector.load %arg13[%get3A_91, %get3A_92] : memref<1x128xf32, #tpu.memory_space<vmem>>, vector<1x128xf32>
    %add3A_94 = vector.broadcast %get3A_93 : vector<1x128xf32> to vector<512x128xf32>
    %add3A_95 = arith.addf %dot_general3A_90, %add3A_94 : vector<512x128xf32>
    %swap3A_96 = arith.constant 0 : index
    %swap3A_97 = arith.constant 0 : index
    %swap3A_98 = vector.load %arg15[%swap3A_96, %swap3A_97] : memref<512x128xf32, #tpu.memory_space<vmem>>, vector<512x128xf32>
    tpu.vector_store %arg15[%swap3A_96, %swap3A_97], %add3A_95 {strides = array<i32>} : memref<512x128xf32, #tpu.memory_space<vmem>>, vector<512x128xf32>,
    %get3A_99 = arith.constant 0 : index
    %get3A_100 = arith.constant 0 : index
    %get3A_101 = vector.load %arg12[%get3A_99, %get3A_100] : memref<128x128xf32, #tpu.memory_space<vmem>>, vector<128x128xf32>
    %dot_general3A_102 = arith.constant dense<0.000000e+00> : vector<512x128xf32>
    %dot_general3A_103 = tpu.matmul %add3A_73, %get3A_101, %dot_general3A_102 {dimension_numbers = #tpu.dot_dimension_numbers<[1], [0], [0], [1], [0, 0, 1, 1], [], []>, transpose_lhs_hint = false} : vector<512x128xf32>, vector<128x128xf32>, vector<512x128xf32> -> vector<512x128xf32>
    %swap3A_104 = arith.constant 0 : index
    %swap3A_105 = arith.constant 0 : index
    %swap3A_106 = vector.load %arg16[%swap3A_104, %swap3A_105] : memref<512x128xf32, #tpu.memory_space<vmem>>, vector<512x128xf32>
    tpu.vector_store %arg16[%swap3A_104, %swap3A_105], %dot_general3A_103 {strides = array<i32>} : memref<512x128xf32, #tpu.memory_space<vmem>>, vector<512x128xf32>,
    return
  }
  func.func @transform_0(%arg0: i32) -> (i32, i32, i32) {
    %c0_i32 = arith.constant 0 : i32
    %c0_i32_0 = arith.constant 0 : i32
    %c0_i32_1 = arith.constant 0 : i32
    return %c0_i32, %arg0, %c0_i32_0 : i32, i32, i32
  }
  func.func @transform_1(%arg0: i32) -> (i32, i32) {
    %c0_i32 = arith.constant 0 : i32
    %c0_i32_0 = arith.constant 0 : i32
    return %arg0, %c0_i32 : i32, i32
  }
  func.func @transform_2(%arg0: i32) -> (i32, i32, i32) {
    %c0_i32 = arith.constant 0 : i32
    %c0_i32_0 = arith.constant 0 : i32
    %c0_i32_1 = arith.constant 0 : i32
    return %c0_i32, %arg0, %c0_i32_0 : i32, i32, i32
  }
  func.func @transform_3(%arg0: i32) -> (i32, i32) {
    %c0_i32 = arith.constant 0 : i32
    %c0_i32_0 = arith.constant 0 : i32
    %c0_i32_1 = arith.constant 0 : i32
    return %c0_i32, %c0_i32_0 : i32, i32
  }
  func.func @transform_4(%arg0: i32) -> (i32, i32) {
    %c0_i32 = arith.constant 0 : i32
    %c0_i32_0 = arith.constant 0 : i32
    %c0_i32_1 = arith.constant 0 : i32
    return %c0_i32, %c0_i32_0 : i32, i32
  }
  func.func @transform_5(%arg0: i32) -> (i32, i32, i32) {
    %c0_i32 = arith.constant 0 : i32
    %c0_i32_0 = arith.constant 0 : i32
    %c0_i32_1 = arith.constant 0 : i32
    return %arg0, %c0_i32, %c0_i32_0 : i32, i32, i32
  }
  func.func @transform_6(%arg0: i32) -> (i32, i32) {
    %c0_i32 = arith.constant 0 : i32
    %c0_i32_0 = arith.constant 0 : i32
    %c0_i32_1 = arith.constant 0 : i32
    return %c0_i32, %c0_i32_0 : i32, i32
  }
  func.func @transform_7(%arg0: i32) -> (i32, i32) {
    %c0_i32 = arith.constant 0 : i32
    %c0_i32_0 = arith.constant 0 : i32
    %c0_i32_1 = arith.constant 0 : i32
    return %c0_i32, %c0_i32_0 : i32, i32
  }
  func.func @transform_8(%arg0: i32) -> (i32, i32) {
    %c0_i32 = arith.constant 0 : i32
    %c0_i32_0 = arith.constant 0 : i32
    %c0_i32_1 = arith.constant 0 : i32
    return %c0_i32, %c0_i32_0 : i32, i32
  }
  func.func @transform_9(%arg0: i32) -> (i32, i32) {
    %c0_i32 = arith.constant 0 : i32
    %c0_i32_0 = arith.constant 0 : i32
    %c0_i32_1 = arith.constant 0 : i32
    return %c0_i32, %c0_i32_0 : i32, i32
  }
  func.func @transform_10(%arg0: i32) -> (i32, i32) {
    %c0_i32 = arith.constant 0 : i32
    %c0_i32_0 = arith.constant 0 : i32
    %c0_i32_1 = arith.constant 0 : i32
    return %c0_i32, %c0_i32_0 : i32, i32
  }
  func.func @transform_11(%arg0: i32) -> (i32, i32) {
    %c0_i32 = arith.constant 0 : i32
    %c0_i32_0 = arith.constant 0 : i32
    %c0_i32_1 = arith.constant 0 : i32
    return %c0_i32, %c0_i32_0 : i32, i32
  }
  func.func @transform_12(%arg0: i32) -> (i32, i32) {
    %c0_i32 = arith.constant 0 : i32
    %c0_i32_0 = arith.constant 0 : i32
    %c0_i32_1 = arith.constant 0 : i32
    return %c0_i32, %c0_i32_0 : i32, i32
  }
  func.func @transform_13(%arg0: i32) -> (i32, i32) {
    %c0_i32 = arith.constant 0 : i32
    %c0_i32_0 = arith.constant 0 : i32
    return %arg0, %c0_i32 : i32, i32
  }
  func.func @transform_14(%arg0: i32) -> (i32, i32) {
    %c0_i32 = arith.constant 0 : i32
    %c0_i32_0 = arith.constant 0 : i32
    return %arg0, %c0_i32 : i32, i32
  }
  func.func @transform_15(%arg0: i32) -> (i32, i32) {
    %c0_i32 = arith.constant 0 : i32
    %c0_i32_0 = arith.constant 0 : i32
    return %arg0, %c0_i32 : i32, i32
  }
}

module attributes {stable_mosaic.version = 14 : i64} {
  func.func @_tc4_body(%arg0: i32, %arg1: memref<2048x128xf32, #tpu.memory_space<vmem>>, %arg2: memref<128x16xf32, #tpu.memory_space<vmem>>, %arg3: memref<1x16xf32, #tpu.memory_space<vmem>>, %arg4: memref<2048x16xf32, #tpu.memory_space<vmem>>) attributes {dimension_semantics = [#tpu.dimension_semantics<arbitrary>], iteration_bounds = array<i64: 80>, scalar_prefetch = 0 : i64, scratch_operands = 0 : i64, tpu.core_type = #tpu.core_type<tc>, window_params = [{transform_indices = @transform_0, window_bounds = array<i64: 2048, 128>}, {pipeline_mode = #tpu.pipeline_mode<synchronous>, transform_indices = @transform_1, window_bounds = array<i64: 128, 16>}, {pipeline_mode = #tpu.pipeline_mode<synchronous>, transform_indices = @transform_2, window_bounds = array<i64: 1, 16>}, {transform_indices = @transform_3, window_bounds = array<i64: 2048, 16>}]} {
    %get3A = arith.constant 0 : index
    %get3A_0 = arith.constant 0 : index
    %get3A_1 = vector.load %arg1[%get3A, %get3A_0] : memref<2048x128xf32, #tpu.memory_space<vmem>>, vector<2048x128xf32>
    %neg3A = arith.constant 0.000000e+00 : f32
    %neg3A_2 = vector.broadcast %neg3A : f32 to vector<2048x128xf32>
    %neg3A_3 = arith.subf %neg3A_2, %get3A_1 : vector<2048x128xf32>
    %exp3A = math.exp %neg3A_3 : vector<2048x128xf32>
    %add3A = arith.constant 1.000000e+00 : f32
    %add3A_4 = vector.broadcast %add3A : f32 to vector<2048x128xf32>
    %add3A_5 = arith.addf %add3A_4, %exp3A : vector<2048x128xf32>
    %div3A = arith.constant 1.000000e+00 : f32
    %div3A_6 = vector.broadcast %div3A : f32 to vector<2048x128xf32>
    %div3A_7 = arith.divf %div3A_6, %add3A_5 : vector<2048x128xf32>
    %mul3A = arith.mulf %get3A_1, %div3A_7 : vector<2048x128xf32>
    %get3A_8 = arith.constant 0 : index
    %get3A_9 = arith.constant 0 : index
    %get3A_10 = vector.load %arg2[%get3A_8, %get3A_9] : memref<128x16xf32, #tpu.memory_space<vmem>>, vector<128x16xf32>
    %dot_general3A = arith.constant dense<0.000000e+00> : vector<2048x16xf32>
    %dot_general3A_11 = tpu.matmul %mul3A, %get3A_10, %dot_general3A {dimension_numbers = #tpu.dot_dimension_numbers<[1], [0], [0], [1], [0, 0, 1, 1], [], []>, transpose_lhs_hint = false} : vector<2048x128xf32>, vector<128x16xf32>, vector<2048x16xf32> -> vector<2048x16xf32>
    %get3A_12 = arith.constant 0 : index
    %get3A_13 = arith.constant 0 : index
    %get3A_14 = vector.load %arg3[%get3A_12, %get3A_13] : memref<1x16xf32, #tpu.memory_space<vmem>>, vector<1x16xf32>
    %add3A_15 = vector.broadcast %get3A_14 : vector<1x16xf32> to vector<2048x16xf32>
    %add3A_16 = arith.addf %dot_general3A_11, %add3A_15 : vector<2048x16xf32>
    %swap3A = arith.constant 0 : index
    %swap3A_17 = arith.constant 0 : index
    %swap3A_18 = vector.load %arg4[%swap3A, %swap3A_17] : memref<2048x16xf32, #tpu.memory_space<vmem>>, vector<2048x16xf32>
    tpu.vector_store %arg4[%swap3A, %swap3A_17], %add3A_16 {strides = array<i32>} : memref<2048x16xf32, #tpu.memory_space<vmem>>, vector<2048x16xf32>,
    return
  }
  func.func @transform_0(%arg0: i32) -> (i32, i32) {
    %c0_i32 = arith.constant 0 : i32
    %c0_i32_0 = arith.constant 0 : i32
    return %arg0, %c0_i32 : i32, i32
  }
  func.func @transform_1(%arg0: i32) -> (i32, i32) {
    %c0_i32 = arith.constant 0 : i32
    %c0_i32_0 = arith.constant 0 : i32
    %c0_i32_1 = arith.constant 0 : i32
    return %c0_i32, %c0_i32_0 : i32, i32
  }
  func.func @transform_2(%arg0: i32) -> (i32, i32) {
    %c0_i32 = arith.constant 0 : i32
    %c0_i32_0 = arith.constant 0 : i32
    %c0_i32_1 = arith.constant 0 : i32
    return %c0_i32, %c0_i32_0 : i32, i32
  }
  func.func @transform_3(%arg0: i32) -> (i32, i32) {
    %c0_i32 = arith.constant 0 : i32
    %c0_i32_0 = arith.constant 0 : i32
    return %arg0, %c0_i32 : i32, i32
  }
}

</mosaic_0001>

<sc_bundles>
// kernel: kernel.10.cloned.1.call-start
scs
__scs_entry_jumppad:
0x0: {  	(pc) =	sbr.rel $0x88, $3  }
0x1: {  	(tag) =	ssettag $0x0;
	lr =	simm.s32 $0x1  }
0x2: {  	[smem:$0x3F91] =	sst lr;
	_ =	strace $0xD0000000  }
0x3: {  	_ = 	snop  }
0x4: {  	_ = 	snop  }
0x5: {  	_ = 	snop  }
0x6: {  	_ = 	snop  }
0x7: {  	_ = 	snop  }
__scs_overlays_trampoline_lowered:
0x8: {  	[smem:$0x3FA0] =	sst s0  }
0x9: {  	[smem:$0x3FA1] =	sst s1  }
0xa: {  	[smem:$0x3FA2] =	sst s2  }
0xb: {  	[smem:$0x3FA3] =	sst s3  }
0xc: {  	[smem:$0x3FA4] =	sst s4  }
0xd: {  	[smem:$0x3FA5] =	sst s5  }
0xe: {  	[smem:$0x3FA6] =	sst s6  }
0xf: {  	[smem:$0x3FA7] =	sst s7  }
0x10: {  	[smem:$0x3FA8] =	sst s8  }
0x11: {  	[smem:$0x3FA9] =	sst s9;
	s0 =	simm.s32 @!p0 $0x0  }
0x12: {  	s1 =	sld [smem:$0x3F8F];
	s0 =	simm.s32 @p0 $0x1  }
0x13: {  	[smem:$0x3FAA] =	sst s0;
	s0 =	simm.s32 @!p1 $0x0  }
0x14: {  	s2 =	sld [smem:$0x3F8E];
	s0 =	simm.s32 @p1 $0x1  }
0x15: {  	[smem:$0x3FAB] =	sst s0;
	s0 =	simm.s32 @!p2 $0x0  }
0x16: {  	s3 =	sld [smem:$0x3FDB];
	s0 =	simm.s32 @p2 $0x1  }
0x17: {  	s4 =	simm.s32 $0x1BF5;
	[smem:$0x3FAD] =	sst s0  }
0x18: {  	s0 =	sld [smem:$0x3F90];
	_ =	swait.ge [sflag:s4], $0x0  }
0x19: {  	s7 =	sld [smem:$0x3F91]  }
0x1a: {  	s8 =	sadd.s32 $0xFFFFE003, lr  }
0x1b: {  	s9 =	sadd.s32 $0xFFFFFEF7, lr;
	s5 =	simm.s32 $0xFFFFFFFF;
	p2 =	slt.u32 s8, $0xFFFFF086  }
0x1c: {  	p1 =	slt.u32 s9, $0xF7A;
	s5 =	simm.s32 @!p2 $0x0  }
0x1d: {  	s5 =	simm.s32 @p1 $0x1;
	p0 =	seq.s32 s7, s2  }
0x1e: {  	s7 =	smul.u32 @!p0 $0xF7A, s2;
	p2 =	seq.s32 @!p0 s5, $0x0  }
0x1f: {  	s9 =	smul.u32 $0xF7A, s1;
	s8 =	simm.s32 @!p0 $0x1BF5;
	p2 =	por !p2, p0  }
0x20: {  	[sflag:s8] =	ssyncset.s32 @!p0 $0xFFFFF086;
	s6 =	sadd.s32 @!p0 s3, s7;
	s7 =	simm.s32 @!p0 $0x108  }
0x21: {  	s3 =	sadd.s32 s3, s9;
	s6 =	sadd.s32 @!p0 $0x88, s6;
	s7 =	simm.s32 @p2 $0x1082  }
0x22: {  	[simem:s7], [sflag:s8] =	dma.local @!p0 [hbm:s6], $0xF7A  }
0x23: {  	s9 =	sor.u32 $0xD0000000, s2;
	s6 =	simm.s32 $0x108;
	_ =	swait.ge @!p0 [sflag:s8], $0x0  }
0x24: {  	s3 =	sadd.s32 $0x88, s3;
	s6 =	simm.s32 @!p1 $0x1082;
	[sflag:s4] =	ssyncset.s32 $0xFFFFF086  }
0x25: {  	[simem:s6], [sflag:s4] =	dma.local [hbm:s3], $0xF7A  }
0x26: {  	[smem:$0x3F91] =	sst s1;
	(tag) =	ssettag s2;
	_ =	strace s9  }
0x27: {  	s1 =	sld [smem:$0x3FA1]  }
0x28: {  	s2 =	sld [smem:$0x3FA2]  }
0x29: {  	s4 =	sld [smem:$0x3FA4]  }
0x2a: {  	p0 =	seq.s32 s5, $0x0;
	s5 =	sld [smem:$0x3FA5]  }
0x2b: {  	s6 =	sld [smem:$0x3FA6]  }
0x2c: {  	s7 =	sld [smem:$0x3FA7]  }
0x2d: {  	s3 =	simm.s32 $0x108;
	s8 =	sld [smem:$0x3FA8]  }
0x2e: {  	s3 =	simm.s32 @!p0 $0x1082;
	s9 =	sld [smem:$0x3FA9]  }
0x2f: {  	lr =	sadd.s32 s0, s3;
	s0 =	sld [smem:$0x3FA0]  }
0x30: {  	s3 =	sld [smem:$0x3FA3]  }
0x31: {  	[smem:$0x3FAC] =	sst s10  }
0x32: {  	s10 =	sld [smem:$0x3FAA];
	_ =	sdelay $0x3  }
0x33: {  	p0 =	seq.s32 s10, $0x1;
	s10 =	sld [smem:$0x3FAC];
	_ =	sdelay $0x3  }
0x34: {  	[smem:$0x3FAC] =	sst s10  }
0x35: {  	s10 =	sld [smem:$0x3FAB];
	_ =	sdelay $0x3  }
0x36: {  	p1 =	seq.s32 s10, $0x1;
	s10 =	sld [smem:$0x3FAC];
	_ =	sdelay $0x3  }
0x37: {  	[smem:$0x3FAC] =	sst s10  }
0x38: {  	s10 =	sld [smem:$0x3FAD]  }
0x39: {  	_ = 	snop;
	(pc) =	sbr.ind lr, $3  }
0x3a: {  	_ = 	snop  }
0x3b: {  	_ = 	snop  }
0x3c: {  	p2 =	seq.s32 s10, $0x1;
	s10 =	sld [smem:$0x3FAC]  }
0x3d: {  	_ =	shalt  }
0x3e: {  	_ =	shalt  }
0x3f: {  	_ =	shalt  }
0x40: {  	_ =	shalt  }
0x41: {  	_ =	shalt  }
0x42: {  	_ =	shalt  }
0x43: {  	_ =	shalt  }
0x44: {  	_ =	shalt  }
0x45: {  	_ =	shalt  }
0x46: {  	_ =	shalt  }
0x47: {  	_ =	shalt  }
0x48: {  	_ =	shalt  }
0x49: {  	_ =	shalt  }
0x4a: {  	_ =	shalt  }
0x4b: {  	_ =	shalt  }
0x4c: {  	_ =	shalt  }
0x4d: {  	_ =	shalt  }
0x4e: {  	_ =	shalt  }
0x4f: {  	_ =	shalt  }
0x50: {  	_ =	shalt  }
0x51: {  	_ =	shalt  }
0x52: {  	_ =	shalt  }
0x53: {  	_ =	shalt  }
0x54: {  	_ =	shalt  }
0x55: {  	_ =	shalt  }
0x56: {  	_ =	shalt  }
0x57: {  	_ =	shalt  }
0x58: {  	_ =	shalt  }
0x59: {  	_ =	shalt  }
0x5a: {  	_ =	shalt  }
0x5b: {  	_ =	shalt  }
0x5c: {  	_ =	shalt  }
0x5d: {  	_ =	shalt  }
0x5e: {  	_ =	shalt  }
0x5f: {  	_ =	shalt  }
0x60: {  	_ =	shalt  }
0x61: {  	_ =	shalt  }
0x62: {  	_ =	shalt  }
0x63: {  	_ =	shalt  }
0x64: {  	_ =	shalt  }
0x65: {  	_ =	shalt  }
0x66: {  	_ =	shalt  }
0x67: {  	_ =	shalt  }
0x68: {  	_ =	shalt  }
0x69: {  	_ =	shalt  }
0x6a: {  	_ =	shalt  }
0x6b: {  	_ =	shalt  }
0x6c: {  	_ =	shalt  }
0x6d: {  	_ =	shalt  }
0x6e: {  	_ =	shalt  }
0x6f: {  	_ =	shalt  }
0x70: {  	_ =	shalt  }
0x71: {  	_ =	shalt  }
0x72: {  	_ =	shalt  }
0x73: {  	_ =	shalt  }
0x74: {  	_ =	shalt  }
0x75: {  	_ =	shalt  }
0x76: {  	_ =	shalt  }
0x77: {  	_ =	shalt  }
0x78: {  	_ =	shalt  }
0x79: {  	_ =	shalt  }
0x7a: {  	_ =	shalt  }
0x7b: {  	_ =	shalt  }
0x7c: {  	_ =	shalt  }
0x7d: {  	_ =	shalt  }
0x7e: {  	_ =	shalt  }
0x7f: {  	_ =	shalt  }
0x80: {  	_ =	shalt  }
0x81: {  	_ =	shalt  }
0x82: {  	_ =	shalt  }
0x83: {  	_ =	shalt  }
0x84: {  	_ =	shalt  }
0x85: {  	_ =	shalt  }
0x86: {  	_ =	shalt  }
0x87: {  	_ =	shalt  }
.Lfunc_end0:
.L_simem_size_0:
called_computation_lowered:
.L_overlay_start_0:
0x88: {  	s2 =	sld [smem:$0x3FD9]  }
0x89: {  	s3 =	sld [smem:$0x3FFE];
	_ =	sdelay $0x1  }
0x8a: {  	s1 =	srdreg.scid  }
0x8b: {  	s0 =	sand.u32 $0x1, s1  }
0x8c: {  	s14 =	sshll.u32 s0, $0xA;
	s2 =	sadd.s32 s3, s2  }
0x8d: {  	s2 =	sadd.s32 s2, s14  }
0x8e: {  	[smem:$0x3FB8] =	sst s2  }
0x8f: {  	_ = 	snop  }
0x90: {  	s2 =	sld [smem:$0x3FD0];
	_ =	sdelay $0x2  }
0x91: {  	s15 =	simm.s32 $0xA;
	s4 =	simm.s32 $0x10  }
0x92: {  	[smem:s4], [sflag:s15] =	dma.local [hbm:s2], $0x1  }
0x93: {  	_ =	swait.eq [sflag:s15], $0x1  }
0x94: {  	[sflag:s15] =	ssyncset.done $0x0  }
0x95: {  	s16 =	sld [smem:$0x10];
	[sflag:s15] =	ssyncadd.s32 $0xFFFFFFFF  }
0x96: {  	s17 =	sld [smem:$0x11];
	(tm) =	ssettm $0x1  }
0x97: {  	s18 =	sld [smem:$0x3FFB];
	_ =	sdelay $0x3  }
0x98: {  	_ =	strace s18  }
0x99: {  	s4 =	sld [smem:$0x3FFC];
	_ =	sdelay $0x3  }
0x9a: {  	_ =	strace s4  }
0x9b: {  	s4 =	sld [smem:$0x3FFD];
	_ =	sdelay $0x3  }
0x9c: {  	_ =	strace s4  }
0x9d: {  	_ =	strace $0x8FFFFFFF  }
0x9e: {  	s19 =	sld [smem:$0x3FDB];
	_ =	sdelay $0x1  }
0x9f: {  	s5 =	simm.s32 $_scs_section_size  }
0xa0: {  	s6 =	simm.s32 $_size__tile_overlayer_lowered;
	s7 =	simm.s32 $_tile_overlayer_lowered  }
0xa1: {  	s22 =	simm.s32 $0x1BFF;
	s21 =	sshll.u32 s7, $0x1;
	s4 =	sadd.s32 s5, s19  }
0xa2: {  	s8 =	simm.s32 $0x0;
	s20 =	sshll.u32 s6, $0x1;
	s6 =	sadd.s32 s21, s4  }
0xa3: {  	[timem:s8], [sflag:s22] =	dma.local [hbm:s6], s20  }
0xa4: {  	_ =	swait.ge [sflag:s22], s20  }
0xa5: {  	s5 =	ssub.s32 $0x0, s20;
	[sflag:s22] =	ssyncset.done $0x0  }
0xa6: {  	[sflag:s22] =	ssyncadd.s32 s5;
	_ =	sdelay $0x1  }
0xa7: {  	s23 =	simm.s32 $0x1B8B  }
0xa8: {  	_ =	swait.ge [sflag:s23], $0x1  }
0xa9: {  	[sflag:s23] =	ssyncset.done $0x0  }
0xaa: {  	s25 =	simm.s32 $0x1B8E;
	s24 =	sld [smem:$0x3FFE];
	[sflag:s23] =	ssyncadd.s32 $0xFFFFFFFF  }
0xab: {  	s26 =	simm.s32 $execute0_lowered;
	[smem:$0x3FD2] =	sst s25  }
0xac: {  	s6 =	sshll.u32 s26, $0x1;
	_ =	strace $0x80000046;
	[dreg:$0x1] =	wrdreg $0xFFFFFFFF  }
0xad: {  	s28 =	simm.s32 $_size_execute0_lowered;
	s4 =	sadd.s32 s4, s6;
	[dreg:$0x0] =	wrdreg $0x0  }
0xae: {  	s6 =	sshll.u32 s28, $0x1;
	[dreg:$0x2] =	wrdreg s4  }
0xaf: {  	[dreg:$0x3] =	wrdreg s6  }
0xb0: {  	[dreg:$0x4] =	wrdreg $0xC0  }
0xb1: {  	_ =	task [dreg:s8], $0x5FFFF  }
0xb2: {  	[dreg:$0x1] =	wrdreg $0xFFFFFFFF  }
0xb3: {  	[dreg:$0x0] =	wrdreg $0x60  }
0xb4: {  	[dreg:$0x2] =	wrdreg s24  }
0xb5: {  	[dreg:$0x3] =	wrdreg s17  }
0xb6: {  	[dreg:$0x4] =	wrdreg s16  }
0xb7: {  	[dreg:$0x5] =	wrdreg $0x54000  }
0xb8: {  	[dreg:$0x6] =	wrdreg $0x9  }
0xb9: {  	_ =	task.clear_ibuf [dreg:s8], $0x7FFFF;
	_ =	strace $0x90000046  }
0xba: {  	s29 =	simm.s32 $0x9;
	_ =	strace $0x80000048  }
0xbb: {  	_ =	swait.ge [sflag:s29], $0x1  }
0xbc: {  	[sflag:s29] =	ssyncadd.s32 $0xFFFFFFFF  }
0xbd: {  	_ =	strace $0x90000048  }
0xbe: {  	_ =	sfence  }
0xbf: {  	s30 =	sld [smem:$0x0];
	_ =	sdelay $0x2  }
0xc0: {  	s31 =	sshll.u32 s1, $0xD;
	s1 =	sshrl.u32 s1, $0x2  }
0xc1: {  	s3 =	sand.u32 $0x4000, s31;
	s1 =	sadd.s32 s1, s30  }
0xc2: {  	s0 =	sor.u32 s3, s0;
	s1 =	sshll.u32 s1, $0x11  }
0xc3: {  	s0 =	sor.u32 s1, s0  }
0xc4: {  	s0 =	sadd.s32 $0x8F2B, s0  }
0xc5: {  	[sflag:s0] =	ssyncadd.remote.s32 $0x1  }
0xc6: {  	_ =	sfence.sel $0xFFFF  }
0xc7: {  	[dreg:$0x0] =	wrdreg $0xFFFFFFFF;
	(pc) =	sbr.abs _section_cstart, $3  }
0xc8: {  	[dreg:$0x1] =	wrdreg $0xFFFFFFFF  }
0xc9: {  	_ =	task.clear_ibuf [dreg:s8], $0x2FFFF;
	_ =	strace $0x9FFFFFFF  }
0xca: {  	(tm) =	ssettm $0x7FFFFFFF  }
0xcb: {  	_ =	shalt  }
tec
execute0_lowered:
.L_overlay_start_1:
0x0: {  	(tag) =	ssettag $0x1  }
0x1: {  	s0 =	rddreg [dreg:$0x0]  }
0x2: {  	s1 =	rddreg [dreg:$0x1]  }
0x3: {  	s2 =	rddreg [dreg:$0x2]  }
0x4: {  	[dreg:$0x5] =	wrdreg s1  }
0x5: {  	[dreg:$0x6] =	wrdreg s2  }
0x6: {  	s4 =	srdreg.scid;
	s31 =	simm.s32 $0x0;
	s2 =	rddreg [dreg:$0x3]  }
0x7: {  	s9 =	stileid.u32;
	s6 =	simm.s32 $0x180;
	[smem:$0x7FF] =	sst s31  }
0x8: {  	s7 =	simm.s32 $0x200;
	_ =	strace $0x80000047;
	[dreg:$0xa] =	wrdreg s6  }
0x9: {  	s8 =	simm.s32 $0x280;
	s10 =	simm.s32 $0x300;
	[dreg:$0xb] =	wrdreg s7  }
0xa: {  	s12 =	simm.s32 $0x380;
	s14 =	simm.s32 $0x400;
	[dreg:$0xc] =	wrdreg s8  }
0xb: {  	s15 =	simm.s32 $0x480;
	s17 =	simm.s32 $0x500;
	[dreg:$0xd] =	wrdreg s10  }
0xc: {  	s18 =	simm.s32 $0x580;
	s20 =	simm.s32 $0x600;
	[dreg:$0xe] =	wrdreg s12  }
0xd: {  	s21 =	simm.s32 $0x680;
	s22 =	simm.s32 $0x700;
	[dreg:$0xf] =	wrdreg s14  }
0xe: {  	s23 =	simm.s32 $0x780;
	s24 =	simm.s32 $0x800;
	[dreg:$0x10] =	wrdreg s15  }
0xf: {  	s25 =	simm.s32 $0x880;
	s26 =	simm.s32 $0x900;
	[dreg:$0x11] =	wrdreg s17  }
0x10: {  	s28 =	simm.s32 $0xA00;
	s29 =	simm.s32 $0xA80;
	[dreg:$0x12] =	wrdreg s18  }
0x11: {  	s30 =	simm.s32 $0xB00;
	p0 =	por $0x0, $0x0;
	[dreg:$0x13] =	wrdreg s20  }
0x12: {  	s1 =	sand.u32 $0x1, s4;
	s5 =	smul.u32 $0x14000, s9;
	[dreg:$0x14] =	wrdreg s21  }
0x13: {  	s13 =	smul.u32 $0x50000, s9;
	s19 =	sshll.u32 s9, $0x6;
	[dreg:$0x15] =	wrdreg s22  }
0x14: {  	s3 =	sshll.u32 s1, $0x4;
	s4 =	smul.u32 $0x140000, s1;
	[dreg:$0x16] =	wrdreg s23  }
0x15: {  	s1 =	ssub.s32 $0x2, s1;
	s7 =	simm.s32 $0x1400;
	[dreg:$0x17] =	wrdreg s24  }
0x16: {  	s8 =	simm.s32 $0x80;
	[dreg:$0x18] =	wrdreg s25;
	s6 =	simm.s32 $0x1  }
0x17: {  	[dreg:$0x19] =	wrdreg s26;
	s26 =	simm.s32 $0x980;
	s18 =	simm.s32 $0xB80  }
0x18: {  	s20 =	simm.s32 $0xD00;
	s21 =	simm.s32 $0xD80;
	s22 =	simm.s32 $0xE00  }
0x19: {  	s23 =	simm.s32 $0xE80;
	s24 =	simm.s32 $0xF00;
	s25 =	simm.s32 $0xF80  }
0x1a: {  	s10 =	simm.s32 $0x1000;
	s12 =	simm.s32 $0x1100;
	s14 =	simm.s32 $0x1200  }
0x1b: {  	s15 =	simm.s32 $0x1280;
	s17 =	simm.s32 $0x1380;
	s3 =	sor.u32 s9, s3  }
0x1c: {  	s11 =	sshrl.u32 s1, $0x1;
	s16 =	sshrl.u32 s13, $0x2;
	s13 =	simm.s32 $0x1180  }
0x1d: {  	s3 =	smul.u32 $0x280, s3;
	s4 =	sadd.s32 s5, s4;
	s1 =	ssub.s32 s1, s11  }
0x1e: {  	s5 =	simm.s32 $0x100;
	s11 =	simm.s32 $0x1080;
	s1 =	smax.u32 s1, $0x1  }
0x1f: {  	s4 =	sshrl.u32 s4, $0x3;
	[dreg:$0x9] =	wrdreg s5;
	p1 =	sne.s32 s1, $0x1  }
.Ltmp0:
0x20: {  	s5 =	simm.s32 $0x2;
	s3 =	sadd.s32 s3, s0;
	(pc) =	sbr.rel @!p1 .LBB2_1-.Ltmp0, $4  }
0x21: {  	s0 =	sadd.s32 s4, s0;
	s4 =	sadd.s32 s16, s2;
	s3 =	sadd.s32 $0x4000, s3  }
0x22: {  	s1 =	sadd.s32 $0xFFFFFFFF, s1;
	s0 =	sadd.s32 $0x9000, s0;
	[dreg:$0x7] =	wrdreg s3  }
0x23: {  	s16 =	simm.s32 $0x1300;
	s4 =	sshrl.u32 s4, $0x3;
	[dreg:$0x8] =	wrdreg s0  }
0x24: {  	s3 =	sor.u32 $0x1C02, s19;
	s19 =	simm.s32 $0xC80;
	s0 =	rddreg [dreg:$0x6]  }
0x25: {  	[spmem:s4], [sflag:s3] =	dma.local [hbm:s0], $0x2800  }
0x26: {  	_ =	swait.ge [sflag:s5], $0x2800  }
0x27: {  	[sflag:s5] =	ssyncset.done $0x0  }
0x28: {  	s9 =	rddreg [dreg:$0x5];
	[sflag:s5] =	ssyncadd.s32 $0xFFFFD800  }
0x29: {  	[tilespmem:s7], [sflag:$0x2] =	stream.linear.gather [hbm4b:s9+s31], $0x4000, $0x38;
	[tilespmem:$0x19400] =	vst v63  }
0x2a: {  	_ =	swait.ge [sflag:s5], $0x4000  }
0x2b: {  	[sflag:s5] =	ssyncset.done $0x0  }
0x2c: {  	s9 =	rddreg [dreg:$0x7];
	[sflag:s5] =	ssyncadd.s32 $0xFFFFC000  }
0x2d: {  	[tilespmem:s31], [sflag:$0x2] =	stream.linear.gather [hbm4b:s9+s31], $0x1400, $0x38;
	[tilespmem:$0x19400] =	vst v63  }
0x2e: {  	_ =	swait.ge [sflag:s5], $0x1400  }
0x2f: {  	[sflag:s5] =	ssyncset.done $0x0  }
0x30: {  	[sflag:s5] =	ssyncadd.s32 $0xFFFFEC00  }
0x31: {  	[bflag:$0x0] =	sbarrier.arrive $0xFFFF  }
0x32: {  	[spmem:s2] =	stream.indirect.scatter.add.f32 [tilespmem:s7], [sflag:$0x1], $0x80, s31, s8, $0xb8;
	[tilespmem:$0x19400] =	vst v63  }
0x33: {  	_ = 	snop  }
0x34: {  	[spmem:s2] =	stream.indirect.scatter.add.f32 [tilespmem:s7], [sflag:$0x1], $0x80, s8, s8, $0xb8;
	[tilespmem:$0x19400] =	vst v63  }
0x35: {  	s0 =	rddreg [dreg:$0x9]  }
0x36: {  	[spmem:s2] =	stream.indirect.scatter.add.f32 [tilespmem:s7], [sflag:$0x1], $0x80, s0, s8, $0xb8;
	[tilespmem:$0x19400] =	vst v63  }
0x37: {  	s9 =	smov.u32 s1;
	s1 =	rddreg [dreg:$0xa]  }
0x38: {  	[spmem:s2] =	stream.indirect.scatter.add.f32 [tilespmem:s7], [sflag:$0x1], $0x80, s1, s8, $0xb8;
	[tilespmem:$0x19400] =	vst v63  }
0x39: {  	s0 =	rddreg [dreg:$0xb]  }
0x3a: {  	[spmem:s2] =	stream.indirect.scatter.add.f32 [tilespmem:s7], [sflag:$0x1], $0x80, s0, s8, $0xb8;
	[tilespmem:$0x19400] =	vst v63  }
0x3b: {  	s1 =	rddreg [dreg:$0xc]  }
0x3c: {  	[spmem:s2] =	stream.indirect.scatter.add.f32 [tilespmem:s7], [sflag:$0x1], $0x80, s1, s8, $0xb8;
	[tilespmem:$0x19400] =	vst v63  }
0x3d: {  	s0 =	rddreg [dreg:$0xd]  }
0x3e: {  	[spmem:s2] =	stream.indirect.scatter.add.f32 [tilespmem:s7], [sflag:$0x1], $0x80, s0, s8, $0xb8;
	[tilespmem:$0x19400] =	vst v63  }
0x3f: {  	s1 =	rddreg [dreg:$0xe]  }
0x40: {  	[spmem:s2] =	stream.indirect.scatter.add.f32 [tilespmem:s7], [sflag:$0x1], $0x80, s1, s8, $0xb8;
	[tilespmem:$0x19400] =	vst v63  }
0x41: {  	_ =	swait.ge [sflag:s6], $0x4000  }
0x42: {  	[sflag:s6] =	ssyncset.done $0x0  }
0x43: {  	[sflag:s6] =	ssyncadd.s32 $0xFFFFC000  }
0x44: {  	_ =	swait.ge [sflag:s6], $0x4000  }
0x45: {  	[sflag:s6] =	ssyncset.done $0x0  }
0x46: {  	[sflag:s6] =	ssyncadd.s32 $0xFFFFC000  }
0x47: {  	_ =	swait.ge [sflag:s6], $0x4000  }
0x48: {  	[sflag:s6] =	ssyncset.done $0x0  }
0x49: {  	[sflag:s6] =	ssyncadd.s32 $0xFFFFC000  }
0x4a: {  	_ =	swait.ge [sflag:s6], $0x4000  }
0x4b: {  	[sflag:s6] =	ssyncset.done $0x0  }
0x4c: {  	[sflag:s6] =	ssyncadd.s32 $0xFFFFC000  }
0x4d: {  	_ =	swait.ge [sflag:s6], $0x4000  }
0x4e: {  	[sflag:s6] =	ssyncset.done $0x0  }
0x4f: {  	[sflag:s6] =	ssyncadd.s32 $0xFFFFC000  }
0x50: {  	_ =	swait.ge [sflag:s6], $0x4000  }
0x51: {  	[sflag:s6] =	ssyncset.done $0x0  }
0x52: {  	[sflag:s6] =	ssyncadd.s32 $0xFFFFC000  }
0x53: {  	_ =	swait.ge [sflag:s6], $0x4000  }
0x54: {  	[sflag:s6] =	ssyncset.done $0x0  }
0x55: {  	[sflag:s6] =	ssyncadd.s32 $0xFFFFC000  }
0x56: {  	_ =	swait.ge [sflag:s6], $0x4000  }
0x57: {  	[sflag:s6] =	ssyncset.done $0x0  }
0x58: {  	s0 =	rddreg [dreg:$0xf];
	[sflag:s6] =	ssyncadd.s32 $0xFFFFC000  }
0x59: {  	[spmem:s2] =	stream.indirect.scatter.add.f32 [tilespmem:s7], [sflag:$0x1], $0x80, s0, s8, $0xb8;
	[tilespmem:$0x19400] =	vst v63  }
0x5a: {  	s1 =	rddreg [dreg:$0x10]  }
0x5b: {  	[spmem:s2] =	stream.indirect.scatter.add.f32 [tilespmem:s7], [sflag:$0x1], $0x80, s1, s8, $0xb8;
	[tilespmem:$0x19400] =	vst v63  }
0x5c: {  	s0 =	rddreg [dreg:$0x11]  }
0x5d: {  	[spmem:s2] =	stream.indirect.scatter.add.f32 [tilespmem:s7], [sflag:$0x1], $0x80, s0, s8, $0xb8;
	[tilespmem:$0x19400] =	vst v63  }
0x5e: {  	s1 =	rddreg [dreg:$0x12]  }
0x5f: {  	[spmem:s2] =	stream.indirect.scatter.add.f32 [tilespmem:s7], [sflag:$0x1], $0x80, s1, s8, $0xb8;
	[tilespmem:$0x19400] =	vst v63  }
0x60: {  	s0 =	rddreg [dreg:$0x13]  }
0x61: {  	[spmem:s2] =	stream.indirect.scatter.add.f32 [tilespmem:s7], [sflag:$0x1], $0x80, s0, s8, $0xb8;
	[tilespmem:$0x19400] =	vst v63  }
0x62: {  	s1 =	rddreg [dreg:$0x14]  }
0x63: {  	[spmem:s2] =	stream.indirect.scatter.add.f32 [tilespmem:s7], [sflag:$0x1], $0x80, s1, s8, $0xb8;
	[tilespmem:$0x19400] =	vst v63  }
0x64: {  	s0 =	rddreg [dreg:$0x15]  }
0x65: {  	[spmem:s2] =	stream.indirect.scatter.add.f32 [tilespmem:s7], [sflag:$0x1], $0x80, s0, s8, $0xb8;
	[tilespmem:$0x19400] =	vst v63  }
0x66: {  	s1 =	rddreg [dreg:$0x16]  }
0x67: {  	[spmem:s2] =	stream.indirect.scatter.add.f32 [tilespmem:s7], [sflag:$0x1], $0x80, s1, s8, $0xb8;
	[tilespmem:$0x19400] =	vst v63  }
0x68: {  	_ =	swait.ge [sflag:s6], $0x4000  }
0x69: {  	[sflag:s6] =	ssyncset.done $0x0  }
0x6a: {  	[sflag:s6] =	ssyncadd.s32 $0xFFFFC000  }
0x6b: {  	_ =	swait.ge [sflag:s6], $0x4000  }
0x6c: {  	[sflag:s6] =	ssyncset.done $0x0  }
0x6d: {  	[sflag:s6] =	ssyncadd.s32 $0xFFFFC000  }
0x6e: {  	_ =	swait.ge [sflag:s6], $0x4000  }
0x6f: {  	[sflag:s6] =	ssyncset.done $0x0  }
0x70: {  	[sflag:s6] =	ssyncadd.s32 $0xFFFFC000  }
0x71: {  	_ =	swait.ge [sflag:s6], $0x4000  }
0x72: {  	[sflag:s6] =	ssyncset.done $0x0  }
0x73: {  	[sflag:s6] =	ssyncadd.s32 $0xFFFFC000  }
0x74: {  	_ =	swait.ge [sflag:s6], $0x4000  }
0x75: {  	[sflag:s6] =	ssyncset.done $0x0  }
0x76: {  	[sflag:s6] =	ssyncadd.s32 $0xFFFFC000  }
0x77: {  	_ =	swait.ge [sflag:s6], $0x4000  }
0x78: {  	[sflag:s6] =	ssyncset.done $0x0  }
0x79: {  	[sflag:s6] =	ssyncadd.s32 $0xFFFFC000  }
0x7a: {  	_ =	swait.ge [sflag:s6], $0x4000  }
0x7b: {  	[sflag:s6] =	ssyncset.done $0x0  }
0x7c: {  	[sflag:s6] =	ssyncadd.s32 $0xFFFFC000  }
0x7d: {  	_ =	swait.ge [sflag:s6], $0x4000  }
0x7e: {  	[sflag:s6] =	ssyncset.done $0x0  }
0x7f: {  	s0 =	rddreg [dreg:$0x17];
	[sflag:s6] =	ssyncadd.s32 $0xFFFFC000  }
0x80: {  	[spmem:s2] =	stream.indirect.scatter.add.f32 [tilespmem:s7], [sflag:$0x1], $0x80, s0, s8, $0xb8;
	[tilespmem:$0x19400] =	vst v63  }
0x81: {  	s1 =	rddreg [dreg:$0x18]  }
0x82: {  	[spmem:s2] =	stream.indirect.scatter.add.f32 [tilespmem:s7], [sflag:$0x1], $0x80, s1, s8, $0xb8;
	[tilespmem:$0x19400] =	vst v63  }
0x83: {  	s0 =	rddreg [dreg:$0x19]  }
0x84: {  	[spmem:s2] =	stream.indirect.scatter.add.f32 [tilespmem:s7], [sflag:$0x1], $0x80, s0, s8, $0xb8;
	[tilespmem:$0x19400] =	vst v63  }
0x85: {  	_ = 	snop  }
0x86: {  	[spmem:s2] =	stream.indirect.scatter.add.f32 [tilespmem:s7], [sflag:$0x1], $0x80, s26, s8, $0xb8;
	[tilespmem:$0x19400] =	vst v63  }
0x87: {  	_ = 	snop  }
0x88: {  	[spmem:s2] =	stream.indirect.scatter.add.f32 [tilespmem:s7], [sflag:$0x1], $0x80, s28, s8, $0xb8;
	[tilespmem:$0x19400] =	vst v63  }
0x89: {  	_ = 	snop  }
0x8a: {  	[spmem:s2] =	stream.indirect.scatter.add.f32 [tilespmem:s7], [sflag:$0x1], $0x80, s29, s8, $0xb8;
	[tilespmem:$0x19400] =	vst v63  }
0x8b: {  	_ = 	snop  }
0x8c: {  	[spmem:s2] =	stream.indirect.scatter.add.f32 [tilespmem:s7], [sflag:$0x1], $0x80, s30, s8, $0xb8;
	[tilespmem:$0x19400] =	vst v63  }
0x8d: {  	_ = 	snop  }
0x8e: {  	[spmem:s2] =	stream.indirect.scatter.add.f32 [tilespmem:s7], [sflag:$0x1], $0x80, s18, s8, $0xb8;
	[tilespmem:$0x19400] =	vst v63  }
0x8f: {  	_ =	swait.ge [sflag:s6], $0x4000  }
0x90: {  	[sflag:s6] =	ssyncset.done $0x0  }
0x91: {  	[sflag:s6] =	ssyncadd.s32 $0xFFFFC000  }
0x92: {  	_ =	swait.ge [sflag:s6], $0x4000  }
0x93: {  	[sflag:s6] =	ssyncset.done $0x0  }
0x94: {  	[sflag:s6] =	ssyncadd.s32 $0xFFFFC000  }
0x95: {  	_ =	swait.ge [sflag:s6], $0x4000  }
0x96: {  	[sflag:s6] =	ssyncset.done $0x0  }
0x97: {  	[sflag:s6] =	ssyncadd.s32 $0xFFFFC000  }
0x98: {  	_ =	swait.ge [sflag:s6], $0x4000  }
0x99: {  	[sflag:s6] =	ssyncset.done $0x0  }
0x9a: {  	[sflag:s6] =	ssyncadd.s32 $0xFFFFC000  }
0x9b: {  	_ =	swait.ge [sflag:s6], $0x4000  }
0x9c: {  	[sflag:s6] =	ssyncset.done $0x0  }
0x9d: {  	[sflag:s6] =	ssyncadd.s32 $0xFFFFC000  }
0x9e: {  	_ =	swait.ge [sflag:s6], $0x4000  }
0x9f: {  	[sflag:s6] =	ssyncset.done $0x0  }
0xa0: {  	[sflag:s6] =	ssyncadd.s32 $0xFFFFC000  }
0xa1: {  	_ =	swait.ge [sflag:s6], $0x4000  }
0xa2: {  	[sflag:s6] =	ssyncset.done $0x0  }
0xa3: {  	[sflag:s6] =	ssyncadd.s32 $0xFFFFC000  }
0xa4: {  	_ =	swait.ge [sflag:s6], $0x4000  }
0xa5: {  	[sflag:s6] =	ssyncset.done $0x0  }
0xa6: {  	s1 =	simm.s32 $0xC00;
	[sflag:s6] =	ssyncadd.s32 $0xFFFFC000  }
0xa7: {  	[spmem:s2] =	stream.indirect.scatter.add.f32 [tilespmem:s7], [sflag:$0x1], $0x80, s1, s8, $0xb8;
	[tilespmem:$0x19400] =	vst v63  }
0xa8: {  	_ = 	snop  }
0xa9: {  	[spmem:s2] =	stream.indirect.scatter.add.f32 [tilespmem:s7], [sflag:$0x1], $0x80, s19, s8, $0xb8;
	[tilespmem:$0x19400] =	vst v63  }
0xaa: {  	_ = 	snop  }
0xab: {  	[spmem:s2] =	stream.indirect.scatter.add.f32 [tilespmem:s7], [sflag:$0x1], $0x80, s20, s8, $0xb8;
	[tilespmem:$0x19400] =	vst v63  }
0xac: {  	_ = 	snop  }
0xad: {  	[spmem:s2] =	stream.indirect.scatter.add.f32 [tilespmem:s7], [sflag:$0x1], $0x80, s21, s8, $0xb8;
	[tilespmem:$0x19400] =	vst v63  }
0xae: {  	_ = 	snop  }
0xaf: {  	[spmem:s2] =	stream.indirect.scatter.add.f32 [tilespmem:s7], [sflag:$0x1], $0x80, s22, s8, $0xb8;
	[tilespmem:$0x19400] =	vst v63  }
0xb0: {  	_ = 	snop  }
0xb1: {  	[spmem:s2] =	stream.indirect.scatter.add.f32 [tilespmem:s7], [sflag:$0x1], $0x80, s23, s8, $0xb8;
	[tilespmem:$0x19400] =	vst v63  }
0xb2: {  	_ = 	snop  }
0xb3: {  	[spmem:s2] =	stream.indirect.scatter.add.f32 [tilespmem:s7], [sflag:$0x1], $0x80, s24, s8, $0xb8;
	[tilespmem:$0x19400] =	vst v63  }
0xb4: {  	_ = 	snop  }
0xb5: {  	[spmem:s2] =	stream.indirect.scatter.add.f32 [tilespmem:s7], [sflag:$0x1], $0x80, s25, s8, $0xb8;
	[tilespmem:$0x19400] =	vst v63  }
0xb6: {  	_ =	swait.ge [sflag:s6], $0x4000  }
0xb7: {  	[sflag:s6] =	ssyncset.done $0x0  }
0xb8: {  	[sflag:s6] =	ssyncadd.s32 $0xFFFFC000  }
0xb9: {  	_ =	swait.ge [sflag:s6], $0x4000  }
0xba: {  	[sflag:s6] =	ssyncset.done $0x0  }
0xbb: {  	[sflag:s6] =	ssyncadd.s32 $0xFFFFC000  }
0xbc: {  	_ =	swait.ge [sflag:s6], $0x4000  }
0xbd: {  	[sflag:s6] =	ssyncset.done $0x0  }
0xbe: {  	[sflag:s6] =	ssyncadd.s32 $0xFFFFC000  }
0xbf: {  	_ =	swait.ge [sflag:s6], $0x4000  }
0xc0: {  	[sflag:s6] =	ssyncset.done $0x0  }
0xc1: {  	[sflag:s6] =	ssyncadd.s32 $0xFFFFC000  }
0xc2: {  	_ =	swait.ge [sflag:s6], $0x4000  }
0xc3: {  	[sflag:s6] =	ssyncset.done $0x0  }
0xc4: {  	[sflag:s6] =	ssyncadd.s32 $0xFFFFC000  }
0xc5: {  	_ =	swait.ge [sflag:s6], $0x4000  }
0xc6: {  	[sflag:s6] =	ssyncset.done $0x0  }
0xc7: {  	[sflag:s6] =	ssyncadd.s32 $0xFFFFC000  }
0xc8: {  	_ =	swait.ge [sflag:s6], $0x4000  }
0xc9: {  	[sflag:s6] =	ssyncset.done $0x0  }
0xca: {  	[sflag:s6] =	ssyncadd.s32 $0xFFFFC000  }
0xcb: {  	_ =	swait.ge [sflag:s6], $0x4000  }
0xcc: {  	[sflag:s6] =	ssyncset.done $0x0  }
0xcd: {  	[sflag:s6] =	ssyncadd.s32 $0xFFFFC000  }
0xce: {  	[spmem:s2] =	stream.indirect.scatter.add.f32 [tilespmem:s7], [sflag:$0x1], $0x80, s10, s8, $0xb8;
	[tilespmem:$0x19400] =	vst v63  }
0xcf: {  	_ = 	snop  }
0xd0: {  	[spmem:s2] =	stream.indirect.scatter.add.f32 [tilespmem:s7], [sflag:$0x1], $0x80, s11, s8, $0xb8;
	[tilespmem:$0x19400] =	vst v63  }
0xd1: {  	_ = 	snop  }
0xd2: {  	[spmem:s2] =	stream.indirect.scatter.add.f32 [tilespmem:s7], [sflag:$0x1], $0x80, s12, s8, $0xb8;
	[tilespmem:$0x19400] =	vst v63  }
0xd3: {  	_ = 	snop  }
0xd4: {  	[spmem:s2] =	stream.indirect.scatter.add.f32 [tilespmem:s7], [sflag:$0x1], $0x80, s13, s8, $0xb8;
	[tilespmem:$0x19400] =	vst v63  }
0xd5: {  	_ = 	snop  }
0xd6: {  	[spmem:s2] =	stream.indirect.scatter.add.f32 [tilespmem:s7], [sflag:$0x1], $0x80, s14, s8, $0xb8;
	[tilespmem:$0x19400] =	vst v63  }
0xd7: {  	_ = 	snop  }
0xd8: {  	[spmem:s2] =	stream.indirect.scatter.add.f32 [tilespmem:s7], [sflag:$0x1], $0x80, s15, s8, $0xb8;
	[tilespmem:$0x19400] =	vst v63  }
0xd9: {  	_ = 	snop  }
0xda: {  	[spmem:s2] =	stream.indirect.scatter.add.f32 [tilespmem:s7], [sflag:$0x1], $0x80, s16, s8, $0xb8;
	[tilespmem:$0x19400] =	vst v63  }
0xdb: {  	_ = 	snop  }
0xdc: {  	[spmem:s2] =	stream.indirect.scatter.add.f32 [tilespmem:s7], [sflag:$0x1], $0x80, s17, s8, $0xb8;
	[tilespmem:$0x19400] =	vst v63  }
0xdd: {  	_ =	swait.ge [sflag:s6], $0x4000  }
0xde: {  	[sflag:s6] =	ssyncset.done $0x0  }
0xdf: {  	[sflag:s6] =	ssyncadd.s32 $0xFFFFC000  }
0xe0: {  	_ =	swait.ge [sflag:s6], $0x4000  }
0xe1: {  	[sflag:s6] =	ssyncset.done $0x0  }
0xe2: {  	[sflag:s6] =	ssyncadd.s32 $0xFFFFC000  }
0xe3: {  	_ =	swait.ge [sflag:s6], $0x4000  }
0xe4: {  	[sflag:s6] =	ssyncset.done $0x0  }
0xe5: {  	[sflag:s6] =	ssyncadd.s32 $0xFFFFC000  }
0xe6: {  	_ =	swait.ge [sflag:s6], $0x4000  }
0xe7: {  	[sflag:s6] =	ssyncset.done $0x0  }
0xe8: {  	[sflag:s6] =	ssyncadd.s32 $0xFFFFC000  }
0xe9: {  	_ =	swait.ge [sflag:s6], $0x4000  }
0xea: {  	[sflag:s6] =	ssyncset.done $0x0  }
0xeb: {  	[sflag:s6] =	ssyncadd.s32 $0xFFFFC000  }
0xec: {  	_ =	swait.ge [sflag:s6], $0x4000  }
0xed: {  	[sflag:s6] =	ssyncset.done $0x0  }
0xee: {  	[sflag:s6] =	ssyncadd.s32 $0xFFFFC000  }
0xef: {  	_ =	swait.ge [sflag:s6], $0x4000  }
0xf0: {  	[sflag:s6] =	ssyncset.done $0x0  }
0xf1: {  	[sflag:s6] =	ssyncadd.s32 $0xFFFFC000  }
0xf2: {  	_ =	swait.ge [sflag:s6], $0x4000  }
0xf3: {  	[sflag:s6] =	ssyncset.done $0x0  }
0xf4: {  	p1 =	sne.s32 s9, $0x1;
	[sflag:s6] =	ssyncadd.s32 $0xFFFFC000  }
.Ltmp1:
0xf5: {  	[bflag:$0x0] =	sbarrier.arrive $0xFFFF;
	(pc) =	sbr.rel @!p1 .LBB2_3-.Ltmp1, $4  }
0xf6: {  	s1 =	rddreg [dreg:$0x8]  }
0xf7: {  	[hbm:s1], [sflag:s3] =	dma.local [spmem:s4], $0x2800  }
0xf8: {  	p0 =	por $0x1, $0x1;
	_ =	swait.ge [sflag:s5], $0x2800  }
0xf9: {  	s1 =	sadd.s32 $0xFFFFFFFF, s9;
	s0 =	rddreg [dreg:$0x6];
	[sflag:s5] =	ssyncset.done $0x0  }
.LBB2_4:
0xfa: {  	[sflag:s5] =	ssyncadd.s32 $0xFFFFD800  }
0xfb: {  	[spmem:s4], [sflag:s3] =	dma.local [hbm:s0], $0x2800  }
0xfc: {  	_ =	swait.ge [sflag:s5], $0x2800  }
0xfd: {  	[sflag:s5] =	ssyncset.done $0x0  }
0xfe: {  	s9 =	rddreg [dreg:$0x5];
	[sflag:s5] =	ssyncadd.s32 $0xFFFFD800  }
0xff: {  	[tilespmem:s7], [sflag:$0x2] =	stream.linear.gather [hbm4b:s9+s31], $0x4000, $0x38;
	[tilespmem:$0x19400] =	vst v63  }
0x100: {  	_ =	swait.ge [sflag:s5], $0x4000  }
0x101: {  	[sflag:s5] =	ssyncset.done $0x0  }
0x102: {  	s9 =	rddreg [dreg:$0x7];
	[sflag:s5] =	ssyncadd.s32 $0xFFFFC000  }
0x103: {  	[tilespmem:s31], [sflag:$0x2] =	stream.linear.gather [hbm4b:s9+s31], $0x1400, $0x38;
	[tilespmem:$0x19400] =	vst v63  }
0x104: {  	_ =	swait.ge [sflag:s5], $0x1400  }
0x105: {  	[sflag:s5] =	ssyncset.done $0x0  }
0x106: {  	[sflag:s5] =	ssyncadd.s32 $0xFFFFEC00  }
0x107: {  	[bflag:$0x0] =	sbarrier.arrive $0xFFFF  }
0x108: {  	[spmem:s2] =	stream.indirect.scatter.add.f32 [tilespmem:s7], [sflag:$0x1], $0x80, s31, s8, $0xb8;
	[tilespmem:$0x19400] =	vst v63  }
0x109: {  	_ = 	snop  }
0x10a: {  	[spmem:s2] =	stream.indirect.scatter.add.f32 [tilespmem:s7], [sflag:$0x1], $0x80, s8, s8, $0xb8;
	[tilespmem:$0x19400] =	vst v63  }
0x10b: {  	s0 =	rddreg [dreg:$0x9]  }
0x10c: {  	[spmem:s2] =	stream.indirect.scatter.add.f32 [tilespmem:s7], [sflag:$0x1], $0x80, s0, s8, $0xb8;
	[tilespmem:$0x19400] =	vst v63  }
0x10d: {  	s9 =	rddreg [dreg:$0xa]  }
0x10e: {  	[spmem:s2] =	stream.indirect.scatter.add.f32 [tilespmem:s7], [sflag:$0x1], $0x80, s9, s8, $0xb8;
	[tilespmem:$0x19400] =	vst v63  }
0x10f: {  	s0 =	rddreg [dreg:$0xb]  }
0x110: {  	[spmem:s2] =	stream.indirect.scatter.add.f32 [tilespmem:s7], [sflag:$0x1], $0x80, s0, s8, $0xb8;
	[tilespmem:$0x19400] =	vst v63  }
0x111: {  	s9 =	rddreg [dreg:$0xc]  }
0x112: {  	[spmem:s2] =	stream.indirect.scatter.add.f32 [tilespmem:s7], [sflag:$0x1], $0x80, s9, s8, $0xb8;
	[tilespmem:$0x19400] =	vst v63  }
0x113: {  	s0 =	rddreg [dreg:$0xd]  }
0x114: {  	[spmem:s2] =	stream.indirect.scatter.add.f32 [tilespmem:s7], [sflag:$0x1], $0x80, s0, s8, $0xb8;
	[tilespmem:$0x19400] =	vst v63  }
0x115: {  	s9 =	rddreg [dreg:$0xe]  }
0x116: {  	[spmem:s2] =	stream.indirect.scatter.add.f32 [tilespmem:s7], [sflag:$0x1], $0x80, s9, s8, $0xb8;
	[tilespmem:$0x19400] =	vst v63  }
0x117: {  	_ =	swait.ge [sflag:s6], $0x4000  }
0x118: {  	[sflag:s6] =	ssyncset.done $0x0  }
0x119: {  	[sflag:s6] =	ssyncadd.s32 $0xFFFFC000  }
0x11a: {  	_ =	swait.ge [sflag:s6], $0x4000  }
0x11b: {  	[sflag:s6] =	ssyncset.done $0x0  }
0x11c: {  	[sflag:s6] =	ssyncadd.s32 $0xFFFFC000  }
0x11d: {  	_ =	swait.ge [sflag:s6], $0x4000  }
0x11e: {  	[sflag:s6] =	ssyncset.done $0x0  }
0x11f: {  	[sflag:s6] =	ssyncadd.s32 $0xFFFFC000  }
0x120: {  	_ =	swait.ge [sflag:s6], $0x4000  }
0x121: {  	[sflag:s6] =	ssyncset.done $0x0  }
0x122: {  	[sflag:s6] =	ssyncadd.s32 $0xFFFFC000  }
0x123: {  	_ =	swait.ge [sflag:s6], $0x4000  }
0x124: {  	[sflag:s6] =	ssyncset.done $0x0  }
0x125: {  	[sflag:s6] =	ssyncadd.s32 $0xFFFFC000  }
0x126: {  	_ =	swait.ge [sflag:s6], $0x4000  }
0x127: {  	[sflag:s6] =	ssyncset.done $0x0  }
0x128: {  	[sflag:s6] =	ssyncadd.s32 $0xFFFFC000  }
0x129: {  	_ =	swait.ge [sflag:s6], $0x4000  }
0x12a: {  	[sflag:s6] =	ssyncset.done $0x0  }
0x12b: {  	[sflag:s6] =	ssyncadd.s32 $0xFFFFC000  }
0x12c: {  	_ =	swait.ge [sflag:s6], $0x4000  }
0x12d: {  	[sflag:s6] =	ssyncset.done $0x0  }
0x12e: {  	s0 =	rddreg [dreg:$0xf];
	[sflag:s6] =	ssyncadd.s32 $0xFFFFC000  }
0x12f: {  	[spmem:s2] =	stream.indirect.scatter.add.f32 [tilespmem:s7], [sflag:$0x1], $0x80, s0, s8, $0xb8;
	[tilespmem:$0x19400] =	vst v63  }
0x130: {  	s9 =	rddreg [dreg:$0x10]  }
0x131: {  	[spmem:s2] =	stream.indirect.scatter.add.f32 [tilespmem:s7], [sflag:$0x1], $0x80, s9, s8, $0xb8;
	[tilespmem:$0x19400] =	vst v63  }
0x132: {  	s0 =	rddreg [dreg:$0x11]  }
0x133: {  	[spmem:s2] =	stream.indirect.scatter.add.f32 [tilespmem:s7], [sflag:$0x1], $0x80, s0, s8, $0xb8;
	[tilespmem:$0x19400] =	vst v63  }
0x134: {  	s9 =	rddreg [dreg:$0x12]  }
0x135: {  	[spmem:s2] =	stream.indirect.scatter.add.f32 [tilespmem:s7], [sflag:$0x1], $0x80, s9, s8, $0xb8;
	[tilespmem:$0x19400] =	vst v63  }
0x136: {  	s0 =	rddreg [dreg:$0x13]  }
0x137: {  	[spmem:s2] =	stream.indirect.scatter.add.f32 [tilespmem:s7], [sflag:$0x1], $0x80, s0, s8, $0xb8;
	[tilespmem:$0x19400] =	vst v63  }
0x138: {  	s9 =	rddreg [dreg:$0x14]  }
0x139: {  	[spmem:s2] =	stream.indirect.scatter.add.f32 [tilespmem:s7], [sflag:$0x1], $0x80, s9, s8, $0xb8;
	[tilespmem:$0x19400] =	vst v63  }
0x13a: {  	s0 =	rddreg [dreg:$0x15]  }
0x13b: {  	[spmem:s2] =	stream.indirect.scatter.add.f32 [tilespmem:s7], [sflag:$0x1], $0x80, s0, s8, $0xb8;
	[tilespmem:$0x19400] =	vst v63  }
0x13c: {  	s9 =	rddreg [dreg:$0x16]  }
0x13d: {  	[spmem:s2] =	stream.indirect.scatter.add.f32 [tilespmem:s7], [sflag:$0x1], $0x80, s9, s8, $0xb8;
	[tilespmem:$0x19400] =	vst v63  }
0x13e: {  	_ =	swait.ge [sflag:s6], $0x4000  }
0x13f: {  	[sflag:s6] =	ssyncset.done $0x0  }
0x140: {  	[sflag:s6] =	ssyncadd.s32 $0xFFFFC000  }
0x141: {  	_ =	swait.ge [sflag:s6], $0x4000  }
0x142: {  	[sflag:s6] =	ssyncset.done $0x0  }
0x143: {  	[sflag:s6] =	ssyncadd.s32 $0xFFFFC000  }
0x144: {  	_ =	swait.ge [sflag:s6], $0x4000  }
0x145: {  	[sflag:s6] =	ssyncset.done $0x0  }
0x146: {  	[sflag:s6] =	ssyncadd.s32 $0xFFFFC000  }
0x147: {  	_ =	swait.ge [sflag:s6], $0x4000  }
0x148: {  	[sflag:s6] =	ssyncset.done $0x0  }
0x149: {  	[sflag:s6] =	ssyncadd.s32 $0xFFFFC000  }
0x14a: {  	_ =	swait.ge [sflag:s6], $0x4000  }
0x14b: {  	[sflag:s6] =	ssyncset.done $0x0  }
0x14c: {  	[sflag:s6] =	ssyncadd.s32 $0xFFFFC000  }
0x14d: {  	_ =	swait.ge [sflag:s6], $0x4000  }
0x14e: {  	[sflag:s6] =	ssyncset.done $0x0  }
0x14f: {  	[sflag:s6] =	ssyncadd.s32 $0xFFFFC000  }
0x150: {  	_ =	swait.ge [sflag:s6], $0x4000  }
0x151: {  	[sflag:s6] =	ssyncset.done $0x0  }
0x152: {  	[sflag:s6] =	ssyncadd.s32 $0xFFFFC000  }
0x153: {  	_ =	swait.ge [sflag:s6], $0x4000  }
0x154: {  	[sflag:s6] =	ssyncset.done $0x0  }
0x155: {  	s0 =	rddreg [dreg:$0x17];
	[sflag:s6] =	ssyncadd.s32 $0xFFFFC000  }
0x156: {  	[spmem:s2] =	stream.indirect.scatter.add.f32 [tilespmem:s7], [sflag:$0x1], $0x80, s0, s8, $0xb8;
	[tilespmem:$0x19400] =	vst v63  }
0x157: {  	s9 =	rddreg [dreg:$0x18]  }
0x158: {  	[spmem:s2] =	stream.indirect.scatter.add.f32 [tilespmem:s7], [sflag:$0x1], $0x80, s9, s8, $0xb8;
	[tilespmem:$0x19400] =	vst v63  }
0x159: {  	s0 =	rddreg [dreg:$0x19]  }
0x15a: {  	[spmem:s2] =	stream.indirect.scatter.add.f32 [tilespmem:s7], [sflag:$0x1], $0x80, s0, s8, $0xb8;
	[tilespmem:$0x19400] =	vst v63  }
0x15b: {  	_ = 	snop  }
0x15c: {  	[spmem:s2] =	stream.indirect.scatter.add.f32 [tilespmem:s7], [sflag:$0x1], $0x80, s26, s8, $0xb8;
	[tilespmem:$0x19400] =	vst v63  }
0x15d: {  	_ = 	snop  }
0x15e: {  	[spmem:s2] =	stream.indirect.scatter.add.f32 [tilespmem:s7], [sflag:$0x1], $0x80, s28, s8, $0xb8;
	[tilespmem:$0x19400] =	vst v63  }
0x15f: {  	_ = 	snop  }
0x160: {  	[spmem:s2] =	stream.indirect.scatter.add.f32 [tilespmem:s7], [sflag:$0x1], $0x80, s29, s8, $0xb8;
	[tilespmem:$0x19400] =	vst v63  }
0x161: {  	_ = 	snop  }
0x162: {  	[spmem:s2] =	stream.indirect.scatter.add.f32 [tilespmem:s7], [sflag:$0x1], $0x80, s30, s8, $0xb8;
	[tilespmem:$0x19400] =	vst v63  }
0x163: {  	_ = 	snop  }
0x164: {  	[spmem:s2] =	stream.indirect.scatter.add.f32 [tilespmem:s7], [sflag:$0x1], $0x80, s18, s8, $0xb8;
	[tilespmem:$0x19400] =	vst v63  }
0x165: {  	_ =	swait.ge [sflag:s6], $0x4000  }
0x166: {  	[sflag:s6] =	ssyncset.done $0x0  }
0x167: {  	[sflag:s6] =	ssyncadd.s32 $0xFFFFC000  }
0x168: {  	_ =	swait.ge [sflag:s6], $0x4000  }
0x169: {  	[sflag:s6] =	ssyncset.done $0x0  }
0x16a: {  	[sflag:s6] =	ssyncadd.s32 $0xFFFFC000  }
0x16b: {  	_ =	swait.ge [sflag:s6], $0x4000  }
0x16c: {  	[sflag:s6] =	ssyncset.done $0x0  }
0x16d: {  	[sflag:s6] =	ssyncadd.s32 $0xFFFFC000  }
0x16e: {  	_ =	swait.ge [sflag:s6], $0x4000  }
0x16f: {  	[sflag:s6] =	ssyncset.done $0x0  }
0x170: {  	[sflag:s6] =	ssyncadd.s32 $0xFFFFC000  }
0x171: {  	_ =	swait.ge [sflag:s6], $0x4000  }
0x172: {  	[sflag:s6] =	ssyncset.done $0x0  }
0x173: {  	[sflag:s6] =	ssyncadd.s32 $0xFFFFC000  }
0x174: {  	_ =	swait.ge [sflag:s6], $0x4000  }
0x175: {  	[sflag:s6] =	ssyncset.done $0x0  }
0x176: {  	[sflag:s6] =	ssyncadd.s32 $0xFFFFC000  }
0x177: {  	_ =	swait.ge [sflag:s6], $0x4000  }
0x178: {  	[sflag:s6] =	ssyncset.done $0x0  }
0x179: {  	[sflag:s6] =	ssyncadd.s32 $0xFFFFC000  }
0x17a: {  	_ =	swait.ge [sflag:s6], $0x4000  }
0x17b: {  	[sflag:s6] =	ssyncset.done $0x0  }
0x17c: {  	s9 =	simm.s32 $0xC00;
	[sflag:s6] =	ssyncadd.s32 $0xFFFFC000  }
0x17d: {  	[spmem:s2] =	stream.indirect.scatter.add.f32 [tilespmem:s7], [sflag:$0x1], $0x80, s9, s8, $0xb8;
	[tilespmem:$0x19400] =	vst v63  }
0x17e: {  	_ = 	snop  }
0x17f: {  	[spmem:s2] =	stream.indirect.scatter.add.f32 [tilespmem:s7], [sflag:$0x1], $0x80, s19, s8, $0xb8;
	[tilespmem:$0x19400] =	vst v63  }
0x180: {  	_ = 	snop  }
0x181: {  	[spmem:s2] =	stream.indirect.scatter.add.f32 [tilespmem:s7], [sflag:$0x1], $0x80, s20, s8, $0xb8;
	[tilespmem:$0x19400] =	vst v63  }
0x182: {  	_ = 	snop  }
0x183: {  	[spmem:s2] =	stream.indirect.scatter.add.f32 [tilespmem:s7], [sflag:$0x1], $0x80, s21, s8, $0xb8;
	[tilespmem:$0x19400] =	vst v63  }
0x184: {  	_ = 	snop  }
0x185: {  	[spmem:s2] =	stream.indirect.scatter.add.f32 [tilespmem:s7], [sflag:$0x1], $0x80, s22, s8, $0xb8;
	[tilespmem:$0x19400] =	vst v63  }
0x186: {  	_ = 	snop  }
0x187: {  	[spmem:s2] =	stream.indirect.scatter.add.f32 [tilespmem:s7], [sflag:$0x1], $0x80, s23, s8, $0xb8;
	[tilespmem:$0x19400] =	vst v63  }
0x188: {  	_ = 	snop  }
0x189: {  	[spmem:s2] =	stream.indirect.scatter.add.f32 [tilespmem:s7], [sflag:$0x1], $0x80, s24, s8, $0xb8;
	[tilespmem:$0x19400] =	vst v63  }
0x18a: {  	_ = 	snop  }
0x18b: {  	[spmem:s2] =	stream.indirect.scatter.add.f32 [tilespmem:s7], [sflag:$0x1], $0x80, s25, s8, $0xb8;
	[tilespmem:$0x19400] =	vst v63  }
0x18c: {  	_ =	swait.ge [sflag:s6], $0x4000  }
0x18d: {  	[sflag:s6] =	ssyncset.done $0x0  }
0x18e: {  	[sflag:s6] =	ssyncadd.s32 $0xFFFFC000  }
0x18f: {  	_ =	swait.ge [sflag:s6], $0x4000  }
0x190: {  	[sflag:s6] =	ssyncset.done $0x0  }
0x191: {  	[sflag:s6] =	ssyncadd.s32 $0xFFFFC000  }
0x192: {  	_ =	swait.ge [sflag:s6], $0x4000  }
0x193: {  	[sflag:s6] =	ssyncset.done $0x0  }
0x194: {  	[sflag:s6] =	ssyncadd.s32 $0xFFFFC000  }
0x195: {  	_ =	swait.ge [sflag:s6], $0x4000  }
0x196: {  	[sflag:s6] =	ssyncset.done $0x0  }
0x197: {  	[sflag:s6] =	ssyncadd.s32 $0xFFFFC000  }
0x198: {  	_ =	swait.ge [sflag:s6], $0x4000  }
0x199: {  	[sflag:s6] =	ssyncset.done $0x0  }
0x19a: {  	[sflag:s6] =	ssyncadd.s32 $0xFFFFC000  }
0x19b: {  	_ =	swait.ge [sflag:s6], $0x4000  }
0x19c: {  	[sflag:s6] =	ssyncset.done $0x0  }
0x19d: {  	[sflag:s6] =	ssyncadd.s32 $0xFFFFC000  }
0x19e: {  	_ =	swait.ge [sflag:s6], $0x4000  }
0x19f: {  	[sflag:s6] =	ssyncset.done $0x0  }
0x1a0: {  	[sflag:s6] =	ssyncadd.s32 $0xFFFFC000  }
0x1a1: {  	_ =	swait.ge [sflag:s6], $0x4000  }
0x1a2: {  	[sflag:s6] =	ssyncset.done $0x0  }
0x1a3: {  	[sflag:s6] =	ssyncadd.s32 $0xFFFFC000  }
0x1a4: {  	[spmem:s2] =	stream.indirect.scatter.add.f32 [tilespmem:s7], [sflag:$0x1], $0x80, s10, s8, $0xb8;
	[tilespmem:$0x19400] =	vst v63  }
0x1a5: {  	_ = 	snop  }
0x1a6: {  	[spmem:s2] =	stream.indirect.scatter.add.f32 [tilespmem:s7], [sflag:$0x1], $0x80, s11, s8, $0xb8;
	[tilespmem:$0x19400] =	vst v63  }
0x1a7: {  	_ = 	snop  }
0x1a8: {  	[spmem:s2] =	stream.indirect.scatter.add.f32 [tilespmem:s7], [sflag:$0x1], $0x80, s12, s8, $0xb8;
	[tilespmem:$0x19400] =	vst v63  }
0x1a9: {  	_ = 	snop  }
0x1aa: {  	[spmem:s2] =	stream.indirect.scatter.add.f32 [tilespmem:s7], [sflag:$0x1], $0x80, s13, s8, $0xb8;
	[tilespmem:$0x19400] =	vst v63  }
0x1ab: {  	_ = 	snop  }
0x1ac: {  	[spmem:s2] =	stream.indirect.scatter.add.f32 [tilespmem:s7], [sflag:$0x1], $0x80, s14, s8, $0xb8;
	[tilespmem:$0x19400] =	vst v63  }
0x1ad: {  	_ = 	snop  }
0x1ae: {  	[spmem:s2] =	stream.indirect.scatter.add.f32 [tilespmem:s7], [sflag:$0x1], $0x80, s15, s8, $0xb8;
	[tilespmem:$0x19400] =	vst v63  }
0x1af: {  	_ = 	snop  }
0x1b0: {  	[spmem:s2] =	stream.indirect.scatter.add.f32 [tilespmem:s7], [sflag:$0x1], $0x80, s16, s8, $0xb8;
	[tilespmem:$0x19400] =	vst v63  }
0x1b1: {  	_ = 	snop  }
0x1b2: {  	[spmem:s2] =	stream.indirect.scatter.add.f32 [tilespmem:s7], [sflag:$0x1], $0x80, s17, s8, $0xb8;
	[tilespmem:$0x19400] =	vst v63  }
0x1b3: {  	_ =	swait.ge [sflag:s6], $0x4000  }
0x1b4: {  	[sflag:s6] =	ssyncset.done $0x0  }
0x1b5: {  	[sflag:s6] =	ssyncadd.s32 $0xFFFFC000  }
0x1b6: {  	_ =	swait.ge [sflag:s6], $0x4000  }
0x1b7: {  	[sflag:s6] =	ssyncset.done $0x0  }
0x1b8: {  	[sflag:s6] =	ssyncadd.s32 $0xFFFFC000  }
0x1b9: {  	_ =	swait.ge [sflag:s6], $0x4000  }
0x1ba: {  	[sflag:s6] =	ssyncset.done $0x0  }
0x1bb: {  	[sflag:s6] =	ssyncadd.s32 $0xFFFFC000  }
0x1bc: {  	_ =	swait.ge [sflag:s6], $0x4000  }
0x1bd: {  	[sflag:s6] =	ssyncset.done $0x0  }
0x1be: {  	[sflag:s6] =	ssyncadd.s32 $0xFFFFC000  }
0x1bf: {  	_ =	swait.ge [sflag:s6], $0x4000  }
0x1c0: {  	[sflag:s6] =	ssyncset.done $0x0  }
0x1c1: {  	[sflag:s6] =	ssyncadd.s32 $0xFFFFC000  }
0x1c2: {  	_ =	swait.ge [sflag:s6], $0x4000  }
0x1c3: {  	[sflag:s6] =	ssyncset.done $0x0  }
0x1c4: {  	[sflag:s6] =	ssyncadd.s32 $0xFFFFC000  }
0x1c5: {  	_ =	swait.ge [sflag:s6], $0x4000  }
0x1c6: {  	[sflag:s6] =	ssyncset.done $0x0  }
0x1c7: {  	[sflag:s6] =	ssyncadd.s32 $0xFFFFC000  }
0x1c8: {  	_ =	swait.ge [sflag:s6], $0x4000  }
0x1c9: {  	[sflag:s6] =	ssyncset.done $0x0  }
0x1ca: {  	p1 =	sne.s32 s1, $0x1;
	[sflag:s6] =	ssyncadd.s32 $0xFFFFC000  }
.Ltmp2:
0x1cb: {  	[bflag:$0x0] =	sbarrier.arrive $0xFFFF;
	(pc) =	sbr.rel @p1 .LBB2_4-.Ltmp2, $4  }
0x1cc: {  	s9 =	rddreg [dreg:$0x8]  }
0x1cd: {  	[hbm:s9], [sflag:s3] =	dma.local [spmem:s4], $0x2800  }
0x1ce: {  	_ =	swait.ge [sflag:s5], $0x2800  }
0x1cf: {  	s1 =	sadd.s32 $0xFFFFFFFF, s1;
	s0 =	rddreg [dreg:$0x6];
	[sflag:s5] =	ssyncset.done $0x0  }
0x1d0: {  	s17 =	simm.s32 $0xB80;
	s30 =	simm.s32 $0xB00;
	s29 =	simm.s32 $0xA80  }
0x1d1: {  	s28 =	simm.s32 $0xA00;
	s26 =	simm.s32 $0x980;
	s25 =	simm.s32 $0xF80  }
0x1d2: {  	s24 =	simm.s32 $0xF00;
	s23 =	simm.s32 $0xE80;
	s22 =	simm.s32 $0xE00  }
0x1d3: {  	s21 =	simm.s32 $0xD80;
	s20 =	simm.s32 $0xD00;
	s19 =	simm.s32 $0xC80  }
0x1d4: {  	s18 =	simm.s32 $0xC00;
	s16 =	simm.s32 $0x1300;
	s15 =	simm.s32 $0x1280  }
0x1d5: {  	s14 =	simm.s32 $0x1200;
	s13 =	simm.s32 $0x1180;
	s12 =	simm.s32 $0x1100  }
0x1d6: {  	s11 =	simm.s32 $0x1080;
	s10 =	simm.s32 $0x1000;
	s9 =	stileid.u32  }
.LBB2_6:
0x1d7: {  	[sflag:s5] =	ssyncadd.s32 @p0 $0xFFFFD800  }
0x1d8: {  	[spmem:s4], [sflag:s3] =	dma.local [hbm:s0], $0x2800  }
0x1d9: {  	_ =	swait.ge [sflag:s5], $0x2800  }
0x1da: {  	[sflag:s5] =	ssyncset.done $0x0  }
0x1db: {  	s1 =	rddreg [dreg:$0x5];
	[sflag:s5] =	ssyncadd.s32 $0xFFFFD800  }
0x1dc: {  	[tilespmem:s7], [sflag:$0x2] =	stream.linear.gather [hbm4b:s1+s31], $0x4000, $0x38;
	[tilespmem:$0x19400] =	vst v63  }
0x1dd: {  	_ =	swait.ge [sflag:s5], $0x4000  }
0x1de: {  	[sflag:s5] =	ssyncset.done $0x0  }
0x1df: {  	s1 =	rddreg [dreg:$0x7];
	[sflag:s5] =	ssyncadd.s32 $0xFFFFC000  }
0x1e0: {  	[tilespmem:s31], [sflag:$0x2] =	stream.linear.gather [hbm4b:s1+s31], $0x1400, $0x38;
	[tilespmem:$0x19400] =	vst v63  }
0x1e1: {  	_ =	swait.ge [sflag:s5], $0x1400  }
0x1e2: {  	[sflag:s5] =	ssyncset.done $0x0  }
0x1e3: {  	[sflag:s5] =	ssyncadd.s32 $0xFFFFEC00  }
0x1e4: {  	[bflag:$0x0] =	sbarrier.arrive $0xFFFF  }
0x1e5: {  	[spmem:s2] =	stream.indirect.scatter.add.f32 [tilespmem:s7], [sflag:$0x1], $0x80, s31, s8, $0xb8;
	[tilespmem:$0x19400] =	vst v63  }
0x1e6: {  	_ = 	snop  }
0x1e7: {  	[spmem:s2] =	stream.indirect.scatter.add.f32 [tilespmem:s7], [sflag:$0x1], $0x80, s8, s8, $0xb8;
	[tilespmem:$0x19400] =	vst v63  }
0x1e8: {  	s31 =	rddreg [dreg:$0x9]  }
0x1e9: {  	[spmem:s2] =	stream.indirect.scatter.add.f32 [tilespmem:s7], [sflag:$0x1], $0x80, s31, s8, $0xb8;
	[tilespmem:$0x19400] =	vst v63  }
0x1ea: {  	s1 =	rddreg [dreg:$0xa]  }
0x1eb: {  	[spmem:s2] =	stream.indirect.scatter.add.f32 [tilespmem:s7], [sflag:$0x1], $0x80, s1, s8, $0xb8;
	[tilespmem:$0x19400] =	vst v63  }
0x1ec: {  	s0 =	rddreg [dreg:$0xb]  }
0x1ed: {  	[spmem:s2] =	stream.indirect.scatter.add.f32 [tilespmem:s7], [sflag:$0x1], $0x80, s0, s8, $0xb8;
	[tilespmem:$0x19400] =	vst v63  }
0x1ee: {  	s31 =	rddreg [dreg:$0xc]  }
0x1ef: {  	[spmem:s2] =	stream.indirect.scatter.add.f32 [tilespmem:s7], [sflag:$0x1], $0x80, s31, s8, $0xb8;
	[tilespmem:$0x19400] =	vst v63  }
0x1f0: {  	s0 =	rddreg [dreg:$0xd]  }
0x1f1: {  	[spmem:s2] =	stream.indirect.scatter.add.f32 [tilespmem:s7], [sflag:$0x1], $0x80, s0, s8, $0xb8;
	[tilespmem:$0x19400] =	vst v63  }
0x1f2: {  	s31 =	rddreg [dreg:$0xe]  }
0x1f3: {  	[spmem:s2] =	stream.indirect.scatter.add.f32 [tilespmem:s7], [sflag:$0x1], $0x80, s31, s8, $0xb8;
	[tilespmem:$0x19400] =	vst v63  }
0x1f4: {  	_ =	swait.ge [sflag:s6], $0x4000  }
0x1f5: {  	[sflag:s6] =	ssyncset.done $0x0  }
0x1f6: {  	[sflag:s6] =	ssyncadd.s32 $0xFFFFC000  }
0x1f7: {  	_ =	swait.ge [sflag:s6], $0x4000  }
0x1f8: {  	[sflag:s6] =	ssyncset.done $0x0  }
0x1f9: {  	[sflag:s6] =	ssyncadd.s32 $0xFFFFC000  }
0x1fa: {  	_ =	swait.ge [sflag:s6], $0x4000  }
0x1fb: {  	[sflag:s6] =	ssyncset.done $0x0  }
0x1fc: {  	[sflag:s6] =	ssyncadd.s32 $0xFFFFC000  }
0x1fd: {  	_ =	swait.ge [sflag:s6], $0x4000  }
0x1fe: {  	[sflag:s6] =	ssyncset.done $0x0  }
0x1ff: {  	[sflag:s6] =	ssyncadd.s32 $0xFFFFC000  }
0x200: {  	_ =	swait.ge [sflag:s6], $0x4000  }
0x201: {  	[sflag:s6] =	ssyncset.done $0x0  }
0x202: {  	[sflag:s6] =	ssyncadd.s32 $0xFFFFC000  }
0x203: {  	_ =	swait.ge [sflag:s6], $0x4000  }
0x204: {  	[sflag:s6] =	ssyncset.done $0x0  }
0x205: {  	[sflag:s6] =	ssyncadd.s32 $0xFFFFC000  }
0x206: {  	_ =	swait.ge [sflag:s6], $0x4000  }
0x207: {  	[sflag:s6] =	ssyncset.done $0x0  }
0x208: {  	[sflag:s6] =	ssyncadd.s32 $0xFFFFC000  }
0x209: {  	_ =	swait.ge [sflag:s6], $0x4000  }
0x20a: {  	[sflag:s6] =	ssyncset.done $0x0  }
0x20b: {  	s1 =	rddreg [dreg:$0xf];
	[sflag:s6] =	ssyncadd.s32 $0xFFFFC000  }
0x20c: {  	[spmem:s2] =	stream.indirect.scatter.add.f32 [tilespmem:s7], [sflag:$0x1], $0x80, s1, s8, $0xb8;
	[tilespmem:$0x19400] =	vst v63  }
0x20d: {  	s31 =	rddreg [dreg:$0x10]  }
0x20e: {  	[spmem:s2] =	stream.indirect.scatter.add.f32 [tilespmem:s7], [sflag:$0x1], $0x80, s31, s8, $0xb8;
	[tilespmem:$0x19400] =	vst v63  }
0x20f: {  	s0 =	rddreg [dreg:$0x11]  }
0x210: {  	[spmem:s2] =	stream.indirect.scatter.add.f32 [tilespmem:s7], [sflag:$0x1], $0x80, s0, s8, $0xb8;
	[tilespmem:$0x19400] =	vst v63  }
0x211: {  	s31 =	rddreg [dreg:$0x12]  }
0x212: {  	[spmem:s2] =	stream.indirect.scatter.add.f32 [tilespmem:s7], [sflag:$0x1], $0x80, s31, s8, $0xb8;
	[tilespmem:$0x19400] =	vst v63  }
0x213: {  	s0 =	rddreg [dreg:$0x13]  }
0x214: {  	[spmem:s2] =	stream.indirect.scatter.add.f32 [tilespmem:s7], [sflag:$0x1], $0x80, s0, s8, $0xb8;
	[tilespmem:$0x19400] =	vst v63  }
0x215: {  	s31 =	rddreg [dreg:$0x14]  }
0x216: {  	[spmem:s2] =	stream.indirect.scatter.add.f32 [tilespmem:s7], [sflag:$0x1], $0x80, s31, s8, $0xb8;
	[tilespmem:$0x19400] =	vst v63  }
0x217: {  	s0 =	rddreg [dreg:$0x15]  }
0x218: {  	[spmem:s2] =	stream.indirect.scatter.add.f32 [tilespmem:s7], [sflag:$0x1], $0x80, s0, s8, $0xb8;
	[tilespmem:$0x19400] =	vst v63  }
0x219: {  	s31 =	rddreg [dreg:$0x16]  }
0x21a: {  	[spmem:s2] =	stream.indirect.scatter.add.f32 [tilespmem:s7], [sflag:$0x1], $0x80, s31, s8, $0xb8;
	[tilespmem:$0x19400] =	vst v63  }
0x21b: {  	_ =	swait.ge [sflag:s6], $0x4000  }
0x21c: {  	[sflag:s6] =	ssyncset.done $0x0  }
0x21d: {  	[sflag:s6] =	ssyncadd.s32 $0xFFFFC000  }
0x21e: {  	_ =	swait.ge [sflag:s6], $0x4000  }
0x21f: {  	[sflag:s6] =	ssyncset.done $0x0  }
0x220: {  	[sflag:s6] =	ssyncadd.s32 $0xFFFFC000  }
0x221: {  	_ =	swait.ge [sflag:s6], $0x4000  }
0x222: {  	[sflag:s6] =	ssyncset.done $0x0  }
0x223: {  	[sflag:s6] =	ssyncadd.s32 $0xFFFFC000  }
0x224: {  	_ =	swait.ge [sflag:s6], $0x4000  }
0x225: {  	[sflag:s6] =	ssyncset.done $0x0  }
0x226: {  	[sflag:s6] =	ssyncadd.s32 $0xFFFFC000  }
0x227: {  	_ =	swait.ge [sflag:s6], $0x4000  }
0x228: {  	[sflag:s6] =	ssyncset.done $0x0  }
0x229: {  	[sflag:s6] =	ssyncadd.s32 $0xFFFFC000  }
0x22a: {  	_ =	swait.ge [sflag:s6], $0x4000  }
0x22b: {  	[sflag:s6] =	ssyncset.done $0x0  }
0x22c: {  	[sflag:s6] =	ssyncadd.s32 $0xFFFFC000  }
0x22d: {  	_ =	swait.ge [sflag:s6], $0x4000  }
0x22e: {  	[sflag:s6] =	ssyncset.done $0x0  }
0x22f: {  	[sflag:s6] =	ssyncadd.s32 $0xFFFFC000  }
0x230: {  	_ =	swait.ge [sflag:s6], $0x4000  }
0x231: {  	[sflag:s6] =	ssyncset.done $0x0  }
0x232: {  	s31 =	rddreg [dreg:$0x17];
	[sflag:s6] =	ssyncadd.s32 $0xFFFFC000  }
0x233: {  	[spmem:s2] =	stream.indirect.scatter.add.f32 [tilespmem:s7], [sflag:$0x1], $0x80, s31, s8, $0xb8;
	[tilespmem:$0x19400] =	vst v63  }
0x234: {  	s1 =	rddreg [dreg:$0x18]  }
0x235: {  	[spmem:s2] =	stream.indirect.scatter.add.f32 [tilespmem:s7], [sflag:$0x1], $0x80, s1, s8, $0xb8;
	[tilespmem:$0x19400] =	vst v63  }
0x236: {  	s31 =	rddreg [dreg:$0x19]  }
0x237: {  	[spmem:s2] =	stream.indirect.scatter.add.f32 [tilespmem:s7], [sflag:$0x1], $0x80, s31, s8, $0xb8;
	[tilespmem:$0x19400] =	vst v63  }
0x238: {  	_ = 	snop  }
0x239: {  	[spmem:s2] =	stream.indirect.scatter.add.f32 [tilespmem:s7], [sflag:$0x1], $0x80, s26, s8, $0xb8;
	[tilespmem:$0x19400] =	vst v63  }
0x23a: {  	_ = 	snop  }
0x23b: {  	[spmem:s2] =	stream.indirect.scatter.add.f32 [tilespmem:s7], [sflag:$0x1], $0x80, s28, s8, $0xb8;
	[tilespmem:$0x19400] =	vst v63  }
0x23c: {  	_ = 	snop  }
0x23d: {  	[spmem:s2] =	stream.indirect.scatter.add.f32 [tilespmem:s7], [sflag:$0x1], $0x80, s29, s8, $0xb8;
	[tilespmem:$0x19400] =	vst v63  }
0x23e: {  	_ = 	snop  }
0x23f: {  	[spmem:s2] =	stream.indirect.scatter.add.f32 [tilespmem:s7], [sflag:$0x1], $0x80, s30, s8, $0xb8;
	[tilespmem:$0x19400] =	vst v63  }
0x240: {  	_ = 	snop  }
0x241: {  	[spmem:s2] =	stream.indirect.scatter.add.f32 [tilespmem:s7], [sflag:$0x1], $0x80, s17, s8, $0xb8;
	[tilespmem:$0x19400] =	vst v63  }
0x242: {  	_ =	swait.ge [sflag:s6], $0x4000  }
0x243: {  	[sflag:s6] =	ssyncset.done $0x0  }
0x244: {  	[sflag:s6] =	ssyncadd.s32 $0xFFFFC000  }
0x245: {  	_ =	swait.ge [sflag:s6], $0x4000  }
0x246: {  	[sflag:s6] =	ssyncset.done $0x0  }
0x247: {  	[sflag:s6] =	ssyncadd.s32 $0xFFFFC000  }
0x248: {  	_ =	swait.ge [sflag:s6], $0x4000  }
0x249: {  	[sflag:s6] =	ssyncset.done $0x0  }
0x24a: {  	[sflag:s6] =	ssyncadd.s32 $0xFFFFC000  }
0x24b: {  	_ =	swait.ge [sflag:s6], $0x4000  }
0x24c: {  	[sflag:s6] =	ssyncset.done $0x0  }
0x24d: {  	[sflag:s6] =	ssyncadd.s32 $0xFFFFC000  }
0x24e: {  	_ =	swait.ge [sflag:s6], $0x4000  }
0x24f: {  	[sflag:s6] =	ssyncset.done $0x0  }
0x250: {  	[sflag:s6] =	ssyncadd.s32 $0xFFFFC000  }
0x251: {  	_ =	swait.ge [sflag:s6], $0x4000  }
0x252: {  	[sflag:s6] =	ssyncset.done $0x0  }
0x253: {  	[sflag:s6] =	ssyncadd.s32 $0xFFFFC000  }
0x254: {  	_ =	swait.ge [sflag:s6], $0x4000  }
0x255: {  	[sflag:s6] =	ssyncset.done $0x0  }
0x256: {  	[sflag:s6] =	ssyncadd.s32 $0xFFFFC000  }
0x257: {  	_ =	swait.ge [sflag:s6], $0x4000  }
0x258: {  	[sflag:s6] =	ssyncset.done $0x0  }
0x259: {  	[sflag:s6] =	ssyncadd.s32 $0xFFFFC000  }
0x25a: {  	[spmem:s2] =	stream.indirect.scatter.add.f32 [tilespmem:s7], [sflag:$0x1], $0x80, s18, s8, $0xb8;
	[tilespmem:$0x19400] =	vst v63  }
0x25b: {  	_ = 	snop  }
0x25c: {  	[spmem:s2] =	stream.indirect.scatter.add.f32 [tilespmem:s7], [sflag:$0x1], $0x80, s19, s8, $0xb8;
	[tilespmem:$0x19400] =	vst v63  }
0x25d: {  	_ = 	snop  }
0x25e: {  	[spmem:s2] =	stream.indirect.scatter.add.f32 [tilespmem:s7], [sflag:$0x1], $0x80, s20, s8, $0xb8;
	[tilespmem:$0x19400] =	vst v63  }
0x25f: {  	_ = 	snop  }
0x260: {  	[spmem:s2] =	stream.indirect.scatter.add.f32 [tilespmem:s7], [sflag:$0x1], $0x80, s21, s8, $0xb8;
	[tilespmem:$0x19400] =	vst v63  }
0x261: {  	_ = 	snop  }
0x262: {  	[spmem:s2] =	stream.indirect.scatter.add.f32 [tilespmem:s7], [sflag:$0x1], $0x80, s22, s8, $0xb8;
	[tilespmem:$0x19400] =	vst v63  }
0x263: {  	_ = 	snop  }
0x264: {  	[spmem:s2] =	stream.indirect.scatter.add.f32 [tilespmem:s7], [sflag:$0x1], $0x80, s23, s8, $0xb8;
	[tilespmem:$0x19400] =	vst v63  }
0x265: {  	_ = 	snop  }
0x266: {  	[spmem:s2] =	stream.indirect.scatter.add.f32 [tilespmem:s7], [sflag:$0x1], $0x80, s24, s8, $0xb8;
	[tilespmem:$0x19400] =	vst v63  }
0x267: {  	_ = 	snop  }
0x268: {  	[spmem:s2] =	stream.indirect.scatter.add.f32 [tilespmem:s7], [sflag:$0x1], $0x80, s25, s8, $0xb8;
	[tilespmem:$0x19400] =	vst v63  }
0x269: {  	_ =	swait.ge [sflag:s6], $0x4000  }
0x26a: {  	[sflag:s6] =	ssyncset.done $0x0  }
0x26b: {  	[sflag:s6] =	ssyncadd.s32 $0xFFFFC000  }
0x26c: {  	_ =	swait.ge [sflag:s6], $0x4000  }
0x26d: {  	[sflag:s6] =	ssyncset.done $0x0  }
0x26e: {  	[sflag:s6] =	ssyncadd.s32 $0xFFFFC000  }
0x26f: {  	_ =	swait.ge [sflag:s6], $0x4000  }
0x270: {  	[sflag:s6] =	ssyncset.done $0x0  }
0x271: {  	[sflag:s6] =	ssyncadd.s32 $0xFFFFC000  }
0x272: {  	_ =	swait.ge [sflag:s6], $0x4000  }
0x273: {  	[sflag:s6] =	ssyncset.done $0x0  }
0x274: {  	[sflag:s6] =	ssyncadd.s32 $0xFFFFC000  }
0x275: {  	_ =	swait.ge [sflag:s6], $0x4000  }
0x276: {  	[sflag:s6] =	ssyncset.done $0x0  }
0x277: {  	[sflag:s6] =	ssyncadd.s32 $0xFFFFC000  }
0x278: {  	_ =	swait.ge [sflag:s6], $0x4000  }
0x279: {  	[sflag:s6] =	ssyncset.done $0x0  }
0x27a: {  	[sflag:s6] =	ssyncadd.s32 $0xFFFFC000  }
0x27b: {  	_ =	swait.ge [sflag:s6], $0x4000  }
0x27c: {  	[sflag:s6] =	ssyncset.done $0x0  }
0x27d: {  	[sflag:s6] =	ssyncadd.s32 $0xFFFFC000  }
0x27e: {  	_ =	swait.ge [sflag:s6], $0x4000  }
0x27f: {  	[sflag:s6] =	ssyncset.done $0x0  }
0x280: {  	[sflag:s6] =	ssyncadd.s32 $0xFFFFC000  }
0x281: {  	[spmem:s2] =	stream.indirect.scatter.add.f32 [tilespmem:s7], [sflag:$0x1], $0x80, s10, s8, $0xb8;
	[tilespmem:$0x19400] =	vst v63  }
0x282: {  	_ = 	snop  }
0x283: {  	[spmem:s2] =	stream.indirect.scatter.add.f32 [tilespmem:s7], [sflag:$0x1], $0x80, s11, s8, $0xb8;
	[tilespmem:$0x19400] =	vst v63  }
0x284: {  	_ = 	snop  }
0x285: {  	[spmem:s2] =	stream.indirect.scatter.add.f32 [tilespmem:s7], [sflag:$0x1], $0x80, s12, s8, $0xb8;
	[tilespmem:$0x19400] =	vst v63  }
0x286: {  	_ = 	snop  }
0x287: {  	[spmem:s2] =	stream.indirect.scatter.add.f32 [tilespmem:s7], [sflag:$0x1], $0x80, s13, s8, $0xb8;
	[tilespmem:$0x19400] =	vst v63  }
0x288: {  	_ = 	snop  }
0x289: {  	[spmem:s2] =	stream.indirect.scatter.add.f32 [tilespmem:s7], [sflag:$0x1], $0x80, s14, s8, $0xb8;
	[tilespmem:$0x19400] =	vst v63  }
0x28a: {  	_ = 	snop  }
0x28b: {  	[spmem:s2] =	stream.indirect.scatter.add.f32 [tilespmem:s7], [sflag:$0x1], $0x80, s15, s8, $0xb8;
	[tilespmem:$0x19400] =	vst v63  }
0x28c: {  	_ = 	snop  }
0x28d: {  	[spmem:s2] =	stream.indirect.scatter.add.f32 [tilespmem:s7], [sflag:$0x1], $0x80, s16, s8, $0xb8;
	[tilespmem:$0x19400] =	vst v63  }
0x28e: {  	s30 =	simm.s32 $0x1380  }
0x28f: {  	[spmem:s2] =	stream.indirect.scatter.add.f32 [tilespmem:s7], [sflag:$0x1], $0x80, s30, s8, $0xb8;
	[tilespmem:$0x19400] =	vst v63  }
0x290: {  	_ =	swait.ge [sflag:s6], $0x4000  }
0x291: {  	[sflag:s6] =	ssyncset.done $0x0  }
0x292: {  	[sflag:s6] =	ssyncadd.s32 $0xFFFFC000  }
0x293: {  	_ =	swait.ge [sflag:s6], $0x4000  }
0x294: {  	[sflag:s6] =	ssyncset.done $0x0  }
0x295: {  	[sflag:s6] =	ssyncadd.s32 $0xFFFFC000  }
0x296: {  	_ =	swait.ge [sflag:s6], $0x4000  }
0x297: {  	[sflag:s6] =	ssyncset.done $0x0  }
0x298: {  	[sflag:s6] =	ssyncadd.s32 $0xFFFFC000  }
0x299: {  	_ =	swait.ge [sflag:s6], $0x4000  }
0x29a: {  	[sflag:s6] =	ssyncset.done $0x0  }
0x29b: {  	[sflag:s6] =	ssyncadd.s32 $0xFFFFC000  }
0x29c: {  	_ =	swait.ge [sflag:s6], $0x4000  }
0x29d: {  	[sflag:s6] =	ssyncset.done $0x0  }
0x29e: {  	[sflag:s6] =	ssyncadd.s32 $0xFFFFC000  }
0x29f: {  	_ =	swait.ge [sflag:s6], $0x4000  }
0x2a0: {  	[sflag:s6] =	ssyncset.done $0x0  }
0x2a1: {  	[sflag:s6] =	ssyncadd.s32 $0xFFFFC000  }
0x2a2: {  	_ =	swait.ge [sflag:s6], $0x4000  }
0x2a3: {  	[sflag:s6] =	ssyncset.done $0x0  }
0x2a4: {  	[sflag:s6] =	ssyncadd.s32 $0xFFFFC000  }
0x2a5: {  	_ =	swait.ge [sflag:s6], $0x4000  }
0x2a6: {  	[sflag:s6] =	ssyncset.done $0x0  }
0x2a7: {  	[sflag:s6] =	ssyncadd.s32 $0xFFFFC000  }
0x2a8: {  	[bflag:$0x0] =	sbarrier.arrive $0xFFFF  }
0x2a9: {  	s31 =	rddreg [dreg:$0x8]  }
0x2aa: {  	[hbm:s31], [sflag:s3] =	dma.local [spmem:s4], $0x2800  }
0x2ab: {  	_ =	swait.ge [sflag:s5], $0x2800  }
0x2ac: {  	[sflag:s5] =	ssyncset.done $0x0  }
0x2ad: {  	[sflag:s5] =	ssyncadd.s32 $0xFFFFD800  }
0x2ae: {  	_ =	sfence.sel $0x180000  }
0x2af: {  	[bflag:$0x0] =	sbarrier.arrive $0xFFFF  }
0x2b0: {  	_ =	strace $0x90000047  }
0x2b1: {  	[bflag:$0x2] =	sbarrier.arrive $0xFFFF  }
0x2b2: {  	p0 =	sne.s32 s9, $0x0;
	s0 =	rddreg [dreg:$0x4]  }
0x2b3: {  	s0 =	sadd.s32 @!p0 $0x100000, s0  }
0x2b4: {  	[sflag:s0] =	ssyncadd.tile.s32 @!p0 $0x1;
	_ =	shalt  }
.LBB2_1:
0x2b5: {  	s17 =	simm.s32 $0xB80;
	s30 =	simm.s32 $0xB00;
	s29 =	simm.s32 $0xA80  }
0x2b6: {  	s28 =	simm.s32 $0xA00;
	s26 =	simm.s32 $0x980;
	s25 =	simm.s32 $0xF80  }
.Ltmp3:
0x2b7: {  	s24 =	simm.s32 $0xF00;
	s23 =	simm.s32 $0xE80;
	(pc) =	sbr.rel .LBB2_6-.Ltmp3, $4  }
0x2b8: {  	s22 =	simm.s32 $0xE00;
	s21 =	simm.s32 $0xD80;
	s20 =	simm.s32 $0xD00  }
0x2b9: {  	s19 =	simm.s32 $0xC80;
	s18 =	simm.s32 $0xC00;
	s16 =	simm.s32 $0x1300  }
0x2ba: {  	s15 =	simm.s32 $0x1280;
	s14 =	simm.s32 $0x1200;
	s13 =	simm.s32 $0x1180  }
0x2bb: {  	s12 =	simm.s32 $0x1100;
	s11 =	simm.s32 $0x1080;
	s10 =	simm.s32 $0x1000  }
.LBB2_3:
0x2bc: {  	s17 =	simm.s32 $0xB80  }
0x2bd: {  	s30 =	simm.s32 $0xB00;
	s29 =	simm.s32 $0xA80;
	s28 =	simm.s32 $0xA00  }
0x2be: {  	s26 =	simm.s32 $0x980;
	s25 =	simm.s32 $0xF80;
	s24 =	simm.s32 $0xF00  }
.Ltmp4:
0x2bf: {  	s23 =	simm.s32 $0xE80;
	s22 =	simm.s32 $0xE00;
	(pc) =	sbr.rel .LBB2_6-.Ltmp4, $4  }
0x2c0: {  	s21 =	simm.s32 $0xD80;
	s20 =	simm.s32 $0xD00;
	s19 =	simm.s32 $0xC80  }
0x2c1: {  	s18 =	simm.s32 $0xC00;
	s16 =	simm.s32 $0x1300;
	s15 =	simm.s32 $0x1280  }
0x2c2: {  	s14 =	simm.s32 $0x1200;
	s13 =	simm.s32 $0x1180;
	s12 =	simm.s32 $0x1100  }
0x2c3: {  	s11 =	simm.s32 $0x1080;
	s10 =	simm.s32 $0x1000;
	s9 =	stileid.u32  }
.Lfunc_end2:
_tile_overlayer_lowered:
.L_overlay_start_2:
0x2c4: {  	(tag) =	ssettag $0x2  }
0x2c5: {  	s0 =	rddreg [dreg:$0x0];
	s2 =	stileid.u32  }
0x2c6: {  	s1 =	rddreg [dreg:$0x1];
	p0 =	sne.s32 s2, $0x0  }
0x2c7: {  	s3 =	rddreg [dreg:$0x2];
	[bflag:$0x3] =	sbarrier.arrive $0xFFFF;
	s2 =	simm.s32 @!p0 $0x1C02  }
0x2c8: {  	[timem:s3], [sflag:s2] =	dma.local @!p0 [hbm:s0], s1  }
0x2c9: {  	s0 =	simm.s32 @!p0 $0x2  }
0x2ca: {  	_ =	swait.ge @!p0 [sflag:s0], s1  }
0x2cb: {  	s1 =	ssub.s32 @!p0 $0x0, s1;
	[sflag:s0] =	ssyncset.done @!p0 $0x0  }
0x2cc: {  	[sflag:s0] =	ssyncadd.s32 @!p0 s1  }
0x2cd: {  	[bflag:$0x3] =	sbarrier.arrive $0xFFFF  }
0x2ce: {  	_ =	shalt  }

// kernel: kernel.13.cloned.1.call-start
scs
__scs_entry_jumppad:
0x0: {  	(pc) =	sbr.rel $0x88, $3  }
0x1: {  	(tag) =	ssettag $0x0;
	lr =	simm.s32 $0x1  }
0x2: {  	[smem:$0x3F91] =	sst lr;
	_ =	strace $0xD0000000  }
0x3: {  	_ = 	snop  }
0x4: {  	_ = 	snop  }
0x5: {  	_ = 	snop  }
0x6: {  	_ = 	snop  }
0x7: {  	_ = 	snop  }
__scs_overlays_trampoline_lowered:
0x8: {  	[smem:$0x3FA0] =	sst s0  }
0x9: {  	[smem:$0x3FA1] =	sst s1  }
0xa: {  	[smem:$0x3FA2] =	sst s2  }
0xb: {  	[smem:$0x3FA3] =	sst s3  }
0xc: {  	[smem:$0x3FA4] =	sst s4  }
0xd: {  	[smem:$0x3FA5] =	sst s5  }
0xe: {  	[smem:$0x3FA6] =	sst s6  }
0xf: {  	[smem:$0x3FA7] =	sst s7  }
0x10: {  	[smem:$0x3FA8] =	sst s8  }
0x11: {  	[smem:$0x3FA9] =	sst s9;
	s0 =	simm.s32 @!p0 $0x0  }
0x12: {  	s1 =	sld [smem:$0x3F8F];
	s0 =	simm.s32 @p0 $0x1  }
0x13: {  	[smem:$0x3FAA] =	sst s0;
	s0 =	simm.s32 @!p1 $0x0  }
0x14: {  	s2 =	sld [smem:$0x3F8E];
	s0 =	simm.s32 @p1 $0x1  }
0x15: {  	[smem:$0x3FAB] =	sst s0;
	s0 =	simm.s32 @!p2 $0x0  }
0x16: {  	s3 =	sld [smem:$0x3FDB];
	s0 =	simm.s32 @p2 $0x1  }
0x17: {  	s4 =	simm.s32 $0x1BF5;
	[smem:$0x3FAD] =	sst s0  }
0x18: {  	s0 =	sld [smem:$0x3F90];
	_ =	swait.ge [sflag:s4], $0x0  }
0x19: {  	s7 =	sld [smem:$0x3F91]  }
0x1a: {  	s8 =	sadd.s32 $0xFFFFE003, lr  }
0x1b: {  	s9 =	sadd.s32 $0xFFFFFEF7, lr;
	s5 =	simm.s32 $0xFFFFFFFF;
	p2 =	slt.u32 s8, $0xFFFFF086  }
0x1c: {  	p1 =	slt.u32 s9, $0xF7A;
	s5 =	simm.s32 @!p2 $0x0  }
0x1d: {  	s5 =	simm.s32 @p1 $0x1;
	p0 =	seq.s32 s7, s2  }
0x1e: {  	s7 =	smul.u32 @!p0 $0xF7A, s2;
	p2 =	seq.s32 @!p0 s5, $0x0  }
0x1f: {  	s9 =	smul.u32 $0xF7A, s1;
	s8 =	simm.s32 @!p0 $0x1BF5;
	p2 =	por !p2, p0  }
0x20: {  	[sflag:s8] =	ssyncset.s32 @!p0 $0xFFFFF086;
	s6 =	sadd.s32 @!p0 s3, s7;
	s7 =	simm.s32 @!p0 $0x108  }
0x21: {  	s3 =	sadd.s32 s3, s9;
	s6 =	sadd.s32 @!p0 $0x88, s6;
	s7 =	simm.s32 @p2 $0x1082  }
0x22: {  	[simem:s7], [sflag:s8] =	dma.local @!p0 [hbm:s6], $0xF7A  }
0x23: {  	s9 =	sor.u32 $0xD0000000, s2;
	s6 =	simm.s32 $0x108;
	_ =	swait.ge @!p0 [sflag:s8], $0x0  }
0x24: {  	s3 =	sadd.s32 $0x88, s3;
	s6 =	simm.s32 @!p1 $0x1082;
	[sflag:s4] =	ssyncset.s32 $0xFFFFF086  }
0x25: {  	[simem:s6], [sflag:s4] =	dma.local [hbm:s3], $0xF7A  }
0x26: {  	[smem:$0x3F91] =	sst s1;
	(tag) =	ssettag s2;
	_ =	strace s9  }
0x27: {  	s1 =	sld [smem:$0x3FA1]  }
0x28: {  	s2 =	sld [smem:$0x3FA2]  }
0x29: {  	s4 =	sld [smem:$0x3FA4]  }
0x2a: {  	p0 =	seq.s32 s5, $0x0;
	s5 =	sld [smem:$0x3FA5]  }
0x2b: {  	s6 =	sld [smem:$0x3FA6]  }
0x2c: {  	s7 =	sld [smem:$0x3FA7]  }
0x2d: {  	s3 =	simm.s32 $0x108;
	s8 =	sld [smem:$0x3FA8]  }
0x2e: {  	s3 =	simm.s32 @!p0 $0x1082;
	s9 =	sld [smem:$0x3FA9]  }
0x2f: {  	lr =	sadd.s32 s0, s3;
	s0 =	sld [smem:$0x3FA0]  }
0x30: {  	s3 =	sld [smem:$0x3FA3]  }
0x31: {  	[smem:$0x3FAC] =	sst s10  }
0x32: {  	s10 =	sld [smem:$0x3FAA];
	_ =	sdelay $0x3  }
0x33: {  	p0 =	seq.s32 s10, $0x1;
	s10 =	sld [smem:$0x3FAC];
	_ =	sdelay $0x3  }
0x34: {  	[smem:$0x3FAC] =	sst s10  }
0x35: {  	s10 =	sld [smem:$0x3FAB];
	_ =	sdelay $0x3  }
0x36: {  	p1 =	seq.s32 s10, $0x1;
	s10 =	sld [smem:$0x3FAC];
	_ =	sdelay $0x3  }
0x37: {  	[smem:$0x3FAC] =	sst s10  }
0x38: {  	s10 =	sld [smem:$0x3FAD]  }
0x39: {  	_ = 	snop;
	(pc) =	sbr.ind lr, $3  }
0x3a: {  	_ = 	snop  }
0x3b: {  	_ = 	snop  }
0x3c: {  	p2 =	seq.s32 s10, $0x1;
	s10 =	sld [smem:$0x3FAC]  }
0x3d: {  	_ =	shalt  }
0x3e: {  	_ =	shalt  }
0x3f: {  	_ =	shalt  }
0x40: {  	_ =	shalt  }
0x41: {  	_ =	shalt  }
0x42: {  	_ =	shalt  }
0x43: {  	_ =	shalt  }
0x44: {  	_ =	shalt  }
0x45: {  	_ =	shalt  }
0x46: {  	_ =	shalt  }
0x47: {  	_ =	shalt  }
0x48: {  	_ =	shalt  }
0x49: {  	_ =	shalt  }
0x4a: {  	_ =	shalt  }
0x4b: {  	_ =	shalt  }
0x4c: {  	_ =	shalt  }
0x4d: {  	_ =	shalt  }
0x4e: {  	_ =	shalt  }
0x4f: {  	_ =	shalt  }
0x50: {  	_ =	shalt  }
0x51: {  	_ =	shalt  }
0x52: {  	_ =	shalt  }
0x53: {  	_ =	shalt  }
0x54: {  	_ =	shalt  }
0x55: {  	_ =	shalt  }
0x56: {  	_ =	shalt  }
0x57: {  	_ =	shalt  }
0x58: {  	_ =	shalt  }
0x59: {  	_ =	shalt  }
0x5a: {  	_ =	shalt  }
0x5b: {  	_ =	shalt  }
0x5c: {  	_ =	shalt  }
0x5d: {  	_ =	shalt  }
0x5e: {  	_ =	shalt  }
0x5f: {  	_ =	shalt  }
0x60: {  	_ =	shalt  }
0x61: {  	_ =	shalt  }
0x62: {  	_ =	shalt  }
0x63: {  	_ =	shalt  }
0x64: {  	_ =	shalt  }
0x65: {  	_ =	shalt  }
0x66: {  	_ =	shalt  }
0x67: {  	_ =	shalt  }
0x68: {  	_ =	shalt  }
0x69: {  	_ =	shalt  }
0x6a: {  	_ =	shalt  }
0x6b: {  	_ =	shalt  }
0x6c: {  	_ =	shalt  }
0x6d: {  	_ =	shalt  }
0x6e: {  	_ =	shalt  }
0x6f: {  	_ =	shalt  }
0x70: {  	_ =	shalt  }
0x71: {  	_ =	shalt  }
0x72: {  	_ =	shalt  }
0x73: {  	_ =	shalt  }
0x74: {  	_ =	shalt  }
0x75: {  	_ =	shalt  }
0x76: {  	_ =	shalt  }
0x77: {  	_ =	shalt  }
0x78: {  	_ =	shalt  }
0x79: {  	_ =	shalt  }
0x7a: {  	_ =	shalt  }
0x7b: {  	_ =	shalt  }
0x7c: {  	_ =	shalt  }
0x7d: {  	_ =	shalt  }
0x7e: {  	_ =	shalt  }
0x7f: {  	_ =	shalt  }
0x80: {  	_ =	shalt  }
0x81: {  	_ =	shalt  }
0x82: {  	_ =	shalt  }
0x83: {  	_ =	shalt  }
0x84: {  	_ =	shalt  }
0x85: {  	_ =	shalt  }
0x86: {  	_ =	shalt  }
0x87: {  	_ =	shalt  }
.Lfunc_end0:
.L_simem_size_0:
called_computation.1_lowered:
.L_overlay_start_0:
0x88: {  	s2 =	sld [smem:$0x3FD9]  }
0x89: {  	s3 =	sld [smem:$0x3FFE];
	_ =	sdelay $0x1  }
0x8a: {  	s1 =	srdreg.scid  }
0x8b: {  	s0 =	sand.u32 $0x1, s1  }
0x8c: {  	s14 =	sshll.u32 s0, $0xA;
	s2 =	sadd.s32 s3, s2  }
0x8d: {  	s2 =	sadd.s32 s2, s14  }
0x8e: {  	[smem:$0x3FB8] =	sst s2  }
0x8f: {  	_ = 	snop  }
0x90: {  	s2 =	sld [smem:$0x3FD0];
	_ =	sdelay $0x2  }
0x91: {  	s15 =	simm.s32 $0xA;
	s4 =	simm.s32 $0x10  }
0x92: {  	[smem:s4], [sflag:s15] =	dma.local [hbm:s2], $0x1  }
0x93: {  	_ =	swait.eq [sflag:s15], $0x1  }
0x94: {  	[sflag:s15] =	ssyncset.done $0x0  }
0x95: {  	s16 =	sld [smem:$0x10];
	[sflag:s15] =	ssyncadd.s32 $0xFFFFFFFF  }
0x96: {  	s17 =	sld [smem:$0x11];
	(tm) =	ssettm $0x1  }
0x97: {  	s18 =	sld [smem:$0x3FFB];
	_ =	sdelay $0x3  }
0x98: {  	_ =	strace s18  }
0x99: {  	s4 =	sld [smem:$0x3FFC];
	_ =	sdelay $0x3  }
0x9a: {  	_ =	strace s4  }
0x9b: {  	s4 =	sld [smem:$0x3FFD];
	_ =	sdelay $0x3  }
0x9c: {  	_ =	strace s4  }
0x9d: {  	_ =	strace $0x8FFFFFFF  }
0x9e: {  	s19 =	sld [smem:$0x3FDB];
	_ =	sdelay $0x1  }
0x9f: {  	s5 =	simm.s32 $_scs_section_size  }
0xa0: {  	s6 =	simm.s32 $_size__tile_overlayer_lowered;
	s7 =	simm.s32 $_tile_overlayer_lowered  }
0xa1: {  	s22 =	simm.s32 $0x1BFF;
	s21 =	sshll.u32 s7, $0x1;
	s4 =	sadd.s32 s5, s19  }
0xa2: {  	s8 =	simm.s32 $0x0;
	s20 =	sshll.u32 s6, $0x1;
	s6 =	sadd.s32 s21, s4  }
0xa3: {  	[timem:s8], [sflag:s22] =	dma.local [hbm:s6], s20  }
0xa4: {  	_ =	swait.ge [sflag:s22], s20  }
0xa5: {  	s5 =	ssub.s32 $0x0, s20;
	[sflag:s22] =	ssyncset.done $0x0  }
0xa6: {  	[sflag:s22] =	ssyncadd.s32 s5;
	_ =	sdelay $0x1  }
0xa7: {  	s23 =	simm.s32 $0x1B8B  }
0xa8: {  	_ =	swait.ge [sflag:s23], $0x1  }
0xa9: {  	[sflag:s23] =	ssyncset.done $0x0  }
0xaa: {  	s25 =	simm.s32 $0x1B8E;
	s24 =	sld [smem:$0x3FFE];
	[sflag:s23] =	ssyncadd.s32 $0xFFFFFFFF  }
0xab: {  	s26 =	simm.s32 $execute0_lowered;
	[smem:$0x3FD2] =	sst s25  }
0xac: {  	s6 =	sshll.u32 s26, $0x1;
	_ =	strace $0x80000049;
	[dreg:$0x1] =	wrdreg $0xFFFFFFFF  }
0xad: {  	s28 =	simm.s32 $_size_execute0_lowered;
	s4 =	sadd.s32 s4, s6;
	[dreg:$0x0] =	wrdreg $0x0  }
0xae: {  	s6 =	sshll.u32 s28, $0x1;
	[dreg:$0x2] =	wrdreg s4  }
0xaf: {  	[dreg:$0x3] =	wrdreg s6  }
0xb0: {  	[dreg:$0x4] =	wrdreg $0xC0  }
0xb1: {  	_ =	task [dreg:s8], $0x5FFFF  }
0xb2: {  	[dreg:$0x1] =	wrdreg $0xFFFFFFFF  }
0xb3: {  	[dreg:$0x0] =	wrdreg $0x60  }
0xb4: {  	[dreg:$0x2] =	wrdreg s17  }
0xb5: {  	[dreg:$0x3] =	wrdreg s24  }
0xb6: {  	[dreg:$0x4] =	wrdreg s16  }
0xb7: {  	[dreg:$0x5] =	wrdreg $0xA8000  }
0xb8: {  	[dreg:$0x6] =	wrdreg $0x9  }
0xb9: {  	_ =	task.clear_ibuf [dreg:s8], $0x7FFFF;
	_ =	strace $0x90000049  }
0xba: {  	s29 =	simm.s32 $0x9;
	_ =	strace $0x8000004B  }
0xbb: {  	_ =	swait.ge [sflag:s29], $0x1  }
0xbc: {  	[sflag:s29] =	ssyncadd.s32 $0xFFFFFFFF  }
0xbd: {  	_ =	strace $0x9000004B  }
0xbe: {  	_ =	sfence  }
0xbf: {  	s30 =	sld [smem:$0x0];
	_ =	sdelay $0x2  }
0xc0: {  	s31 =	sshll.u32 s1, $0xD;
	s1 =	sshrl.u32 s1, $0x2  }
0xc1: {  	s3 =	sand.u32 $0x4000, s31;
	s1 =	sadd.s32 s1, s30  }
0xc2: {  	s0 =	sor.u32 s3, s0;
	s1 =	sshll.u32 s1, $0x11  }
0xc3: {  	s0 =	sor.u32 s1, s0  }
0xc4: {  	s0 =	sadd.s32 $0x8F2B, s0  }
0xc5: {  	[sflag:s0] =	ssyncadd.remote.s32 $0x1  }
0xc6: {  	_ =	sfence.sel $0xFFFF  }
0xc7: {  	[dreg:$0x0] =	wrdreg $0xFFFFFFFF;
	(pc) =	sbr.abs _section_cstart, $3  }
0xc8: {  	[dreg:$0x1] =	wrdreg $0xFFFFFFFF  }
0xc9: {  	_ =	task.clear_ibuf [dreg:s8], $0x2FFFF;
	_ =	strace $0x9FFFFFFF  }
0xca: {  	(tm) =	ssettm $0x7FFFFFFF  }
0xcb: {  	_ =	shalt  }
tec
execute0_lowered:
.L_overlay_start_1:
0x0: {  	(tag) =	ssettag $0x1  }
0x1: {  	s1 =	rddreg [dreg:$0x0]  }
0x2: {  	s6 =	rddreg [dreg:$0x1]  }
0x3: {  	s2 =	rddreg [dreg:$0x2]  }
0x4: {  	s4 =	rddreg [dreg:$0x3];
	s3 =	srdreg.scid  }
0x5: {  	s0 =	rddreg [dreg:$0x4];
	s5 =	simm.s32 $0x0;
	s14 =	simm.s32 $0x80  }
0x6: {  	s15 =	simm.s32 $0x2800;
	s16 =	simm.s32 $0x6800;
	s17 =	simm.s32 $0x1  }
0x7: {  	s18 =	simm.s32 $0x3;
	s19 =	simm.s32 $0x2;
	s20 =	simm.s32 $0x2700  }
0x8: {  	s21 =	simm.s32 $0x2780;
	s7 =	sand.u32 $0x1, s3;
	s3 =	stileid.u32  }
0x9: {  	s22 =	simm.s32 $0x0;
	[smem:$0x7FF] =	sst s5;
	s8 =	smul.u32 $0x140000, s7  }
0xa: {  	s9 =	sshll.u32 s7, $0x4;
	s10 =	smul.u32 $0x14000, s3;
	_ =	strace $0x8000004A  }
0xb: {  	s7 =	ssub.s32 $0x2, s7;
	s28 =	smul.u32 $0x50000, s3;
	s9 =	sor.u32 s3, s9  }
0xc: {  	s31 =	sshll.u32 s3, $0x6;
	s29 =	sshrl.u32 s7, $0x1;
	s9 =	smul.u32 $0x280, s9  }
0xd: {  	s8 =	sadd.s32 s10, s8;
	s12 =	ssub.s32 s7, s29;
	s30 =	sshrl.u32 s28, $0x2  }
0xe: {  	s8 =	sshrl.u32 s8, $0x3;
	s13 =	sadd.s32 s30, s4;
	s10 =	smax.u32 s12, $0x1  }
0xf: {  	s12 =	simm.s32 $0x4;
	s9 =	sadd.s32 s9, s6;
	s11 =	sadd.s32 s8, s6  }
0x10: {  	s6 =	sor.u32 $0x1C04, s31;
	s7 =	sadd.s32 $0x59000, s9;
	s8 =	sadd.s32 $0x4000, s9  }
0x11: {  	s9 =	sadd.s32 $0x5E000, s11;
	s11 =	sshrl.u32 s13, $0x3;
	s13 =	simm.s32 $0x1400  }
.LBB2_1:
0x12: {  	[spmem:s11], [sflag:s6] =	dma.local [hbm:s2], $0x2800  }
0x13: {  	_ =	swait.ge [sflag:s12], $0x2800  }
0x14: {  	[sflag:s12] =	ssyncset.done $0x0  }
0x15: {  	[sflag:s12] =	ssyncadd.s32 $0xFFFFD800  }
0x16: {  	[tilespmem:s5], [sflag:$0x4] =	stream.linear.gather [hbm4b:s7+s5], $0x1400, $0x38;
	[tilespmem:$0x1E800] =	vst v63  }
0x17: {  	_ =	swait.ge [sflag:s12], $0x1400  }
0x18: {  	[sflag:s12] =	ssyncset.done $0x0  }
0x19: {  	[sflag:s12] =	ssyncadd.s32 $0xFFFFEC00  }
0x1a: {  	[tilespmem:s13], [sflag:$0x4] =	stream.linear.gather [hbm4b:s8+s5], $0x1400, $0x38;
	[tilespmem:$0x1E800] =	vst v63  }
0x1b: {  	_ =	swait.ge [sflag:s12], $0x1400  }
0x1c: {  	[sflag:s12] =	ssyncset.done $0x0  }
0x1d: {  	[sflag:s12] =	ssyncadd.s32 $0xFFFFEC00  }
0x1e: {  	[bflag:$0x0] =	sbarrier.arrive $0xFFFF  }
0x1f: {  	[tilespmem:s15], [sflag:$0x1] =	stream.indirect.gather [hbm4b:s1+s14], $0x80, s5, s14, $0xb8;
	[tilespmem:$0x1E800] =	vst v63  }
0x20: {  	_ = 	snop  }
0x21: {  	[tilespmem:s16], [sflag:$0x2] =	stream.indirect.gather [hbm4b:s1+s14], $0x80, s14, s14, $0xb8;
	[tilespmem:$0x1E800] =	vst v63  }
0x22: {  	_ =	swait.ge [sflag:s17], $0x4000  }
0x23: {  	[sflag:s17] =	ssyncset.done $0x0  }
0x24: {  	s23 =	simm.s32 $0x1400;
	[sflag:s17] =	ssyncadd.s32 $0xFFFFC000  }
0x25: {  	[spmem:s4] =	stream.indirect.scatter.add.f32 [tilespmem:s15], [sflag:$0x3], $0x80, s23, s14, $0xb8;
	[tilespmem:$0x1E800] =	vst v63  }
0x26: {  	_ =	swait.ge [sflag:s18], $0x4000  }
0x27: {  	[sflag:s18] =	ssyncset.done $0x0  }
0x28: {  	s30 =	simm.s32 $0x100;
	[sflag:s18] =	ssyncadd.s32 $0xFFFFC000  }
0x29: {  	[tilespmem:s15], [sflag:$0x1] =	stream.indirect.gather [hbm4b:s1+s14], $0x80, s30, s14, $0xb8;
	[tilespmem:$0x1E800] =	vst v63  }
0x2a: {  	_ =	swait.ge [sflag:s19], $0x4000  }
0x2b: {  	[sflag:s19] =	ssyncset.done $0x0  }
0x2c: {  	s31 =	simm.s32 $0x1480;
	[sflag:s19] =	ssyncadd.s32 $0xFFFFC000  }
0x2d: {  	[spmem:s4] =	stream.indirect.scatter.add.f32 [tilespmem:s16], [sflag:$0x3], $0x80, s31, s14, $0xb8;
	[tilespmem:$0x1E800] =	vst v63  }
0x2e: {  	_ =	swait.ge [sflag:s18], $0x4000  }
0x2f: {  	[sflag:s18] =	ssyncset.done $0x0  }
0x30: {  	s24 =	simm.s32 $0x180;
	s23 =	simm.s32 $0x400;
	[sflag:s18] =	ssyncadd.s32 $0xFFFFC000  }
.LBB2_2:
0x31: {  	[tilespmem:s16], [sflag:$0x2] =	stream.indirect.gather [hbm4b:s1+s14], $0x80, s24, s14, $0xb8;
	[tilespmem:$0x1E800] =	vst v63  }
0x32: {  	s24 =	smov.u32 s23  }
0x33: {  	p0 =	sne.s32 s23, $0x4800;
	s23 =	sadd.s32 $0x400, s23;
	_ =	swait.ge [sflag:s17], $0x4000  }
0x34: {  	s24 =	sshra.s32 s24, $0x2;
	[sflag:s17] =	ssyncset.done $0x0  }
0x35: {  	s25 =	sadd.s32 $0x1400, s24;
	[sflag:s17] =	ssyncadd.s32 $0xFFFFC000  }
0x36: {  	[spmem:s4] =	stream.indirect.scatter.add.f32 [tilespmem:s15], [sflag:$0x3], $0x80, s25, s14, $0xb8;
	[tilespmem:$0x1E800] =	vst v63  }
0x37: {  	_ =	swait.ge [sflag:s18], $0x4000  }
0x38: {  	[sflag:s18] =	ssyncset.done $0x0  }
0x39: {  	s25 =	sadd.s32 $0x100, s24;
	[sflag:s18] =	ssyncadd.s32 $0xFFFFC000  }
0x3a: {  	[tilespmem:s15], [sflag:$0x1] =	stream.indirect.gather [hbm4b:s1+s14], $0x80, s25, s14, $0xb8;
	[tilespmem:$0x1E800] =	vst v63  }
0x3b: {  	_ =	swait.ge [sflag:s19], $0x4000  }
0x3c: {  	[sflag:s19] =	ssyncset.done $0x0  }
.Ltmp0:
0x3d: {  	s25 =	sadd.s32 $0x1480, s24;
	[sflag:s19] =	ssyncadd.s32 $0xFFFFC000;
	(pc) =	sbr.rel @p0 .LBB2_2-.Ltmp0, $4  }
0x3e: {  	[spmem:s4] =	stream.indirect.scatter.add.f32 [tilespmem:s16], [sflag:$0x3], $0x80, s25, s14, $0xb8;
	[tilespmem:$0x1E800] =	vst v63  }
0x3f: {  	_ =	swait.ge [sflag:s18], $0x4000  }
0x40: {  	[sflag:s18] =	ssyncset.done $0x0  }
0x41: {  	s24 =	sadd.s32 $0x180, s24;
	[sflag:s18] =	ssyncadd.s32 $0xFFFFC000  }
0x42: {  	[tilespmem:s16], [sflag:$0x2] =	stream.indirect.gather [hbm4b:s1+s14], $0x80, s24, s14, $0xb8;
	[tilespmem:$0x1E800] =	vst v63  }
0x43: {  	_ =	swait.ge [sflag:s17], $0x4000  }
0x44: {  	[sflag:s17] =	ssyncset.done $0x0  }
0x45: {  	[sflag:s17] =	ssyncadd.s32 $0xFFFFC000  }
0x46: {  	[spmem:s4] =	stream.indirect.scatter.add.f32 [tilespmem:s15], [sflag:$0x3], $0x80, s20, s14, $0xb8;
	[tilespmem:$0x1E800] =	vst v63  }
0x47: {  	_ =	swait.ge [sflag:s18], $0x4000  }
0x48: {  	[sflag:s18] =	ssyncset.done $0x0  }
0x49: {  	[sflag:s18] =	ssyncadd.s32 $0xFFFFC000  }
0x4a: {  	_ =	swait.ge [sflag:s19], $0x4000  }
0x4b: {  	[sflag:s19] =	ssyncset.done $0x0  }
0x4c: {  	[sflag:s19] =	ssyncadd.s32 $0xFFFFC000  }
0x4d: {  	[spmem:s4] =	stream.indirect.scatter.add.f32 [tilespmem:s16], [sflag:$0x3], $0x80, s21, s14, $0xb8;
	[tilespmem:$0x1E800] =	vst v63  }
0x4e: {  	_ =	swait.ge [sflag:s18], $0x4000  }
0x4f: {  	s22 =	sadd.s32 $0x1, s22;
	[sflag:s18] =	ssyncset.done $0x0  }
0x50: {  	p0 =	sne.s32 s22, s10;
	[sflag:s18] =	ssyncadd.s32 $0xFFFFC000  }
.Ltmp1:
0x51: {  	[bflag:$0x0] =	sbarrier.arrive $0xFFFF;
	(pc) =	sbr.rel @p0 .LBB2_1-.Ltmp1, $4  }
0x52: {  	[hbm:s9], [sflag:s6] =	dma.local [spmem:s11], $0x2800  }
0x53: {  	_ =	swait.ge [sflag:s12], $0x2800  }
0x54: {  	[sflag:s12] =	ssyncset.done $0x0  }
0x55: {  	[sflag:s12] =	ssyncadd.s32 $0xFFFFD800  }
0x56: {  	_ =	sfence.sel $0x180000  }
0x57: {  	[bflag:$0x0] =	sbarrier.arrive $0xFFFF  }
0x58: {  	p0 =	sne.s32 s3, $0x0;
	_ =	strace $0x9000004A  }
0x59: {  	s0 =	sadd.s32 @!p0 $0x100000, s0;
	[bflag:$0x2] =	sbarrier.arrive $0xFFFF  }
0x5a: {  	[sflag:s0] =	ssyncadd.tile.s32 @!p0 $0x1;
	_ =	shalt  }
.Lfunc_end2:
_tile_overlayer_lowered:
.L_overlay_start_2:
0x5b: {  	(tag) =	ssettag $0x2  }
0x5c: {  	s0 =	rddreg [dreg:$0x0];
	s2 =	stileid.u32  }
0x5d: {  	s1 =	rddreg [dreg:$0x1];
	p0 =	sne.s32 s2, $0x0  }
0x5e: {  	s3 =	rddreg [dreg:$0x2];
	[bflag:$0x3] =	sbarrier.arrive $0xFFFF;
	s2 =	simm.s32 @!p0 $0x1C04  }
0x5f: {  	[timem:s3], [sflag:s2] =	dma.local @!p0 [hbm:s0], s1  }
0x60: {  	s0 =	simm.s32 @!p0 $0x4  }
0x61: {  	_ =	swait.ge @!p0 [sflag:s0], s1  }
0x62: {  	s1 =	ssub.s32 @!p0 $0x0, s1;
	[sflag:s0] =	ssyncset.done @!p0 $0x0  }
0x63: {  	[sflag:s0] =	ssyncadd.s32 @!p0 s1  }
0x64: {  	[bflag:$0x3] =	sbarrier.arrive $0xFFFF  }
0x65: {  	_ =	shalt  }

// kernel: kernel.16.cloned.1.call-start
scs
__scs_entry_jumppad:
0x0: {  	(pc) =	sbr.rel $0x88, $3  }
0x1: {  	(tag) =	ssettag $0x0;
	lr =	simm.s32 $0x1  }
0x2: {  	[smem:$0x3F91] =	sst lr;
	_ =	strace $0xD0000000  }
0x3: {  	_ = 	snop  }
0x4: {  	_ = 	snop  }
0x5: {  	_ = 	snop  }
0x6: {  	_ = 	snop  }
0x7: {  	_ = 	snop  }
__scs_overlays_trampoline_lowered:
0x8: {  	[smem:$0x3FA0] =	sst s0  }
0x9: {  	[smem:$0x3FA1] =	sst s1  }
0xa: {  	[smem:$0x3FA2] =	sst s2  }
0xb: {  	[smem:$0x3FA3] =	sst s3  }
0xc: {  	[smem:$0x3FA4] =	sst s4  }
0xd: {  	[smem:$0x3FA5] =	sst s5  }
0xe: {  	[smem:$0x3FA6] =	sst s6  }
0xf: {  	[smem:$0x3FA7] =	sst s7  }
0x10: {  	[smem:$0x3FA8] =	sst s8  }
0x11: {  	[smem:$0x3FA9] =	sst s9;
	s0 =	simm.s32 @!p0 $0x0  }
0x12: {  	s1 =	sld [smem:$0x3F8F];
	s0 =	simm.s32 @p0 $0x1  }
0x13: {  	[smem:$0x3FAA] =	sst s0;
	s0 =	simm.s32 @!p1 $0x0  }
0x14: {  	s2 =	sld [smem:$0x3F8E];
	s0 =	simm.s32 @p1 $0x1  }
0x15: {  	[smem:$0x3FAB] =	sst s0;
	s0 =	simm.s32 @!p2 $0x0  }
0x16: {  	s3 =	sld [smem:$0x3FDB];
	s0 =	simm.s32 @p2 $0x1  }
0x17: {  	s4 =	simm.s32 $0x1BF5;
	[smem:$0x3FAD] =	sst s0  }
0x18: {  	s0 =	sld [smem:$0x3F90];
	_ =	swait.ge [sflag:s4], $0x0  }
0x19: {  	s7 =	sld [smem:$0x3F91]  }
0x1a: {  	s8 =	sadd.s32 $0xFFFFE003, lr  }
0x1b: {  	s9 =	sadd.s32 $0xFFFFFEF7, lr;
	s5 =	simm.s32 $0xFFFFFFFF;
	p2 =	slt.u32 s8, $0xFFFFF086  }
0x1c: {  	p1 =	slt.u32 s9, $0xF7A;
	s5 =	simm.s32 @!p2 $0x0  }
0x1d: {  	s5 =	simm.s32 @p1 $0x1;
	p0 =	seq.s32 s7, s2  }
0x1e: {  	s7 =	smul.u32 @!p0 $0xF7A, s2;
	p2 =	seq.s32 @!p0 s5, $0x0  }
0x1f: {  	s9 =	smul.u32 $0xF7A, s1;
	s8 =	simm.s32 @!p0 $0x1BF5;
	p2 =	por !p2, p0  }
0x20: {  	[sflag:s8] =	ssyncset.s32 @!p0 $0xFFFFF086;
	s6 =	sadd.s32 @!p0 s3, s7;
	s7 =	simm.s32 @!p0 $0x108  }
0x21: {  	s3 =	sadd.s32 s3, s9;
	s6 =	sadd.s32 @!p0 $0x88, s6;
	s7 =	simm.s32 @p2 $0x1082  }
0x22: {  	[simem:s7], [sflag:s8] =	dma.local @!p0 [hbm:s6], $0xF7A  }
0x23: {  	s9 =	sor.u32 $0xD0000000, s2;
	s6 =	simm.s32 $0x108;
	_ =	swait.ge @!p0 [sflag:s8], $0x0  }
0x24: {  	s3 =	sadd.s32 $0x88, s3;
	s6 =	simm.s32 @!p1 $0x1082;
	[sflag:s4] =	ssyncset.s32 $0xFFFFF086  }
0x25: {  	[simem:s6], [sflag:s4] =	dma.local [hbm:s3], $0xF7A  }
0x26: {  	[smem:$0x3F91] =	sst s1;
	(tag) =	ssettag s2;
	_ =	strace s9  }
0x27: {  	s1 =	sld [smem:$0x3FA1]  }
0x28: {  	s2 =	sld [smem:$0x3FA2]  }
0x29: {  	s4 =	sld [smem:$0x3FA4]  }
0x2a: {  	p0 =	seq.s32 s5, $0x0;
	s5 =	sld [smem:$0x3FA5]  }
0x2b: {  	s6 =	sld [smem:$0x3FA6]  }
0x2c: {  	s7 =	sld [smem:$0x3FA7]  }
0x2d: {  	s3 =	simm.s32 $0x108;
	s8 =	sld [smem:$0x3FA8]  }
0x2e: {  	s3 =	simm.s32 @!p0 $0x1082;
	s9 =	sld [smem:$0x3FA9]  }
0x2f: {  	lr =	sadd.s32 s0, s3;
	s0 =	sld [smem:$0x3FA0]  }
0x30: {  	s3 =	sld [smem:$0x3FA3]  }
0x31: {  	[smem:$0x3FAC] =	sst s10  }
0x32: {  	s10 =	sld [smem:$0x3FAA];
	_ =	sdelay $0x3  }
0x33: {  	p0 =	seq.s32 s10, $0x1;
	s10 =	sld [smem:$0x3FAC];
	_ =	sdelay $0x3  }
0x34: {  	[smem:$0x3FAC] =	sst s10  }
0x35: {  	s10 =	sld [smem:$0x3FAB];
	_ =	sdelay $0x3  }
0x36: {  	p1 =	seq.s32 s10, $0x1;
	s10 =	sld [smem:$0x3FAC];
	_ =	sdelay $0x3  }
0x37: {  	[smem:$0x3FAC] =	sst s10  }
0x38: {  	s10 =	sld [smem:$0x3FAD]  }
0x39: {  	_ = 	snop;
	(pc) =	sbr.ind lr, $3  }
0x3a: {  	_ = 	snop  }
0x3b: {  	_ = 	snop  }
0x3c: {  	p2 =	seq.s32 s10, $0x1;
	s10 =	sld [smem:$0x3FAC]  }
0x3d: {  	_ =	shalt  }
0x3e: {  	_ =	shalt  }
0x3f: {  	_ =	shalt  }
0x40: {  	_ =	shalt  }
0x41: {  	_ =	shalt  }
0x42: {  	_ =	shalt  }
0x43: {  	_ =	shalt  }
0x44: {  	_ =	shalt  }
0x45: {  	_ =	shalt  }
0x46: {  	_ =	shalt  }
0x47: {  	_ =	shalt  }
0x48: {  	_ =	shalt  }
0x49: {  	_ =	shalt  }
0x4a: {  	_ =	shalt  }
0x4b: {  	_ =	shalt  }
0x4c: {  	_ =	shalt  }
0x4d: {  	_ =	shalt  }
0x4e: {  	_ =	shalt  }
0x4f: {  	_ =	shalt  }
0x50: {  	_ =	shalt  }
0x51: {  	_ =	shalt  }
0x52: {  	_ =	shalt  }
0x53: {  	_ =	shalt  }
0x54: {  	_ =	shalt  }
0x55: {  	_ =	shalt  }
0x56: {  	_ =	shalt  }
0x57: {  	_ =	shalt  }
0x58: {  	_ =	shalt  }
0x59: {  	_ =	shalt  }
0x5a: {  	_ =	shalt  }
0x5b: {  	_ =	shalt  }
0x5c: {  	_ =	shalt  }
0x5d: {  	_ =	shalt  }
0x5e: {  	_ =	shalt  }
0x5f: {  	_ =	shalt  }
0x60: {  	_ =	shalt  }
0x61: {  	_ =	shalt  }
0x62: {  	_ =	shalt  }
0x63: {  	_ =	shalt  }
0x64: {  	_ =	shalt  }
0x65: {  	_ =	shalt  }
0x66: {  	_ =	shalt  }
0x67: {  	_ =	shalt  }
0x68: {  	_ =	shalt  }
0x69: {  	_ =	shalt  }
0x6a: {  	_ =	shalt  }
0x6b: {  	_ =	shalt  }
0x6c: {  	_ =	shalt  }
0x6d: {  	_ =	shalt  }
0x6e: {  	_ =	shalt  }
0x6f: {  	_ =	shalt  }
0x70: {  	_ =	shalt  }
0x71: {  	_ =	shalt  }
0x72: {  	_ =	shalt  }
0x73: {  	_ =	shalt  }
0x74: {  	_ =	shalt  }
0x75: {  	_ =	shalt  }
0x76: {  	_ =	shalt  }
0x77: {  	_ =	shalt  }
0x78: {  	_ =	shalt  }
0x79: {  	_ =	shalt  }
0x7a: {  	_ =	shalt  }
0x7b: {  	_ =	shalt  }
0x7c: {  	_ =	shalt  }
0x7d: {  	_ =	shalt  }
0x7e: {  	_ =	shalt  }
0x7f: {  	_ =	shalt  }
0x80: {  	_ =	shalt  }
0x81: {  	_ =	shalt  }
0x82: {  	_ =	shalt  }
0x83: {  	_ =	shalt  }
0x84: {  	_ =	shalt  }
0x85: {  	_ =	shalt  }
0x86: {  	_ =	shalt  }
0x87: {  	_ =	shalt  }
.Lfunc_end0:
.L_simem_size_0:
called_computation.2_lowered:
.L_overlay_start_0:
0x88: {  	s2 =	sld [smem:$0x3FD9]  }
0x89: {  	s3 =	sld [smem:$0x3FFE];
	_ =	sdelay $0x1  }
0x8a: {  	s1 =	srdreg.scid  }
0x8b: {  	s0 =	sand.u32 $0x1, s1  }
0x8c: {  	s14 =	sshll.u32 s0, $0xA;
	s2 =	sadd.s32 s3, s2  }
0x8d: {  	s2 =	sadd.s32 s2, s14  }
0x8e: {  	[smem:$0x3FB8] =	sst s2  }
0x8f: {  	_ = 	snop  }
0x90: {  	s2 =	sld [smem:$0x3FD0];
	_ =	sdelay $0x2  }
0x91: {  	s15 =	simm.s32 $0xA;
	s4 =	simm.s32 $0x10  }
0x92: {  	[smem:s4], [sflag:s15] =	dma.local [hbm:s2], $0x1  }
0x93: {  	_ =	swait.eq [sflag:s15], $0x1  }
0x94: {  	[sflag:s15] =	ssyncset.done $0x0  }
0x95: {  	s16 =	sld [smem:$0x10];
	[sflag:s15] =	ssyncadd.s32 $0xFFFFFFFF  }
0x96: {  	s17 =	sld [smem:$0x11];
	(tm) =	ssettm $0x1  }
0x97: {  	s18 =	sld [smem:$0x3FFB];
	_ =	sdelay $0x3  }
0x98: {  	_ =	strace s18  }
0x99: {  	s4 =	sld [smem:$0x3FFC];
	_ =	sdelay $0x3  }
0x9a: {  	_ =	strace s4  }
0x9b: {  	s4 =	sld [smem:$0x3FFD];
	_ =	sdelay $0x3  }
0x9c: {  	_ =	strace s4  }
0x9d: {  	_ =	strace $0x8FFFFFFF  }
0x9e: {  	s19 =	sld [smem:$0x3FDB];
	_ =	sdelay $0x1  }
0x9f: {  	s5 =	simm.s32 $_scs_section_size  }
0xa0: {  	s6 =	simm.s32 $_size__tile_overlayer_lowered;
	s7 =	simm.s32 $_tile_overlayer_lowered  }
0xa1: {  	s22 =	simm.s32 $0x1BFF;
	s21 =	sshll.u32 s7, $0x1;
	s4 =	sadd.s32 s5, s19  }
0xa2: {  	s8 =	simm.s32 $0x0;
	s20 =	sshll.u32 s6, $0x1;
	s6 =	sadd.s32 s21, s4  }
0xa3: {  	[timem:s8], [sflag:s22] =	dma.local [hbm:s6], s20  }
0xa4: {  	_ =	swait.ge [sflag:s22], s20  }
0xa5: {  	s5 =	ssub.s32 $0x0, s20;
	[sflag:s22] =	ssyncset.done $0x0  }
0xa6: {  	[sflag:s22] =	ssyncadd.s32 s5;
	_ =	sdelay $0x1  }
0xa7: {  	s23 =	simm.s32 $0x1B8B  }
0xa8: {  	_ =	swait.ge [sflag:s23], $0x1  }
0xa9: {  	[sflag:s23] =	ssyncset.done $0x0  }
0xaa: {  	s25 =	simm.s32 $0x1B8E;
	s24 =	sld [smem:$0x3FFE];
	[sflag:s23] =	ssyncadd.s32 $0xFFFFFFFF  }
0xab: {  	s26 =	simm.s32 $execute0_lowered;
	[smem:$0x3FD2] =	sst s25  }
0xac: {  	s6 =	sshll.u32 s26, $0x1;
	_ =	strace $0x8000004C;
	[dreg:$0x1] =	wrdreg $0xFFFFFFFF  }
0xad: {  	s28 =	simm.s32 $_size_execute0_lowered;
	s4 =	sadd.s32 s4, s6;
	[dreg:$0x0] =	wrdreg $0x0  }
0xae: {  	s6 =	sshll.u32 s28, $0x1;
	[dreg:$0x2] =	wrdreg s4  }
0xaf: {  	[dreg:$0x3] =	wrdreg s6  }
0xb0: {  	[dreg:$0x4] =	wrdreg $0xC0  }
0xb1: {  	_ =	task [dreg:s8], $0x5FFFF  }
0xb2: {  	[dreg:$0x1] =	wrdreg $0xFFFFFFFF  }
0xb3: {  	[dreg:$0x0] =	wrdreg $0x60  }
0xb4: {  	[dreg:$0x2] =	wrdreg s17  }
0xb5: {  	[dreg:$0x3] =	wrdreg s24  }
0xb6: {  	[dreg:$0x4] =	wrdreg s16  }
0xb7: {  	[dreg:$0x5] =	wrdreg $0xA8000  }
0xb8: {  	[dreg:$0x6] =	wrdreg $0x9  }
0xb9: {  	_ =	task.clear_ibuf [dreg:s8], $0x7FFFF;
	_ =	strace $0x9000004C  }
0xba: {  	s29 =	simm.s32 $0x9;
	_ =	strace $0x8000004E  }
0xbb: {  	_ =	swait.ge [sflag:s29], $0x1  }
0xbc: {  	[sflag:s29] =	ssyncadd.s32 $0xFFFFFFFF  }
0xbd: {  	_ =	strace $0x9000004E  }
0xbe: {  	_ =	sfence  }
0xbf: {  	s30 =	sld [smem:$0x0];
	_ =	sdelay $0x2  }
0xc0: {  	s31 =	sshll.u32 s1, $0xD;
	s1 =	sshrl.u32 s1, $0x2  }
0xc1: {  	s3 =	sand.u32 $0x4000, s31;
	s1 =	sadd.s32 s1, s30  }
0xc2: {  	s0 =	sor.u32 s3, s0;
	s1 =	sshll.u32 s1, $0x11  }
0xc3: {  	s0 =	sor.u32 s1, s0  }
0xc4: {  	s0 =	sadd.s32 $0x8F2B, s0  }
0xc5: {  	[sflag:s0] =	ssyncadd.remote.s32 $0x1  }
0xc6: {  	_ =	sfence.sel $0xFFFF  }
0xc7: {  	[dreg:$0x0] =	wrdreg $0xFFFFFFFF;
	(pc) =	sbr.abs _section_cstart, $3  }
0xc8: {  	[dreg:$0x1] =	wrdreg $0xFFFFFFFF  }
0xc9: {  	_ =	task.clear_ibuf [dreg:s8], $0x2FFFF;
	_ =	strace $0x9FFFFFFF  }
0xca: {  	(tm) =	ssettm $0x7FFFFFFF  }
0xcb: {  	_ =	shalt  }
tec
execute0_lowered:
.L_overlay_start_1:
0x0: {  	(tag) =	ssettag $0x1  }
0x1: {  	s1 =	rddreg [dreg:$0x0]  }
0x2: {  	s6 =	rddreg [dreg:$0x1]  }
0x3: {  	s2 =	rddreg [dreg:$0x2]  }
0x4: {  	s4 =	rddreg [dreg:$0x3];
	s3 =	srdreg.scid  }
0x5: {  	s0 =	rddreg [dreg:$0x4];
	s5 =	simm.s32 $0x0;
	s14 =	simm.s32 $0x80  }
0x6: {  	s15 =	simm.s32 $0x2800;
	s16 =	simm.s32 $0x6800;
	s17 =	simm.s32 $0x1  }
0x7: {  	s18 =	simm.s32 $0x3;
	s19 =	simm.s32 $0x2;
	s20 =	simm.s32 $0x2700  }
0x8: {  	s21 =	simm.s32 $0x2780;
	s7 =	sand.u32 $0x1, s3;
	s3 =	stileid.u32  }
0x9: {  	s22 =	simm.s32 $0x0;
	[smem:$0x7FF] =	sst s5;
	s8 =	smul.u32 $0x140000, s7  }
0xa: {  	s9 =	sshll.u32 s7, $0x4;
	s10 =	smul.u32 $0x14000, s3;
	_ =	strace $0x8000004D  }
0xb: {  	s7 =	ssub.s32 $0x2, s7;
	s28 =	smul.u32 $0x50000, s3;
	s9 =	sor.u32 s3, s9  }
0xc: {  	s31 =	sshll.u32 s3, $0x6;
	s29 =	sshrl.u32 s7, $0x1;
	s9 =	smul.u32 $0x280, s9  }
0xd: {  	s8 =	sadd.s32 s10, s8;
	s12 =	ssub.s32 s7, s29;
	s30 =	sshrl.u32 s28, $0x2  }
0xe: {  	s8 =	sshrl.u32 s8, $0x3;
	s13 =	sadd.s32 s30, s4;
	s10 =	smax.u32 s12, $0x1  }
0xf: {  	s12 =	simm.s32 $0x4;
	s9 =	sadd.s32 s9, s6;
	s11 =	sadd.s32 s8, s6  }
0x10: {  	s6 =	sor.u32 $0x1C04, s31;
	s7 =	sadd.s32 $0x59000, s9;
	s8 =	sadd.s32 $0x4000, s9  }
0x11: {  	s9 =	sadd.s32 $0x5E000, s11;
	s11 =	sshrl.u32 s13, $0x3;
	s13 =	simm.s32 $0x1400  }
.LBB2_1:
0x12: {  	[spmem:s11], [sflag:s6] =	dma.local [hbm:s2], $0x2800  }
0x13: {  	_ =	swait.ge [sflag:s12], $0x2800  }
0x14: {  	[sflag:s12] =	ssyncset.done $0x0  }
0x15: {  	[sflag:s12] =	ssyncadd.s32 $0xFFFFD800  }
0x16: {  	[tilespmem:s5], [sflag:$0x4] =	stream.linear.gather [hbm4b:s7+s5], $0x1400, $0x38;
	[tilespmem:$0x1E800] =	vst v63  }
0x17: {  	_ =	swait.ge [sflag:s12], $0x1400  }
0x18: {  	[sflag:s12] =	ssyncset.done $0x0  }
0x19: {  	[sflag:s12] =	ssyncadd.s32 $0xFFFFEC00  }
0x1a: {  	[tilespmem:s13], [sflag:$0x4] =	stream.linear.gather [hbm4b:s8+s5], $0x1400, $0x38;
	[tilespmem:$0x1E800] =	vst v63  }
0x1b: {  	_ =	swait.ge [sflag:s12], $0x1400  }
0x1c: {  	[sflag:s12] =	ssyncset.done $0x0  }
0x1d: {  	[sflag:s12] =	ssyncadd.s32 $0xFFFFEC00  }
0x1e: {  	[bflag:$0x0] =	sbarrier.arrive $0xFFFF  }
0x1f: {  	[tilespmem:s15], [sflag:$0x1] =	stream.indirect.gather [hbm4b:s1+s14], $0x80, s5, s14, $0xb8;
	[tilespmem:$0x1E800] =	vst v63  }
0x20: {  	_ = 	snop  }
0x21: {  	[tilespmem:s16], [sflag:$0x2] =	stream.indirect.gather [hbm4b:s1+s14], $0x80, s14, s14, $0xb8;
	[tilespmem:$0x1E800] =	vst v63  }
0x22: {  	_ =	swait.ge [sflag:s17], $0x4000  }
0x23: {  	[sflag:s17] =	ssyncset.done $0x0  }
0x24: {  	s23 =	simm.s32 $0x1400;
	[sflag:s17] =	ssyncadd.s32 $0xFFFFC000  }
0x25: {  	[spmem:s4] =	stream.indirect.scatter.add.f32 [tilespmem:s15], [sflag:$0x3], $0x80, s23, s14, $0xb8;
	[tilespmem:$0x1E800] =	vst v63  }
0x26: {  	_ =	swait.ge [sflag:s18], $0x4000  }
0x27: {  	[sflag:s18] =	ssyncset.done $0x0  }
0x28: {  	s30 =	simm.s32 $0x100;
	[sflag:s18] =	ssyncadd.s32 $0xFFFFC000  }
0x29: {  	[tilespmem:s15], [sflag:$0x1] =	stream.indirect.gather [hbm4b:s1+s14], $0x80, s30, s14, $0xb8;
	[tilespmem:$0x1E800] =	vst v63  }
0x2a: {  	_ =	swait.ge [sflag:s19], $0x4000  }
0x2b: {  	[sflag:s19] =	ssyncset.done $0x0  }
0x2c: {  	s31 =	simm.s32 $0x1480;
	[sflag:s19] =	ssyncadd.s32 $0xFFFFC000  }
0x2d: {  	[spmem:s4] =	stream.indirect.scatter.add.f32 [tilespmem:s16], [sflag:$0x3], $0x80, s31, s14, $0xb8;
	[tilespmem:$0x1E800] =	vst v63  }
0x2e: {  	_ =	swait.ge [sflag:s18], $0x4000  }
0x2f: {  	[sflag:s18] =	ssyncset.done $0x0  }
0x30: {  	s24 =	simm.s32 $0x180;
	s23 =	simm.s32 $0x400;
	[sflag:s18] =	ssyncadd.s32 $0xFFFFC000  }
.LBB2_2:
0x31: {  	[tilespmem:s16], [sflag:$0x2] =	stream.indirect.gather [hbm4b:s1+s14], $0x80, s24, s14, $0xb8;
	[tilespmem:$0x1E800] =	vst v63  }
0x32: {  	s24 =	smov.u32 s23  }
0x33: {  	p0 =	sne.s32 s23, $0x4800;
	s23 =	sadd.s32 $0x400, s23;
	_ =	swait.ge [sflag:s17], $0x4000  }
0x34: {  	s24 =	sshra.s32 s24, $0x2;
	[sflag:s17] =	ssyncset.done $0x0  }
0x35: {  	s25 =	sadd.s32 $0x1400, s24;
	[sflag:s17] =	ssyncadd.s32 $0xFFFFC000  }
0x36: {  	[spmem:s4] =	stream.indirect.scatter.add.f32 [tilespmem:s15], [sflag:$0x3], $0x80, s25, s14, $0xb8;
	[tilespmem:$0x1E800] =	vst v63  }
0x37: {  	_ =	swait.ge [sflag:s18], $0x4000  }
0x38: {  	[sflag:s18] =	ssyncset.done $0x0  }
0x39: {  	s25 =	sadd.s32 $0x100, s24;
	[sflag:s18] =	ssyncadd.s32 $0xFFFFC000  }
0x3a: {  	[tilespmem:s15], [sflag:$0x1] =	stream.indirect.gather [hbm4b:s1+s14], $0x80, s25, s14, $0xb8;
	[tilespmem:$0x1E800] =	vst v63  }
0x3b: {  	_ =	swait.ge [sflag:s19], $0x4000  }
0x3c: {  	[sflag:s19] =	ssyncset.done $0x0  }
.Ltmp0:
0x3d: {  	s25 =	sadd.s32 $0x1480, s24;
	[sflag:s19] =	ssyncadd.s32 $0xFFFFC000;
	(pc) =	sbr.rel @p0 .LBB2_2-.Ltmp0, $4  }
0x3e: {  	[spmem:s4] =	stream.indirect.scatter.add.f32 [tilespmem:s16], [sflag:$0x3], $0x80, s25, s14, $0xb8;
	[tilespmem:$0x1E800] =	vst v63  }
0x3f: {  	_ =	swait.ge [sflag:s18], $0x4000  }
0x40: {  	[sflag:s18] =	ssyncset.done $0x0  }
0x41: {  	s24 =	sadd.s32 $0x180, s24;
	[sflag:s18] =	ssyncadd.s32 $0xFFFFC000  }
0x42: {  	[tilespmem:s16], [sflag:$0x2] =	stream.indirect.gather [hbm4b:s1+s14], $0x80, s24, s14, $0xb8;
	[tilespmem:$0x1E800] =	vst v63  }
0x43: {  	_ =	swait.ge [sflag:s17], $0x4000  }
0x44: {  	[sflag:s17] =	ssyncset.done $0x0  }
0x45: {  	[sflag:s17] =	ssyncadd.s32 $0xFFFFC000  }
0x46: {  	[spmem:s4] =	stream.indirect.scatter.add.f32 [tilespmem:s15], [sflag:$0x3], $0x80, s20, s14, $0xb8;
	[tilespmem:$0x1E800] =	vst v63  }
0x47: {  	_ =	swait.ge [sflag:s18], $0x4000  }
0x48: {  	[sflag:s18] =	ssyncset.done $0x0  }
0x49: {  	[sflag:s18] =	ssyncadd.s32 $0xFFFFC000  }
0x4a: {  	_ =	swait.ge [sflag:s19], $0x4000  }
0x4b: {  	[sflag:s19] =	ssyncset.done $0x0  }
0x4c: {  	[sflag:s19] =	ssyncadd.s32 $0xFFFFC000  }
0x4d: {  	[spmem:s4] =	stream.indirect.scatter.add.f32 [tilespmem:s16], [sflag:$0x3], $0x80, s21, s14, $0xb8;
	[tilespmem:$0x1E800] =	vst v63  }
0x4e: {  	_ =	swait.ge [sflag:s18], $0x4000  }
0x4f: {  	s22 =	sadd.s32 $0x1, s22;
	[sflag:s18] =	ssyncset.done $0x0  }
0x50: {  	p0 =	sne.s32 s22, s10;
	[sflag:s18] =	ssyncadd.s32 $0xFFFFC000  }
.Ltmp1:
0x51: {  	[bflag:$0x0] =	sbarrier.arrive $0xFFFF;
	(pc) =	sbr.rel @p0 .LBB2_1-.Ltmp1, $4  }
0x52: {  	[hbm:s9], [sflag:s6] =	dma.local [spmem:s11], $0x2800  }
0x53: {  	_ =	swait.ge [sflag:s12], $0x2800  }
0x54: {  	[sflag:s12] =	ssyncset.done $0x0  }
0x55: {  	[sflag:s12] =	ssyncadd.s32 $0xFFFFD800  }
0x56: {  	_ =	sfence.sel $0x180000  }
0x57: {  	[bflag:$0x0] =	sbarrier.arrive $0xFFFF  }
0x58: {  	p0 =	sne.s32 s3, $0x0;
	_ =	strace $0x9000004D  }
0x59: {  	s0 =	sadd.s32 @!p0 $0x100000, s0;
	[bflag:$0x2] =	sbarrier.arrive $0xFFFF  }
0x5a: {  	[sflag:s0] =	ssyncadd.tile.s32 @!p0 $0x1;
	_ =	shalt  }
.Lfunc_end2:
_tile_overlayer_lowered:
.L_overlay_start_2:
0x5b: {  	(tag) =	ssettag $0x2  }
0x5c: {  	s0 =	rddreg [dreg:$0x0];
	s2 =	stileid.u32  }
0x5d: {  	s1 =	rddreg [dreg:$0x1];
	p0 =	sne.s32 s2, $0x0  }
0x5e: {  	s3 =	rddreg [dreg:$0x2];
	[bflag:$0x3] =	sbarrier.arrive $0xFFFF;
	s2 =	simm.s32 @!p0 $0x1C04  }
0x5f: {  	[timem:s3], [sflag:s2] =	dma.local @!p0 [hbm:s0], s1  }
0x60: {  	s0 =	simm.s32 @!p0 $0x4  }
0x61: {  	_ =	swait.ge @!p0 [sflag:s0], s1  }
0x62: {  	s1 =	ssub.s32 @!p0 $0x0, s1;
	[sflag:s0] =	ssyncset.done @!p0 $0x0  }
0x63: {  	[sflag:s0] =	ssyncadd.s32 @!p0 s1  }
0x64: {  	[bflag:$0x3] =	sbarrier.arrive $0xFFFF  }
0x65: {  	_ =	shalt  }

// kernel: kernel.19.cloned.1.call-start
scs
__scs_entry_jumppad:
0x0: {  	(pc) =	sbr.rel $0x88, $3  }
0x1: {  	(tag) =	ssettag $0x0;
	lr =	simm.s32 $0x1  }
0x2: {  	[smem:$0x3F91] =	sst lr;
	_ =	strace $0xD0000000  }
0x3: {  	_ = 	snop  }
0x4: {  	_ = 	snop  }
0x5: {  	_ = 	snop  }
0x6: {  	_ = 	snop  }
0x7: {  	_ = 	snop  }
__scs_overlays_trampoline_lowered:
0x8: {  	[smem:$0x3FA0] =	sst s0  }
0x9: {  	[smem:$0x3FA1] =	sst s1  }
0xa: {  	[smem:$0x3FA2] =	sst s2  }
0xb: {  	[smem:$0x3FA3] =	sst s3  }
0xc: {  	[smem:$0x3FA4] =	sst s4  }
0xd: {  	[smem:$0x3FA5] =	sst s5  }
0xe: {  	[smem:$0x3FA6] =	sst s6  }
0xf: {  	[smem:$0x3FA7] =	sst s7  }
0x10: {  	[smem:$0x3FA8] =	sst s8  }
0x11: {  	[smem:$0x3FA9] =	sst s9;
	s0 =	simm.s32 @!p0 $0x0  }
0x12: {  	s1 =	sld [smem:$0x3F8F];
	s0 =	simm.s32 @p0 $0x1  }
0x13: {  	[smem:$0x3FAA] =	sst s0;
	s0 =	simm.s32 @!p1 $0x0  }
0x14: {  	s2 =	sld [smem:$0x3F8E];
	s0 =	simm.s32 @p1 $0x1  }
0x15: {  	[smem:$0x3FAB] =	sst s0;
	s0 =	simm.s32 @!p2 $0x0  }
0x16: {  	s3 =	sld [smem:$0x3FDB];
	s0 =	simm.s32 @p2 $0x1  }
0x17: {  	s4 =	simm.s32 $0x1BF5;
	[smem:$0x3FAD] =	sst s0  }
0x18: {  	s0 =	sld [smem:$0x3F90];
	_ =	swait.ge [sflag:s4], $0x0  }
0x19: {  	s7 =	sld [smem:$0x3F91]  }
0x1a: {  	s8 =	sadd.s32 $0xFFFFE003, lr  }
0x1b: {  	s9 =	sadd.s32 $0xFFFFFEF7, lr;
	s5 =	simm.s32 $0xFFFFFFFF;
	p2 =	slt.u32 s8, $0xFFFFF086  }
0x1c: {  	p1 =	slt.u32 s9, $0xF7A;
	s5 =	simm.s32 @!p2 $0x0  }
0x1d: {  	s5 =	simm.s32 @p1 $0x1;
	p0 =	seq.s32 s7, s2  }
0x1e: {  	s7 =	smul.u32 @!p0 $0xF7A, s2;
	p2 =	seq.s32 @!p0 s5, $0x0  }
0x1f: {  	s9 =	smul.u32 $0xF7A, s1;
	s8 =	simm.s32 @!p0 $0x1BF5;
	p2 =	por !p2, p0  }
0x20: {  	[sflag:s8] =	ssyncset.s32 @!p0 $0xFFFFF086;
	s6 =	sadd.s32 @!p0 s3, s7;
	s7 =	simm.s32 @!p0 $0x108  }
0x21: {  	s3 =	sadd.s32 s3, s9;
	s6 =	sadd.s32 @!p0 $0x88, s6;
	s7 =	simm.s32 @p2 $0x1082  }
0x22: {  	[simem:s7], [sflag:s8] =	dma.local @!p0 [hbm:s6], $0xF7A  }
0x23: {  	s9 =	sor.u32 $0xD0000000, s2;
	s6 =	simm.s32 $0x108;
	_ =	swait.ge @!p0 [sflag:s8], $0x0  }
0x24: {  	s3 =	sadd.s32 $0x88, s3;
	s6 =	simm.s32 @!p1 $0x1082;
	[sflag:s4] =	ssyncset.s32 $0xFFFFF086  }
0x25: {  	[simem:s6], [sflag:s4] =	dma.local [hbm:s3], $0xF7A  }
0x26: {  	[smem:$0x3F91] =	sst s1;
	(tag) =	ssettag s2;
	_ =	strace s9  }
0x27: {  	s1 =	sld [smem:$0x3FA1]  }
0x28: {  	s2 =	sld [smem:$0x3FA2]  }
0x29: {  	s4 =	sld [smem:$0x3FA4]  }
0x2a: {  	p0 =	seq.s32 s5, $0x0;
	s5 =	sld [smem:$0x3FA5]  }
0x2b: {  	s6 =	sld [smem:$0x3FA6]  }
0x2c: {  	s7 =	sld [smem:$0x3FA7]  }
0x2d: {  	s3 =	simm.s32 $0x108;
	s8 =	sld [smem:$0x3FA8]  }
0x2e: {  	s3 =	simm.s32 @!p0 $0x1082;
	s9 =	sld [smem:$0x3FA9]  }
0x2f: {  	lr =	sadd.s32 s0, s3;
	s0 =	sld [smem:$0x3FA0]  }
0x30: {  	s3 =	sld [smem:$0x3FA3]  }
0x31: {  	[smem:$0x3FAC] =	sst s10  }
0x32: {  	s10 =	sld [smem:$0x3FAA];
	_ =	sdelay $0x3  }
0x33: {  	p0 =	seq.s32 s10, $0x1;
	s10 =	sld [smem:$0x3FAC];
	_ =	sdelay $0x3  }
0x34: {  	[smem:$0x3FAC] =	sst s10  }
0x35: {  	s10 =	sld [smem:$0x3FAB];
	_ =	sdelay $0x3  }
0x36: {  	p1 =	seq.s32 s10, $0x1;
	s10 =	sld [smem:$0x3FAC];
	_ =	sdelay $0x3  }
0x37: {  	[smem:$0x3FAC] =	sst s10  }
0x38: {  	s10 =	sld [smem:$0x3FAD]  }
0x39: {  	_ = 	snop;
	(pc) =	sbr.ind lr, $3  }
0x3a: {  	_ = 	snop  }
0x3b: {  	_ = 	snop  }
0x3c: {  	p2 =	seq.s32 s10, $0x1;
	s10 =	sld [smem:$0x3FAC]  }
0x3d: {  	_ =	shalt  }
0x3e: {  	_ =	shalt  }
0x3f: {  	_ =	shalt  }
0x40: {  	_ =	shalt  }
0x41: {  	_ =	shalt  }
0x42: {  	_ =	shalt  }
0x43: {  	_ =	shalt  }
0x44: {  	_ =	shalt  }
0x45: {  	_ =	shalt  }
0x46: {  	_ =	shalt  }
0x47: {  	_ =	shalt  }
0x48: {  	_ =	shalt  }
0x49: {  	_ =	shalt  }
0x4a: {  	_ =	shalt  }
0x4b: {  	_ =	shalt  }
0x4c: {  	_ =	shalt  }
0x4d: {  	_ =	shalt  }
0x4e: {  	_ =	shalt  }
0x4f: {  	_ =	shalt  }
0x50: {  	_ =	shalt  }
0x51: {  	_ =	shalt  }
0x52: {  	_ =	shalt  }
0x53: {  	_ =	shalt  }
0x54: {  	_ =	shalt  }
0x55: {  	_ =	shalt  }
0x56: {  	_ =	shalt  }
0x57: {  	_ =	shalt  }
0x58: {  	_ =	shalt  }
0x59: {  	_ =	shalt  }
0x5a: {  	_ =	shalt  }
0x5b: {  	_ =	shalt  }
0x5c: {  	_ =	shalt  }
0x5d: {  	_ =	shalt  }
0x5e: {  	_ =	shalt  }
0x5f: {  	_ =	shalt  }
0x60: {  	_ =	shalt  }
0x61: {  	_ =	shalt  }
0x62: {  	_ =	shalt  }
0x63: {  	_ =	shalt  }
0x64: {  	_ =	shalt  }
0x65: {  	_ =	shalt  }
0x66: {  	_ =	shalt  }
0x67: {  	_ =	shalt  }
0x68: {  	_ =	shalt  }
0x69: {  	_ =	shalt  }
0x6a: {  	_ =	shalt  }
0x6b: {  	_ =	shalt  }
0x6c: {  	_ =	shalt  }
0x6d: {  	_ =	shalt  }
0x6e: {  	_ =	shalt  }
0x6f: {  	_ =	shalt  }
0x70: {  	_ =	shalt  }
0x71: {  	_ =	shalt  }
0x72: {  	_ =	shalt  }
0x73: {  	_ =	shalt  }
0x74: {  	_ =	shalt  }
0x75: {  	_ =	shalt  }
0x76: {  	_ =	shalt  }
0x77: {  	_ =	shalt  }
0x78: {  	_ =	shalt  }
0x79: {  	_ =	shalt  }
0x7a: {  	_ =	shalt  }
0x7b: {  	_ =	shalt  }
0x7c: {  	_ =	shalt  }
0x7d: {  	_ =	shalt  }
0x7e: {  	_ =	shalt  }
0x7f: {  	_ =	shalt  }
0x80: {  	_ =	shalt  }
0x81: {  	_ =	shalt  }
0x82: {  	_ =	shalt  }
0x83: {  	_ =	shalt  }
0x84: {  	_ =	shalt  }
0x85: {  	_ =	shalt  }
0x86: {  	_ =	shalt  }
0x87: {  	_ =	shalt  }
.Lfunc_end0:
.L_simem_size_0:
called_computation.3_lowered:
.L_overlay_start_0:
0x88: {  	s2 =	sld [smem:$0x3FD9]  }
0x89: {  	s3 =	sld [smem:$0x3FFE];
	_ =	sdelay $0x1  }
0x8a: {  	s1 =	srdreg.scid  }
0x8b: {  	s0 =	sand.u32 $0x1, s1  }
0x8c: {  	s14 =	sshll.u32 s0, $0xA;
	s2 =	sadd.s32 s3, s2  }
0x8d: {  	s2 =	sadd.s32 s2, s14  }
0x8e: {  	[smem:$0x3FB8] =	sst s2  }
0x8f: {  	_ = 	snop  }
0x90: {  	s2 =	sld [smem:$0x3FD0];
	_ =	sdelay $0x2  }
0x91: {  	s15 =	simm.s32 $0xA;
	s4 =	simm.s32 $0x10  }
0x92: {  	[smem:s4], [sflag:s15] =	dma.local [hbm:s2], $0x1  }
0x93: {  	_ =	swait.eq [sflag:s15], $0x1  }
0x94: {  	[sflag:s15] =	ssyncset.done $0x0  }
0x95: {  	[sflag:s15] =	ssyncadd.s32 $0xFFFFFFFF  }
0x96: {  	s16 =	sld [smem:$0x11];
	(tm) =	ssettm $0x1  }
0x97: {  	s17 =	sld [smem:$0x3FFB];
	_ =	sdelay $0x3  }
0x98: {  	_ =	strace s17  }
0x99: {  	s3 =	sld [smem:$0x3FFC];
	_ =	sdelay $0x3  }
0x9a: {  	_ =	strace s3  }
0x9b: {  	s3 =	sld [smem:$0x3FFD];
	_ =	sdelay $0x3  }
0x9c: {  	_ =	strace s3  }
0x9d: {  	_ =	strace $0x8FFFFFFF  }
0x9e: {  	s18 =	sld [smem:$0x3FDB];
	_ =	sdelay $0x1  }
0x9f: {  	s19 =	simm.s32 $_scs_section_size  }
0xa0: {  	s5 =	simm.s32 $_size__tile_overlayer_lowered;
	s6 =	simm.s32 $_tile_overlayer_lowered  }
0xa1: {  	s22 =	simm.s32 $0x1BFF;
	s21 =	sshll.u32 s6, $0x1;
	s3 =	sadd.s32 s19, s18  }
0xa2: {  	s7 =	simm.s32 $0x0;
	s20 =	sshll.u32 s5, $0x1;
	s5 =	sadd.s32 s21, s3  }
0xa3: {  	[timem:s7], [sflag:s22] =	dma.local [hbm:s5], s20  }
0xa4: {  	_ =	swait.ge [sflag:s22], s20  }
0xa5: {  	s4 =	ssub.s32 $0x0, s20;
	[sflag:s22] =	ssyncset.done $0x0  }
0xa6: {  	[sflag:s22] =	ssyncadd.s32 s4;
	_ =	sdelay $0x1  }
0xa7: {  	s23 =	simm.s32 $0x1B8B  }
0xa8: {  	_ =	swait.ge [sflag:s23], $0x1  }
0xa9: {  	[sflag:s23] =	ssyncset.done $0x0  }
0xaa: {  	s25 =	simm.s32 $0x1B8E;
	s24 =	sld [smem:$0x3FFE];
	[sflag:s23] =	ssyncadd.s32 $0xFFFFFFFF  }
0xab: {  	s26 =	simm.s32 $execute0_lowered;
	[smem:$0x3FD2] =	sst s25  }
0xac: {  	s5 =	sshll.u32 s26, $0x1;
	_ =	strace $0x8000004F;
	[dreg:$0x1] =	wrdreg $0xFFFFFFFF  }
0xad: {  	s28 =	simm.s32 $_size_execute0_lowered;
	s3 =	sadd.s32 s3, s5;
	[dreg:$0x0] =	wrdreg $0x0  }
0xae: {  	s5 =	sshll.u32 s28, $0x1;
	[dreg:$0x2] =	wrdreg s3  }
0xaf: {  	[dreg:$0x3] =	wrdreg s5  }
0xb0: {  	[dreg:$0x4] =	wrdreg $0xC0  }
0xb1: {  	_ =	task [dreg:s7], $0x5FFFF  }
0xb2: {  	[dreg:$0x1] =	wrdreg $0xFFFFFFFF  }
0xb3: {  	[dreg:$0x0] =	wrdreg $0x60  }
0xb4: {  	[dreg:$0x2] =	wrdreg s16  }
0xb5: {  	[dreg:$0x3] =	wrdreg s24  }
0xb6: {  	[dreg:$0x4] =	wrdreg $0x9  }
0xb7: {  	_ =	task.clear_ibuf [dreg:s7], $0x5FFFF;
	_ =	strace $0x9000004F  }
0xb8: {  	s29 =	simm.s32 $0x9;
	_ =	strace $0x80000051  }
0xb9: {  	_ =	swait.ge [sflag:s29], $0x1  }
0xba: {  	[sflag:s29] =	ssyncadd.s32 $0xFFFFFFFF  }
0xbb: {  	_ =	strace $0x90000051  }
0xbc: {  	_ =	sfence  }
0xbd: {  	s30 =	sld [smem:$0x0];
	_ =	sdelay $0x2  }
0xbe: {  	s31 =	sshll.u32 s1, $0xD;
	s1 =	sshrl.u32 s1, $0x2  }
0xbf: {  	s3 =	sand.u32 $0x4000, s31;
	s1 =	sadd.s32 s1, s30  }
0xc0: {  	s0 =	sor.u32 s3, s0;
	s1 =	sshll.u32 s1, $0x11  }
0xc1: {  	s0 =	sor.u32 s1, s0  }
0xc2: {  	s0 =	sadd.s32 $0x8F2B, s0  }
0xc3: {  	[sflag:s0] =	ssyncadd.remote.s32 $0x1  }
0xc4: {  	_ =	sfence.sel $0xFFFF  }
0xc5: {  	[dreg:$0x0] =	wrdreg $0xFFFFFFFF;
	(pc) =	sbr.abs _section_cstart, $3  }
0xc6: {  	[dreg:$0x1] =	wrdreg $0xFFFFFFFF  }
0xc7: {  	_ =	task.clear_ibuf [dreg:s7], $0x2FFFF;
	_ =	strace $0x9FFFFFFF  }
0xc8: {  	(tm) =	ssettm $0x7FFFFFFF  }
0xc9: {  	_ =	shalt  }
tec
execute0_lowered:
.L_overlay_start_1:
0x0: {  	(tag) =	ssettag $0x1  }
0x1: {  	s1 =	rddreg [dreg:$0x0]  }
0x2: {  	s0 =	rddreg [dreg:$0x1];
	s2 =	srdreg.scid  }
0x3: {  	s3 =	simm.s32 $0x0;
	s5 =	stileid.u32;
	s11 =	simm.s32 $0x7  }
0x4: {  	s12 =	simm.s32 $0x1400;
	s13 =	simm.s32 $0x80;
	s15 =	simm.s32 $0xA800  }
0x5: {  	s16 =	simm.s32 $0x6800;
	s17 =	simm.s32 $0x1480;
	s18 =	simm.s32 $0xE800  }
0x6: {  	s19 =	simm.s32 $0x1;
	s20 =	simm.s32 $0x3;
	s21 =	simm.s32 $0x12800  }
0x7: {  	s22 =	simm.s32 $0x2;
	s23 =	simm.s32 $0x4;
	s24 =	simm.s32 $0x16800  }
0x8: {  	s25 =	simm.s32 $0x5;
	s26 =	simm.s32 $0x6;
	s2 =	sand.u32 $0x1, s2  }
0x9: {  	s28 =	simm.s32 $0x0;
	[smem:$0x7FF] =	sst s3;
	s4 =	sshll.u32 s2, $0x4  }
.Ltmp0:
0xa: {  	s2 =	ssub.s32 $0x2, s2;
	s5 =	sor.u32 s5, s4;
	(pc) =	sbr.rel .LBB2_1-.Ltmp0, $4  }
0xb: {  	_ =	strace $0x80000050;
	s7 =	sshrl.u32 s2, $0x1;
	s6 =	smul.u32 $0x280, s5  }
0xc: {  	s4 =	sadd.s32 $0x9000, s0;
	s5 =	smul.u32 $0x28, s5;
	s31 =	ssub.s32 s2, s7  }
0xd: {  	s10 =	smax.u32 s31, $0x1;
	s8 =	sadd.s32 s6, s0;
	s6 =	sadd.s32 $0x5E000, s0  }
0xe: {  	s9 =	sor.u32 $0x1, s5;
	s7 =	sadd.s32 $0x59000, s8;
	s8 =	sadd.s32 $0x4000, s8  }
.LBB2_8:
0xf: {  	s28 =	sadd.s32 $0x1, s28  }
0x10: {  	_ =	swait.ge [sflag:s25], $0x4000;
	p0 =	sne.s32 s28, s10  }
.Ltmp1:
0x11: {  	[sflag:s25] =	ssyncset.done $0x0;
	(pc) =	sbr.rel @!p0 .LBB2_9-.Ltmp1, $4  }
0x12: {  	[sflag:s25] =	ssyncadd.s32 $0xFFFFC000  }
0x13: {  	_ =	swait.ge [sflag:s26], $0x4000  }
0x14: {  	[sflag:s26] =	ssyncset.done $0x0  }
0x15: {  	[sflag:s26] =	ssyncadd.s32 $0xFFFFC000  }
.LBB2_1:
0x16: {  	[tilespmem:s3], [sflag:$0x7] =	stream.linear.gather [hbm4b:s7+s3], $0x1400, $0x38;
	[tilespmem:$0x1A800] =	vst v63  }
0x17: {  	_ =	swait.ge [sflag:s11], $0x1400  }
0x18: {  	[sflag:s11] =	ssyncset.done $0x0  }
0x19: {  	[sflag:s11] =	ssyncadd.s32 $0xFFFFEC00  }
0x1a: {  	[tilespmem:s12], [sflag:$0x7] =	stream.linear.gather [hbm4b:s8+s3], $0x1400, $0x38;
	[tilespmem:$0x1A800] =	vst v63  }
0x1b: {  	_ =	swait.ge [sflag:s11], $0x1400  }
0x1c: {  	[sflag:s11] =	ssyncset.done $0x0  }
0x1d: {  	s0 =	simm.s32 $0x2800;
	[sflag:s11] =	ssyncadd.s32 $0xFFFFEC00  }
0x1e: {  	[tilespmem:s0], [sflag:$0x1] =	stream.indirect.gather [hbm4b:s1+s13], $0x80, s3, s13, $0xb8;
	[tilespmem:$0x1A800] =	vst v63  }
0x1f: {  	_ = 	snop  }
0x20: {  	[tilespmem:s15], [sflag:$0x3] =	stream.indirect.gather [hbm4b:s4+s13], $0x80, s12, s13, $0xb8;
	[tilespmem:$0x1A800] =	vst v63  }
0x21: {  	_ = 	snop  }
0x22: {  	[tilespmem:s16], [sflag:$0x2] =	stream.indirect.gather [hbm4b:s1+s13], $0x80, s13, s13, $0xb8;
	[tilespmem:$0x1A800] =	vst v63  }
0x23: {  	s29 =	simm.s32 $0x0  }
0x24: {  	[tilespmem:s18], [sflag:$0x4] =	stream.indirect.gather [hbm4b:s4+s13], $0x80, s17, s13, $0xb8;
	[tilespmem:$0x1A800] =	vst v63  }
.LBB2_2:
0x25: {  	_ =	swait.ge [sflag:s19], $0x4000  }
0x26: {  	[sflag:s19] =	ssyncset.done $0x0  }
0x27: {  	[sflag:s19] =	ssyncadd.s32 $0xFFFFC000  }
0x28: {  	_ =	swait.ge [sflag:s20], $0x4000  }
0x29: {  	p0 =	seq.s32 s29, $0x0;
	[sflag:s20] =	ssyncset.done $0x0  }
0x2a: {  	s0 =	simm.s32 @!p0 $0x5;
	[sflag:s20] =	ssyncadd.s32 $0xFFFFC000  }
0x2b: {  	_ =	swait.ge @!p0 [sflag:s0], $0x4000  }
0x2c: {  	[sflag:s0] =	ssyncset.done @!p0 $0x0  }
0x2d: {  	s31 =	simm.s32 $0x0;
	[sflag:s0] =	ssyncadd.s32 @!p0 $0xFFFFC000  }
0x2e: {  	v0 =	vld [tilespmem:s31+$0x2870]  }
0x2f: {  	v1 =	vld [tilespmem:s31+$0xA870]  }
0x30: {  	v2 =	vld [tilespmem:s31+$0x2800]  }
0x31: {  	v3 =	vld [tilespmem:s31+$0xA800]  }
0x32: {  	v4 =	vld [tilespmem:s31+$0x2810]  }
0x33: {  	v5 =	vld [tilespmem:s31+$0xA810]  }
0x34: {  	v6 =	vld [tilespmem:s31+$0x2820]  }
0x35: {  	v7 =	vld [tilespmem:s31+$0x2830]  }
0x36: {  	v0 =	vadd.f32 v1, v0;
	v1 =	vld [tilespmem:s31+$0xA820]  }
0x37: {  	v8 =	vld [tilespmem:s31+$0xA830]  }
0x38: {  	v9 =	vld [tilespmem:s31+$0xA840];
	v2 =	vadd.f32 v3, v2  }
0x39: {  	[tilespmem:s31+$0x12870] =	vst v0;
	v0 =	vadd.f32 v5, v4;
	v5 =	vld [tilespmem:s31+$0x2840]  }
0x3a: {  	v3 =	vld [tilespmem:s31+$0xA850];
	[tilespmem:s31+$0x12800] =	vst v2  }
0x3b: {  	v2 =	vld [tilespmem:s31+$0x2850];
	[tilespmem:s31+$0x12810] =	vst v0;
	v0 =	vadd.f32 v1, v6  }
0x3c: {  	v4 =	vld [tilespmem:s31+$0xA860];
	v6 =	vadd.f32 v8, v7  }
0x3d: {  	s0 =	simm.s32 $0x80;
	[tilespmem:s31+$0x12820] =	vst v0;
	v0 =	vld [tilespmem:s31+$0x2860]  }
0x3e: {  	s30 =	sshll.u32 s29, $0x1;
	s2 =	simm.s32 $0x400;
	v5 =	vadd.f32 v9, v5;
	v1 =	vld [tilespmem:s0+$0x2870];
	[tilespmem:s31+$0x12830] =	vst v6  }
.LBB2_3:
0x3f: {  	p1 =	sne.s32 s2, $0xFE00;
	v6 =	vld [tilespmem:s0+$0xA870]  }
0x40: {  	v7 =	vld [tilespmem:s0+$0x2800];
	[tilespmem:s31+$0x12840] =	vst v5;
	v2 =	vadd.f32 v3, v2  }
0x41: {  	v3 =	vld [tilespmem:s0+$0xA800]  }
0x42: {  	v5 =	vld [tilespmem:s0+$0x2810];
	[tilespmem:s31+$0x12850] =	vst v2;
	v0 =	vadd.f32 v4, v0  }
0x43: {  	v2 =	vld [tilespmem:s0+$0xA810]  }
0x44: {  	v4 =	vld [tilespmem:s0+$0x2820];
	v1 =	vadd.f32 v6, v1;
	[tilespmem:s31+$0x12860] =	vst v0;
	s31 =	smov.u32 s0  }
0x45: {  	v0 =	vld [tilespmem:s31+$0xA820]  }
0x46: {  	v3 =	vadd.f32 v3, v7;
	v6 =	vld [tilespmem:s31+$0x2830];
	[tilespmem:s31+$0x12870] =	vst v1  }
0x47: {  	v1 =	vld [tilespmem:s31+$0xA830]  }
0x48: {  	[tilespmem:s31+$0x12800] =	vst v3;
	v2 =	vadd.f32 v2, v5;
	v5 =	vld [tilespmem:s31+$0x2840]  }
0x49: {  	v7 =	vld [tilespmem:s31+$0xA840]  }
.Ltmp2:
0x4a: {  	[tilespmem:s31+$0x12810] =	vst v2;
	v0 =	vadd.f32 v0, v4;
	v2 =	vld [tilespmem:s31+$0x2850];
	(pc) =	sbr.rel @p1 .LBB2_3-.Ltmp2, $4  }
0x4b: {  	v3 =	vld [tilespmem:s31+$0xA850]  }
0x4c: {  	[tilespmem:s31+$0x12820] =	vst v0;
	v6 =	vadd.f32 v1, v6;
	v0 =	vld [tilespmem:s31+$0x2860]  }
0x4d: {  	s0 =	sshra.s32 s2, $0x2;
	v4 =	vld [tilespmem:s31+$0xA860]  }
0x4e: {  	s2 =	sadd.s32 $0x200, s2;
	v1 =	vld [tilespmem:s0+$0x2870];
	[tilespmem:s31+$0x12830] =	vst v6;
	v5 =	vadd.f32 v7, v5  }
0x4f: {  	v6 =	vld [tilespmem:s0+$0xA870]  }
0x50: {  	v7 =	vld [tilespmem:s0+$0x2800];
	[tilespmem:s31+$0x12840] =	vst v5;
	v2 =	vadd.f32 v3, v2  }
0x51: {  	v3 =	vld [tilespmem:s0+$0xA800]  }
0x52: {  	v5 =	vld [tilespmem:s0+$0x2810];
	[tilespmem:s31+$0x12850] =	vst v2;
	v0 =	vadd.f32 v4, v0  }
0x53: {  	v2 =	vld [tilespmem:s0+$0xA810]  }
0x54: {  	v4 =	vld [tilespmem:s0+$0x2820];
	[tilespmem:s31+$0x12860] =	vst v0  }
0x55: {  	v0 =	vadd.f32 v6, v1;
	v1 =	vld [tilespmem:s0+$0xA820]  }
0x56: {  	v6 =	vld [tilespmem:s0+$0x2830]  }
0x57: {  	v3 =	vadd.f32 v3, v7;
	[tilespmem:s0+$0x12870] =	vst v0;
	v0 =	vld [tilespmem:s0+$0xA830]  }
0x58: {  	v7 =	vld [tilespmem:s0+$0xA860]  }
0x59: {  	[tilespmem:s0+$0x12800] =	vst v3;
	v2 =	vadd.f32 v2, v5;
	v3 =	vld [tilespmem:s0+$0x2840]  }
0x5a: {  	v5 =	vld [tilespmem:s0+$0xA840]  }
0x5b: {  	[tilespmem:s0+$0x12810] =	vst v2;
	v1 =	vadd.f32 v1, v4;
	v2 =	vld [tilespmem:s0+$0x2850]  }
0x5c: {  	v4 =	vld [tilespmem:s0+$0xA850]  }
0x5d: {  	[tilespmem:s0+$0x12820] =	vst v1;
	v1 =	vld [tilespmem:s0+$0x2860];
	_ =	sdelay $0x1  }
0x5e: {  	v0 =	vadd.f32 v0, v6  }
0x5f: {  	v3 =	vadd.f32 v5, v3  }
0x60: {  	[tilespmem:s0+$0x12830] =	vst v0;
	v0 =	vadd.f32 v4, v2  }
0x61: {  	s2 =	sadd.s32 s5, s30;
	[tilespmem:s0+$0x12840] =	vst v3;
	v1 =	vadd.f32 v7, v1  }
0x62: {  	p1 =	seq.s32 s29, $0x13;
	s2 =	sshll.u32 s2, $0xB;
	[tilespmem:s0+$0x12850] =	vst v0  }
0x63: {  	s14 =	sadd.s32 s6, s2;
	[tilespmem:s0+$0x12860] =	vst v1;
	s0 =	sshll.u32 @!p1 s29, $0x8  }
0x64: {  	[hbm4b:s14+s3] =	stream.linear.scatter [tilespmem:s21], [sflag:$0x5], $0x4000, $0x38;
	[tilespmem:$0x1A800] =	vst v63  }
0x65: {  	s31 =	simm.s32 @!p1 $0x80;
	s2 =	sadd.s32 @!p1 $0x100, s0;
	s14 =	simm.s32 @!p1 $0x2800  }
0x66: {  	[tilespmem:s14], [sflag:$0x1] =	stream.indirect.gather @!p1 [hbm4b:s1+s31], $0x80, s2, s31, $0xb8;
	[tilespmem:$0x1A800] =	vst v63  }
0x67: {  	s0 =	sadd.s32 @!p1 $0x1500, s0;
	s2 =	simm.s32 @!p1 $0xA800  }
0x68: {  	[tilespmem:s2], [sflag:$0x3] =	stream.indirect.gather @!p1 [hbm4b:s4+s31], $0x80, s0, s31, $0xb8;
	[tilespmem:$0x1A800] =	vst v63  }
0x69: {  	_ =	swait.ge [sflag:s22], $0x4000  }
0x6a: {  	[sflag:s22] =	ssyncset.done $0x0  }
0x6b: {  	[sflag:s22] =	ssyncadd.s32 $0xFFFFC000  }
0x6c: {  	_ =	swait.ge [sflag:s23], $0x4000  }
0x6d: {  	[sflag:s23] =	ssyncset.done $0x0  }
0x6e: {  	s0 =	simm.s32 @!p0 $0x6;
	[sflag:s23] =	ssyncadd.s32 $0xFFFFC000  }
0x6f: {  	_ =	swait.ge @!p0 [sflag:s0], $0x4000  }
0x70: {  	[sflag:s0] =	ssyncset.done @!p0 $0x0  }
0x71: {  	s31 =	simm.s32 $0x0;
	[sflag:s0] =	ssyncadd.s32 @!p0 $0xFFFFC000  }
0x72: {  	v0 =	vld [tilespmem:s31+$0x6870]  }
0x73: {  	v1 =	vld [tilespmem:s31+$0xE870]  }
0x74: {  	v2 =	vld [tilespmem:s31+$0x6800]  }
0x75: {  	v3 =	vld [tilespmem:s31+$0xE800]  }
0x76: {  	v4 =	vld [tilespmem:s31+$0x6810]  }
0x77: {  	v5 =	vld [tilespmem:s31+$0xE810]  }
0x78: {  	v6 =	vld [tilespmem:s31+$0x6820]  }
0x79: {  	v7 =	vld [tilespmem:s31+$0x6830]  }
0x7a: {  	v0 =	vadd.f32 v1, v0;
	v1 =	vld [tilespmem:s31+$0xE820]  }
0x7b: {  	v8 =	vld [tilespmem:s31+$0xE830]  }
0x7c: {  	v9 =	vld [tilespmem:s31+$0xE840];
	v2 =	vadd.f32 v3, v2  }
0x7d: {  	[tilespmem:s31+$0x16870] =	vst v0;
	v0 =	vadd.f32 v5, v4;
	v5 =	vld [tilespmem:s31+$0x6840]  }
0x7e: {  	v3 =	vld [tilespmem:s31+$0xE850];
	[tilespmem:s31+$0x16800] =	vst v2  }
0x7f: {  	v2 =	vld [tilespmem:s31+$0x6850];
	[tilespmem:s31+$0x16810] =	vst v0;
	v0 =	vadd.f32 v1, v6  }
0x80: {  	v4 =	vld [tilespmem:s31+$0xE860];
	v6 =	vadd.f32 v8, v7  }
0x81: {  	s0 =	simm.s32 $0x80;
	[tilespmem:s31+$0x16820] =	vst v0;
	v0 =	vld [tilespmem:s31+$0x6860]  }
0x82: {  	s2 =	simm.s32 $0x400;
	v5 =	vadd.f32 v9, v5;
	v1 =	vld [tilespmem:s0+$0x6870];
	[tilespmem:s31+$0x16830] =	vst v6  }
.LBB2_5:
0x83: {  	p0 =	sne.s32 s2, $0xFE00;
	v6 =	vld [tilespmem:s0+$0xE870]  }
0x84: {  	v7 =	vld [tilespmem:s0+$0x6800];
	[tilespmem:s31+$0x16840] =	vst v5;
	v2 =	vadd.f32 v3, v2  }
0x85: {  	v3 =	vld [tilespmem:s0+$0xE800]  }
0x86: {  	v5 =	vld [tilespmem:s0+$0x6810];
	[tilespmem:s31+$0x16850] =	vst v2;
	v0 =	vadd.f32 v4, v0  }
0x87: {  	v2 =	vld [tilespmem:s0+$0xE810]  }
0x88: {  	v4 =	vld [tilespmem:s0+$0x6820];
	v1 =	vadd.f32 v6, v1;
	[tilespmem:s31+$0x16860] =	vst v0;
	s31 =	smov.u32 s0  }
0x89: {  	v0 =	vld [tilespmem:s31+$0xE820]  }
0x8a: {  	v3 =	vadd.f32 v3, v7;
	v6 =	vld [tilespmem:s31+$0x6830];
	[tilespmem:s31+$0x16870] =	vst v1  }
0x8b: {  	v1 =	vld [tilespmem:s31+$0xE830]  }
0x8c: {  	[tilespmem:s31+$0x16800] =	vst v3;
	v2 =	vadd.f32 v2, v5;
	v5 =	vld [tilespmem:s31+$0x6840]  }
0x8d: {  	v7 =	vld [tilespmem:s31+$0xE840]  }
.Ltmp3:
0x8e: {  	[tilespmem:s31+$0x16810] =	vst v2;
	v0 =	vadd.f32 v0, v4;
	v2 =	vld [tilespmem:s31+$0x6850];
	(pc) =	sbr.rel @p0 .LBB2_5-.Ltmp3, $4  }
0x8f: {  	v3 =	vld [tilespmem:s31+$0xE850]  }
0x90: {  	[tilespmem:s31+$0x16820] =	vst v0;
	v6 =	vadd.f32 v1, v6;
	v0 =	vld [tilespmem:s31+$0x6860]  }
0x91: {  	s0 =	sshra.s32 s2, $0x2;
	v4 =	vld [tilespmem:s31+$0xE860]  }
0x92: {  	s2 =	sadd.s32 $0x200, s2;
	v1 =	vld [tilespmem:s0+$0x6870];
	[tilespmem:s31+$0x16830] =	vst v6;
	v5 =	vadd.f32 v7, v5  }
0x93: {  	v6 =	vld [tilespmem:s0+$0xE870]  }
0x94: {  	v7 =	vld [tilespmem:s0+$0x6800];
	[tilespmem:s31+$0x16840] =	vst v5;
	v2 =	vadd.f32 v3, v2  }
0x95: {  	v51 =	vld [tilespmem:s0+$0xE800]  }
0x96: {  	v5 =	vld [tilespmem:s0+$0x6810];
	[tilespmem:s31+$0x16850] =	vst v2;
	v0 =	vadd.f32 v4, v0  }
0x97: {  	v2 =	vld [tilespmem:s0+$0xE810]  }
0x98: {  	v52 =	vld [tilespmem:s0+$0x6820];
	[tilespmem:s31+$0x16860] =	vst v0  }
0x99: {  	v54 =	vld [tilespmem:s0+$0xE820]  }
0x9a: {  	v55 =	vld [tilespmem:s0+$0x6830]  }
0x9b: {  	v56 =	vld [tilespmem:s0+$0xE830]  }
0x9c: {  	v57 =	vld [tilespmem:s0+$0x6840]  }
0x9d: {  	v58 =	vld [tilespmem:s0+$0xE840]  }
0x9e: {  	v59 =	vld [tilespmem:s0+$0x6850]  }
0x9f: {  	v53 =	vadd.f32 v6, v1;
	v60 =	vld [tilespmem:s0+$0xE850]  }
0xa0: {  	v61 =	vld [tilespmem:s0+$0x6860];
	v3 =	vadd.f32 v51, v7  }
0xa1: {  	v62 =	vld [tilespmem:s0+$0xE860];
	[tilespmem:s0+$0x16870] =	vst v53;
	v2 =	vadd.f32 v2, v5  }
0xa2: {  	[tilespmem:s0+$0x16800] =	vst v3;
	v1 =	vadd.f32 v54, v52  }
0xa3: {  	[tilespmem:s0+$0x16810] =	vst v2;
	v0 =	vadd.f32 v56, v55  }
0xa4: {  	v3 =	vadd.f32 v58, v57;
	[tilespmem:s0+$0x16820] =	vst v1  }
.Ltmp4:
0xa5: {  	s2 =	sadd.s32 s30, s9;
	v63 =	vadd.f32 v60, v59;
	[tilespmem:s0+$0x16830] =	vst v0;
	(pc) =	sbr.rel @p1 .LBB2_8-.Ltmp4, $4  }
0xa6: {  	s2 =	sshll.u32 s2, $0xB;
	[tilespmem:s0+$0x16840] =	vst v3;
	v1 =	vadd.f32 v62, v61  }
0xa7: {  	s2 =	sand.u32 $0x1FFFF800, s2;
	[tilespmem:s0+$0x16850] =	vst v63  }
0xa8: {  	s31 =	sadd.s32 s6, s2;
	[tilespmem:s0+$0x16860] =	vst v1  }
0xa9: {  	[hbm4b:s31+s3] =	stream.linear.scatter [tilespmem:s24], [sflag:$0x6], $0x4000, $0x38;
	[tilespmem:$0x1A800] =	vst v63  }
.Ltmp5:
0xaa: {  	s0 =	sshll.u32 s29, $0x8;
	(pc) =	sbr.rel .LBB2_2-.Ltmp5, $4  }
0xab: {  	s2 =	sadd.s32 $0x180, s0  }
0xac: {  	[tilespmem:s16], [sflag:$0x2] =	stream.indirect.gather [hbm4b:s1+s13], $0x80, s2, s13, $0xb8;
	[tilespmem:$0x1A800] =	vst v63  }
0xad: {  	s29 =	sadd.s32 $0x1, s29;
	s0 =	sadd.s32 $0x1580, s0  }
0xae: {  	[tilespmem:s18], [sflag:$0x4] =	stream.indirect.gather [hbm4b:s4+s13], $0x80, s0, s13, $0xb8;
	[tilespmem:$0x1A800] =	vst v63  }
.LBB2_9:
0xaf: {  	_ =	sfence.sel $0x180000  }
0xb0: {  	[bflag:$0x0] =	sbarrier.arrive $0xFFFF  }
0xb1: {  	_ =	strace $0x90000050  }
0xb2: {  	s0 =	stileid.u32;
	[bflag:$0x2] =	sbarrier.arrive $0xFFFF  }
0xb3: {  	p0 =	sne.s32 s0, $0x0;
	s0 =	rddreg [dreg:$0x2]  }
0xb4: {  	s0 =	sadd.s32 @!p0 $0x100000, s0  }
0xb5: {  	[sflag:s0] =	ssyncadd.tile.s32 @!p0 $0x1;
	_ =	shalt  }
.Lfunc_end2:
_tile_overlayer_lowered:
.L_overlay_start_2:
0xb6: {  	(tag) =	ssettag $0x2  }
0xb7: {  	s0 =	rddreg [dreg:$0x0];
	s2 =	stileid.u32  }
0xb8: {  	s1 =	rddreg [dreg:$0x1];
	p0 =	sne.s32 s2, $0x0  }
0xb9: {  	s3 =	rddreg [dreg:$0x2];
	[bflag:$0x3] =	sbarrier.arrive $0xFFFF;
	s2 =	simm.s32 @!p0 $0x1C07  }
0xba: {  	[timem:s3], [sflag:s2] =	dma.local @!p0 [hbm:s0], s1  }
0xbb: {  	s0 =	simm.s32 @!p0 $0x7  }
0xbc: {  	_ =	swait.ge @!p0 [sflag:s0], s1  }
0xbd: {  	s1 =	ssub.s32 @!p0 $0x0, s1;
	[sflag:s0] =	ssyncset.done @!p0 $0x0  }
0xbe: {  	[sflag:s0] =	ssyncadd.s32 @!p0 s1  }
0xbf: {  	[bflag:$0x3] =	sbarrier.arrive $0xFFFF  }
0xc0: {  	_ =	shalt  }

</sc_bundles>
